<compile_context>
chip_gen: v7x
topology: tpu7x:2x2x1
jax: 0.10.2.dev20260603
libtpu: 0.0.44.dev20260713+nightly
codegen_flags: <defaults>
</compile_context>

<pallas_src>
import functools

import jax
import jax.numpy as jnp
from jax import lax
from jax.experimental import pallas as pl
from jax.experimental.pallas import tpu as pltpu
from jax.experimental.pallas import tpu_sc as plsc

_CHUNK = 128
_WCOL = 16
_NC, _NS = 2, 16
_NW = _NC * _NS
_BR = 1024
_K = 5
_K2 = 8

_UNTILED = pltpu.CompilerParams(use_tc_tiling_on_sc=False)


def _sc_mesh():
    return plsc.VectorSubcoreMesh(core_axis_name="c", subcore_axis_name="s",
                                  num_cores=_NC, num_subcores=_NS)


def _deg_kernel(n_pad, cpw):
    rps = n_pad // _NS

    @functools.partial(
        pl.kernel,
        out_type=jax.ShapeDtypeStruct((_NC, n_pad, _WCOL), jnp.float32),
        mesh=_sc_mesh(),
        compiler_params=_UNTILED,
        scratch_types=(
            [pltpu.VMEM((cpw, _CHUNK), jnp.int32),
             pltpu.VMEM((_CHUNK, _WCOL), jnp.float32),
             pltpu.VMEM_SHARED((n_pad, _WCOL), jnp.float32)]
            + [pltpu.SemaphoreType.DMA] * _K2
        ),
    )
    def deg_kernel(dst_hbm, ones_hbm, zeros_hbm, out_hbm, dst_idx, ones_v, acc,
                   *sems):
        c = lax.axis_index("c")
        s = lax.axis_index("s")
        w = s * _NC + c
        stripe = pl.ds(s * rps, rps)
        pltpu.sync_copy(zeros_hbm.at[stripe], acc.at[stripe])
        pltpu.sync_copy(ones_hbm, ones_v)
        pltpu.sync_copy(dst_hbm.at[w], dst_idx)
        plsc.subcore_barrier()

        @pl.loop(0, cpw, step=_K2)
        def _(j):
            descs = [pltpu.async_copy(ones_v, acc.at[dst_idx.at[j + b]],
                                      sems[b], add=True) for b in range(_K2)]
            for dsc in descs:
                dsc.wait()

        plsc.subcore_barrier()
        pltpu.sync_copy(acc.at[stripe], out_hbm.at[c, stripe])

    return deg_kernel


def _pipelined_edge_loop(k, cpw, rows_src, src_idx, dst_idx, rows_v, acc,
                         gsem, ssem):
    for b in range(k):
        pltpu.async_copy(rows_src.at[src_idx.at[b]], rows_v.at[b], gsem[b])

    @pl.loop(0, cpw, step=k)
    def _(j):
        scat = []
        for b in range(k):
            pltpu.make_async_copy(rows_src.at[src_idx.at[j + b]],
                                  rows_v.at[b], gsem[b]).wait()
            scat.append(pltpu.async_copy(rows_v.at[b],
                                         acc.at[dst_idx.at[j + b]],
                                         ssem[b], add=True))
        for b in range(k):
            scat[b].wait()

            @pl.when(j + k + b < cpw)
            def _():
                pltpu.async_copy(rows_src.at[src_idx.at[j + k + b]],
                                 rows_v.at[b], gsem[b])


def _scatter_cols_kernel(n_pad, cps, width):
    rps = n_pad // _NS

    @functools.partial(
        pl.kernel,
        out_type=jax.ShapeDtypeStruct((_NC, n_pad, width), jnp.float32),
        mesh=_sc_mesh(),
        compiler_params=_UNTILED,
        scratch_types=(
            [pltpu.VMEM((cps, _CHUNK), jnp.int32),
             pltpu.VMEM((cps, _CHUNK), jnp.int32),
             pltpu.VMEM((_K, _CHUNK, width), jnp.float32),
             pltpu.VMEM_SHARED((n_pad, width), jnp.float32)]
            + [pltpu.SemaphoreType.DMA] * (2 * _K)
        ),
    )
    def scatter_kernel(rows_hbm, src_hbm, dst_hbm, zeros_hbm, out_hbm,
                       src_idx, dst_idx, rows_v, acc, *sems):
        c = lax.axis_index("c")
        s = lax.axis_index("s")
        stripe = pl.ds(s * rps, rps)
        pltpu.sync_copy(zeros_hbm.at[stripe], acc.at[stripe])
        pltpu.sync_copy(src_hbm.at[s], src_idx)
        pltpu.sync_copy(dst_hbm.at[s], dst_idx)
        plsc.subcore_barrier()
        _pipelined_edge_loop(_K, cps, rows_hbm.at[c], src_idx, dst_idx,
                             rows_v, acc, sems[:_K], sems[_K:])
        plsc.subcore_barrier()
        pltpu.sync_copy(acc.at[stripe], out_hbm.at[c, stripe])

    return scatter_kernel


def _scatter_kernel(n_pad, cpw, width):
    rps = n_pad // _NS

    @functools.partial(
        pl.kernel,
        out_type=jax.ShapeDtypeStruct((_NC, n_pad, width), jnp.float32),
        mesh=_sc_mesh(),
        compiler_params=_UNTILED,
        scratch_types=(
            [pltpu.VMEM((cpw, _CHUNK), jnp.int32),
             pltpu.VMEM((cpw, _CHUNK), jnp.int32),
             pltpu.VMEM((_K2, _CHUNK, width), jnp.float32),
             pltpu.VMEM_SHARED((n_pad, width), jnp.float32)]
            + [pltpu.SemaphoreType.DMA] * (2 * _K2)
        ),
    )
    def scatter_kernel(rows_hbm, src_hbm, dst_hbm, zeros_hbm, out_hbm,
                       src_idx, dst_idx, rows_v, acc, *sems):
        c = lax.axis_index("c")
        s = lax.axis_index("s")
        w = s * _NC + c
        stripe = pl.ds(s * rps, rps)
        pltpu.sync_copy(zeros_hbm.at[stripe], acc.at[stripe])
        pltpu.sync_copy(src_hbm.at[w], src_idx)
        pltpu.sync_copy(dst_hbm.at[w], dst_idx)
        plsc.subcore_barrier()
        _pipelined_edge_loop(_K2, cpw, rows_hbm, src_idx, dst_idx, rows_v,
                             acc, sems[:_K2], sems[_K2:])
        plsc.subcore_barrier()
        pltpu.sync_copy(acc.at[stripe], out_hbm.at[c, stripe])

    return scatter_kernel


def _dis_from(degp0, degp1):
    deg = degp0[:, 0:1] + degp1[:, 0:1] + 1.0
    return lax.rsqrt(deg)


def _mm_body(x_ref, w1_ref, h1_ref):
    h1_ref[...] = jnp.dot(x_ref[...], w1_ref[...],
                          preferred_element_type=jnp.float32)


def _scale_body(h1_ref, degp_ref, hs2_ref):
    dis = _dis_from(degp_ref[0], degp_ref[1])
    hs = h1_ref[...] * dis
    half = hs.shape[1] // _NC
    for c in range(_NC):
        hs2_ref[c] = hs[:, c * half:(c + 1) * half]


def _dense2_body(p_ref, hs2_ref, degp_ref, b1_ref, w28_ref, ys8_ref):
    dis = _dis_from(degp_ref[0], degp_ref[1])
    acc = jnp.concatenate([p_ref[0] + hs2_ref[0], p_ref[1] + hs2_ref[1]],
                          axis=1)
    out1 = jnp.maximum(acc * dis + b1_ref[...], 0.0)
    ys8_ref[...] = jnp.dot(out1, w28_ref[...],
                           preferred_element_type=jnp.float32) * dis


def _final_body(p2_ref, ys8_ref, degp_ref, b28_ref, out_ref):
    dis = _dis_from(degp_ref[0], degp_ref[1])
    out_ref[...] = (p2_ref[0] + p2_ref[1] + ys8_ref[...]) * dis + b28_ref[...]


def kernel(x, edge_index, W1, b1, W2, b2):
    n, d = x.shape
    h = W1.shape[1]
    e = edge_index.shape[1]
    f32 = jnp.float32
    half = h // _NC

    n_pad = ((n + _CHUNK) + _BR - 1) // _BR * _BR
    grid = n_pad // _BR
    grp = _CHUNK * _K2
    e_pad = (e + _NW * grp - 1) // (_NW * grp) * (_NW * grp)
    cps = e_pad // _NS // _CHUNK
    cpw = cps // _NC

    x_p = jnp.zeros((n_pad, d), f32).at[:n].set(x)
    pad = n + (jnp.arange(e_pad - e, dtype=jnp.int32) % _CHUNK)
    src_f = jnp.concatenate([edge_index[0], pad])
    dst_f = jnp.concatenate([edge_index[1], pad])
    src16 = src_f.reshape(_NS, cps, _CHUNK)
    dst16 = dst_f.reshape(_NS, cps, _CHUNK)
    src32 = src_f.reshape(_NW, cpw, _CHUNK)
    dst32 = dst_f.reshape(_NW, cpw, _CHUNK)
    ones16 = jnp.ones((_CHUNK, _WCOL), f32)
    zeros16 = jnp.zeros((n_pad, _WCOL), f32)
    zerosh = jnp.zeros((n_pad, half), f32)
    w28 = jnp.broadcast_to(W2, (h, _WCOL)) if W2.shape[1] == 1 else W2
    b1r = b1.reshape(1, h)
    b28 = jnp.broadcast_to(b2.reshape(1, 1), (1, _WCOL))

    degp = _deg_kernel(n_pad, cpw)(dst32, ones16, zeros16)

    h1 = pl.pallas_call(
        _mm_body,
        grid=(grid,),
        in_specs=[
            pl.BlockSpec((_BR, d), lambda i: (i, 0)),
            pl.BlockSpec((d, h), lambda i: (0, 0)),
        ],
        out_specs=pl.BlockSpec((_BR, h), lambda i: (i, 0)),
        out_shape=jax.ShapeDtypeStruct((n_pad, h), f32),
    )(x_p, W1)

    hs2 = pl.pallas_call(
        _scale_body,
        grid=(grid,),
        in_specs=[
            pl.BlockSpec((_BR, h), lambda i: (i, 0)),
            pl.BlockSpec((_NC, _BR, _WCOL), lambda i: (0, i, 0)),
        ],
        out_specs=pl.BlockSpec((_NC, _BR, half), lambda i: (0, i, 0)),
        out_shape=jax.ShapeDtypeStruct((_NC, n_pad, half), f32),
    )(h1, degp)

    p1 = _scatter_cols_kernel(n_pad, cps, half)(hs2, src16, dst16, zerosh)

    ys8 = pl.pallas_call(
        _dense2_body,
        grid=(grid,),
        in_specs=[
            pl.BlockSpec((_NC, _BR, half), lambda i: (0, i, 0)),
            pl.BlockSpec((_NC, _BR, half), lambda i: (0, i, 0)),
            pl.BlockSpec((_NC, _BR, _WCOL), lambda i: (0, i, 0)),
            pl.BlockSpec((1, h), lambda i: (0, 0)),
            pl.BlockSpec((h, _WCOL), lambda i: (0, 0)),
        ],
        out_specs=pl.BlockSpec((_BR, _WCOL), lambda i: (i, 0)),
        out_shape=jax.ShapeDtypeStruct((n_pad, _WCOL), f32),
    )(p1, hs2, degp, b1r, w28)

    p2 = _scatter_kernel(n_pad, cpw, _WCOL)(ys8, src32, dst32, zeros16)

    out8 = pl.pallas_call(
        _final_body,
        grid=(grid,),
        in_specs=[
            pl.BlockSpec((_NC, _BR, _WCOL), lambda i: (0, i, 0)),
            pl.BlockSpec((_BR, _WCOL), lambda i: (i, 0)),
            pl.BlockSpec((_NC, _BR, _WCOL), lambda i: (0, i, 0)),
            pl.BlockSpec((1, _WCOL), lambda i: (0, 0)),
        ],
        out_specs=pl.BlockSpec((_BR, _WCOL), lambda i: (i, 0)),
        out_shape=jax.ShapeDtypeStruct((n_pad, _WCOL), f32),
    )(p2, ys8, degp, b28)

    return out8[:n, 0]

# --- scband reference (transcript-rebuilt; emitter-appended) ---
"""Pipeline reference for scband-gcnreg-33406255628686 (READ-ONLY COPY).

The authoritative reference and input builder live on the scoring server;
editing this copy changes nothing except your own understanding.
"""

import jax, jax.numpy as jnp
import numpy as np

N = 10000
E = 320000
D = 128
H = 128


def setup_inputs(seed: int = 0) -> dict:
    key = jax.random.key(seed)
    k1, k2, k3, k4 = jax.random.split(key, 4)
    x = jax.random.normal(k1, (N, D), dtype=jnp.float32)
    edge_index = jax.random.randint(k2, (2, E), 0, N, dtype=jnp.int32)
    W1 = jax.random.normal(k3, (D, H), dtype=jnp.float32) * (1.0 / np.sqrt(D))
    b1 = jnp.zeros((H,), dtype=jnp.float32)
    W2 = jax.random.normal(k4, (H, 1), dtype=jnp.float32) * (1.0 / np.sqrt(H))
    b2 = jnp.zeros((1,), dtype=jnp.float32)
    return {"x": x, "edge_index": edge_index, "W1": W1, "b1": b1, "W2": W2, "b2": b2}


def _gcn_conv(x, src, dst, W, b):
    # GCNConv: out = D^{-1/2} (A + I) D^{-1/2} X W + b  (self-loops already appended)
    n = x.shape[0]
    deg = jnp.zeros((n,), dtype=x.dtype).at[dst].add(1.0)
    deg_inv_sqrt = jnp.power(deg, -0.5)
    deg_inv_sqrt = jnp.where(jnp.isinf(deg_inv_sqrt), 0.0, deg_inv_sqrt)
    norm = deg_inv_sqrt[src] * deg_inv_sqrt[dst]
    h = x @ W
    msg = h[src] * norm[:, None]
    out = jnp.zeros((n, W.shape[1]), dtype=x.dtype).at[dst].add(msg)
    return out + b


def reference(x, edge_index, W1, b1, W2, b2):
    n = x.shape[0]
    loops = jnp.arange(n, dtype=edge_index.dtype)
    src = jnp.concatenate([edge_index[0], loops])
    dst = jnp.concatenate([edge_index[1], loops])
    h = _gcn_conv(x, src, dst, W1, b1)
    h = jax.nn.relu(h)
    # dropout is identity in eval mode
    h = _gcn_conv(h, src, dst, W2, b2)
    return jnp.squeeze(h, -1)

if __name__ == "__main__":
    import jax
    _d = setup_inputs()
    print(jax.jit(kernel)(*tuple(_d.values())))

</pallas_src>

<mosaic_0001>
#map = affine_map<(d0, d1) -> (0, 0)>
#map1 = affine_map<(d0, d1) -> (0, 0, 0)>
module attributes {stable_mosaic.version = 14 : i64} {
  func.func @scatter_kernel(%arg0: i32, %arg1: i32, %arg2: memref<10240x16xf32, #tpu.memory_space<hbm>>, %arg3: memref<32x80x128xi32, #tpu.memory_space<hbm>>, %arg4: memref<32x80x128xi32, #tpu.memory_space<hbm>>, %arg5: memref<10240x16xf32, #tpu.memory_space<hbm>>, %arg6: memref<2x10240x16xf32, #tpu.memory_space<hbm>>, %arg7: memref<80x128xi32, #tpu.memory_space<vmem>>, %arg8: memref<80x128xi32, #tpu.memory_space<vmem>>, %arg9: memref<8x128x16xf32, #tpu.memory_space<vmem>>, %arg10: memref<10240x16xf32, #tpu.memory_space<vmem_shared>>, %arg11: memref<!tpu.dma_semaphore, #tpu.memory_space<semaphore_mem>>, %arg12: memref<!tpu.dma_semaphore, #tpu.memory_space<semaphore_mem>>, %arg13: memref<!tpu.dma_semaphore, #tpu.memory_space<semaphore_mem>>, %arg14: memref<!tpu.dma_semaphore, #tpu.memory_space<semaphore_mem>>, %arg15: memref<!tpu.dma_semaphore, #tpu.memory_space<semaphore_mem>>, %arg16: memref<!tpu.dma_semaphore, #tpu.memory_space<semaphore_mem>>, %arg17: memref<!tpu.dma_semaphore, #tpu.memory_space<semaphore_mem>>, %arg18: memref<!tpu.dma_semaphore, #tpu.memory_space<semaphore_mem>>, %arg19: memref<!tpu.dma_semaphore, #tpu.memory_space<semaphore_mem>>, %arg20: memref<!tpu.dma_semaphore, #tpu.memory_space<semaphore_mem>>, %arg21: memref<!tpu.dma_semaphore, #tpu.memory_space<semaphore_mem>>, %arg22: memref<!tpu.dma_semaphore, #tpu.memory_space<semaphore_mem>>, %arg23: memref<!tpu.dma_semaphore, #tpu.memory_space<semaphore_mem>>, %arg24: memref<!tpu.dma_semaphore, #tpu.memory_space<semaphore_mem>>, %arg25: memref<!tpu.dma_semaphore, #tpu.memory_space<semaphore_mem>>, %arg26: memref<!tpu.dma_semaphore, #tpu.memory_space<semaphore_mem>>) attributes {dimension_semantics = [#tpu.dimension_semantics<core_parallel>, #tpu.dimension_semantics<subcore_parallel>], iteration_bounds = array<i64: 2, 16>, scalar_prefetch = 0 : i64, scratch_operands = 20 : i64, tpu.core_type = #tpu.core_type<sc_vector_subcore>, window_params = [{transform_indices = #map}, {transform_indices = #map1}, {transform_indices = #map1}, {transform_indices = #map}, {transform_indices = #map1}]} {
    %mul3A = arith.constant 2 : i32
    %mul3A_0 = arith.muli %arg1, %mul3A : i32
    %add3A = arith.addi %mul3A_0, %arg0 : i32
    %mul3A_1 = arith.constant 640 : i32
    %mul3A_2 = arith.muli %arg1, %mul3A_1 : i32
    "tpu.region"() ({
      %run_scoped3A = tpu.sem_alloc : memref<!tpu.dma_semaphore, #tpu.memory_space<semaphore_mem>>
      %dma_start3A_103 = arith.constant 0 : i32
      %dma_start3A_104 = tpu.memref_slice %arg10[%mul3A_2, %dma_start3A_103] : memref<10240x16xf32, #tpu.memory_space<vmem_shared>> -> memref<640x16xf32, #tpu.memory_space<vmem_shared>>
      %dma_start3A_105 = arith.constant 0 : i32
      %dma_start3A_106 = tpu.memref_slice %arg5[%mul3A_2, %dma_start3A_105] : memref<10240x16xf32, #tpu.memory_space<hbm>> -> memref<640x16xf32, #tpu.memory_space<hbm>>
      tpu.enqueue_dma source(%dma_start3A_106 : memref<640x16xf32, #tpu.memory_space<hbm>>) target(%dma_start3A_104 : memref<640x16xf32, #tpu.memory_space<vmem_shared>>) target_semaphore(%run_scoped3A : memref<!tpu.dma_semaphore, #tpu.memory_space<semaphore_mem>>)
      %dma_wait3A = arith.constant 0 : i32
      %dma_wait3A_107 = tpu.memref_slice %arg10[%mul3A_2, %dma_wait3A] : memref<10240x16xf32, #tpu.memory_space<vmem_shared>> -> memref<640x16xf32, #tpu.memory_space<vmem_shared>>
      %dma_wait3A_108 = arith.constant 0 : i32
      %dma_wait3A_109 = tpu.memref_slice %arg5[%mul3A_2, %dma_wait3A_108] : memref<10240x16xf32, #tpu.memory_space<hbm>> -> memref<640x16xf32, #tpu.memory_space<hbm>>
      tpu.wait_dma2 semaphore(%run_scoped3A : memref<!tpu.dma_semaphore, #tpu.memory_space<semaphore_mem>>) src(%dma_wait3A_109 : memref<640x16xf32, #tpu.memory_space<hbm>>) dst(%dma_wait3A_107 : memref<640x16xf32, #tpu.memory_space<vmem_shared>>)
      tpu.yield
    }) : () -> ()
    "tpu.region"() ({
      %run_scoped3A = tpu.sem_alloc : memref<!tpu.dma_semaphore, #tpu.memory_space<semaphore_mem>>
      %dma_start3A_103 = arith.constant 0 : i32
      %dma_start3A_104 = arith.constant 0 : i32
      %dma_start3A_105 = tpu.memref_slice %arg3[%add3A, %dma_start3A_103, %dma_start3A_104] : memref<32x80x128xi32, #tpu.memory_space<hbm>> -> memref<1x80x128xi32, #tpu.memory_space<hbm>>
      %dma_start3A_106 = tpu.memref_squeeze %dma_start3A_105 : memref<1x80x128xi32, #tpu.memory_space<hbm>> -> memref<80x128xi32, #tpu.memory_space<hbm>>
      %dma_start3A_107 = arith.constant 0 : i32
      %dma_start3A_108 = arith.constant 0 : i32
      %dma_start3A_109 = tpu.memref_slice %arg3[%add3A, %dma_start3A_107, %dma_start3A_108] : memref<32x80x128xi32, #tpu.memory_space<hbm>> -> memref<1x80x128xi32, #tpu.memory_space<hbm>>
      %dma_start3A_110 = tpu.memref_squeeze %dma_start3A_109 : memref<1x80x128xi32, #tpu.memory_space<hbm>> -> memref<80x128xi32, #tpu.memory_space<hbm>>
      tpu.enqueue_dma source(%dma_start3A_110 : memref<80x128xi32, #tpu.memory_space<hbm>>) target(%arg7 : memref<80x128xi32, #tpu.memory_space<vmem>>) target_semaphore(%run_scoped3A : memref<!tpu.dma_semaphore, #tpu.memory_space<semaphore_mem>>)
      %dma_wait3A = arith.constant 0 : i32
      %dma_wait3A_111 = arith.constant 0 : i32
      %dma_wait3A_112 = tpu.memref_slice %arg3[%add3A, %dma_wait3A, %dma_wait3A_111] : memref<32x80x128xi32, #tpu.memory_space<hbm>> -> memref<1x80x128xi32, #tpu.memory_space<hbm>>
      %dma_wait3A_113 = tpu.memref_squeeze %dma_wait3A_112 : memref<1x80x128xi32, #tpu.memory_space<hbm>> -> memref<80x128xi32, #tpu.memory_space<hbm>>
      %dma_wait3A_114 = arith.constant 0 : i32
      %dma_wait3A_115 = arith.constant 0 : i32
      %dma_wait3A_116 = tpu.memref_slice %arg3[%add3A, %dma_wait3A_114, %dma_wait3A_115] : memref<32x80x128xi32, #tpu.memory_space<hbm>> -> memref<1x80x128xi32, #tpu.memory_space<hbm>>
      %dma_wait3A_117 = tpu.memref_squeeze %dma_wait3A_116 : memref<1x80x128xi32, #tpu.memory_space<hbm>> -> memref<80x128xi32, #tpu.memory_space<hbm>>
      tpu.wait_dma2 semaphore(%run_scoped3A : memref<!tpu.dma_semaphore, #tpu.memory_space<semaphore_mem>>) src(%dma_wait3A_117 : memref<80x128xi32, #tpu.memory_space<hbm>>) dst(%arg7 : memref<80x128xi32, #tpu.memory_space<vmem>>)
      tpu.yield
    }) : () -> ()
    "tpu.region"() ({
      %run_scoped3A = tpu.sem_alloc : memref<!tpu.dma_semaphore, #tpu.memory_space<semaphore_mem>>
      %dma_start3A_103 = arith.constant 0 : i32
      %dma_start3A_104 = arith.constant 0 : i32
      %dma_start3A_105 = tpu.memref_slice %arg4[%add3A, %dma_start3A_103, %dma_start3A_104] : memref<32x80x128xi32, #tpu.memory_space<hbm>> -> memref<1x80x128xi32, #tpu.memory_space<hbm>>
      %dma_start3A_106 = tpu.memref_squeeze %dma_start3A_105 : memref<1x80x128xi32, #tpu.memory_space<hbm>> -> memref<80x128xi32, #tpu.memory_space<hbm>>
      %dma_start3A_107 = arith.constant 0 : i32
      %dma_start3A_108 = arith.constant 0 : i32
      %dma_start3A_109 = tpu.memref_slice %arg4[%add3A, %dma_start3A_107, %dma_start3A_108] : memref<32x80x128xi32, #tpu.memory_space<hbm>> -> memref<1x80x128xi32, #tpu.memory_space<hbm>>
      %dma_start3A_110 = tpu.memref_squeeze %dma_start3A_109 : memref<1x80x128xi32, #tpu.memory_space<hbm>> -> memref<80x128xi32, #tpu.memory_space<hbm>>
      tpu.enqueue_dma source(%dma_start3A_110 : memref<80x128xi32, #tpu.memory_space<hbm>>) target(%arg8 : memref<80x128xi32, #tpu.memory_space<vmem>>) target_semaphore(%run_scoped3A : memref<!tpu.dma_semaphore, #tpu.memory_space<semaphore_mem>>)
      %dma_wait3A = arith.constant 0 : i32
      %dma_wait3A_111 = arith.constant 0 : i32
      %dma_wait3A_112 = tpu.memref_slice %arg4[%add3A, %dma_wait3A, %dma_wait3A_111] : memref<32x80x128xi32, #tpu.memory_space<hbm>> -> memref<1x80x128xi32, #tpu.memory_space<hbm>>
      %dma_wait3A_113 = tpu.memref_squeeze %dma_wait3A_112 : memref<1x80x128xi32, #tpu.memory_space<hbm>> -> memref<80x128xi32, #tpu.memory_space<hbm>>
      %dma_wait3A_114 = arith.constant 0 : i32
      %dma_wait3A_115 = arith.constant 0 : i32
      %dma_wait3A_116 = tpu.memref_slice %arg4[%add3A, %dma_wait3A_114, %dma_wait3A_115] : memref<32x80x128xi32, #tpu.memory_space<hbm>> -> memref<1x80x128xi32, #tpu.memory_space<hbm>>
      %dma_wait3A_117 = tpu.memref_squeeze %dma_wait3A_116 : memref<1x80x128xi32, #tpu.memory_space<hbm>> -> memref<80x128xi32, #tpu.memory_space<hbm>>
      tpu.wait_dma2 semaphore(%run_scoped3A : memref<!tpu.dma_semaphore, #tpu.memory_space<semaphore_mem>>) src(%dma_wait3A_117 : memref<80x128xi32, #tpu.memory_space<hbm>>) dst(%arg8 : memref<80x128xi32, #tpu.memory_space<vmem>>)
      tpu.yield
    }) : () -> ()
    %barrier3A = arith.constant 0 : index
    tpu.barrier barrier_id(%barrier3A)
    %dma_start3A = arith.constant 0 : i32
    %dma_start3A_3 = arith.constant 0 : i32
    %dma_start3A_4 = arith.constant 0 : i32
    %dma_start3A_5 = arith.constant 0 : i32
    %dma_start3A_6 = tpu.memref_slice %arg9[%dma_start3A_3, %dma_start3A_4, %dma_start3A_5] : memref<8x128x16xf32, #tpu.memory_space<vmem>> -> memref<1x128x16xf32, #tpu.memory_space<vmem>>
    %dma_start3A_7 = tpu.memref_squeeze %dma_start3A_6 : memref<1x128x16xf32, #tpu.memory_space<vmem>> -> memref<128x16xf32, #tpu.memory_space<vmem>>
    %dma_start3A_8 = arith.constant 0 : i32
    %dma_start3A_9 = tpu.memref_slice %arg7[%dma_start3A, %dma_start3A_8] : memref<80x128xi32, #tpu.memory_space<vmem>> -> memref<1x128xi32, #tpu.memory_space<vmem>>
    %dma_start3A_10 = tpu.memref_squeeze %dma_start3A_9 : memref<1x128xi32, #tpu.memory_space<vmem>> -> memref<128xi32, #tpu.memory_space<vmem>>
    %dma_start3A_11 = arith.constant 0 : i32
    %dma_start3A_12 = arith.constant 0 : i32
    %dma_start3A_13 = tpu.memref_slice %arg2[%dma_start3A_11, %dma_start3A_12] : memref<10240x16xf32, #tpu.memory_space<hbm>> -> memref<10240x16xf32, #tpu.memory_space<hbm>>
    tpu.enqueue_indirect_dma source(%dma_start3A_13 : memref<10240x16xf32, #tpu.memory_space<hbm>>) target(%dma_start3A_7 : memref<128x16xf32, #tpu.memory_space<vmem>>) offsets(%dma_start3A_10 : memref<128xi32, #tpu.memory_space<vmem>>) semaphore(%arg11 : memref<!tpu.dma_semaphore, #tpu.memory_space<semaphore_mem>>)
    %dma_start3A_14 = arith.constant 1 : i32
    %dma_start3A_15 = arith.constant 1 : i32
    %dma_start3A_16 = arith.constant 0 : i32
    %dma_start3A_17 = arith.constant 0 : i32
    %dma_start3A_18 = tpu.memref_slice %arg9[%dma_start3A_15, %dma_start3A_16, %dma_start3A_17] : memref<8x128x16xf32, #tpu.memory_space<vmem>> -> memref<1x128x16xf32, #tpu.memory_space<vmem>>
    %dma_start3A_19 = tpu.memref_squeeze %dma_start3A_18 : memref<1x128x16xf32, #tpu.memory_space<vmem>> -> memref<128x16xf32, #tpu.memory_space<vmem>>
    %dma_start3A_20 = arith.constant 0 : i32
    %dma_start3A_21 = tpu.memref_slice %arg7[%dma_start3A_14, %dma_start3A_20] : memref<80x128xi32, #tpu.memory_space<vmem>> -> memref<1x128xi32, #tpu.memory_space<vmem>>
    %dma_start3A_22 = tpu.memref_squeeze %dma_start3A_21 : memref<1x128xi32, #tpu.memory_space<vmem>> -> memref<128xi32, #tpu.memory_space<vmem>>
    %dma_start3A_23 = arith.constant 0 : i32
    %dma_start3A_24 = arith.constant 0 : i32
    %dma_start3A_25 = tpu.memref_slice %arg2[%dma_start3A_23, %dma_start3A_24] : memref<10240x16xf32, #tpu.memory_space<hbm>> -> memref<10240x16xf32, #tpu.memory_space<hbm>>
    tpu.enqueue_indirect_dma source(%dma_start3A_25 : memref<10240x16xf32, #tpu.memory_space<hbm>>) target(%dma_start3A_19 : memref<128x16xf32, #tpu.memory_space<vmem>>) offsets(%dma_start3A_22 : memref<128xi32, #tpu.memory_space<vmem>>) semaphore(%arg12 : memref<!tpu.dma_semaphore, #tpu.memory_space<semaphore_mem>>)
    %dma_start3A_26 = arith.constant 2 : i32
    %dma_start3A_27 = arith.constant 2 : i32
    %dma_start3A_28 = arith.constant 0 : i32
    %dma_start3A_29 = arith.constant 0 : i32
    %dma_start3A_30 = tpu.memref_slice %arg9[%dma_start3A_27, %dma_start3A_28, %dma_start3A_29] : memref<8x128x16xf32, #tpu.memory_space<vmem>> -> memref<1x128x16xf32, #tpu.memory_space<vmem>>
    %dma_start3A_31 = tpu.memref_squeeze %dma_start3A_30 : memref<1x128x16xf32, #tpu.memory_space<vmem>> -> memref<128x16xf32, #tpu.memory_space<vmem>>
    %dma_start3A_32 = arith.constant 0 : i32
    %dma_start3A_33 = tpu.memref_slice %arg7[%dma_start3A_26, %dma_start3A_32] : memref<80x128xi32, #tpu.memory_space<vmem>> -> memref<1x128xi32, #tpu.memory_space<vmem>>
    %dma_start3A_34 = tpu.memref_squeeze %dma_start3A_33 : memref<1x128xi32, #tpu.memory_space<vmem>> -> memref<128xi32, #tpu.memory_space<vmem>>
    %dma_start3A_35 = arith.constant 0 : i32
    %dma_start3A_36 = arith.constant 0 : i32
    %dma_start3A_37 = tpu.memref_slice %arg2[%dma_start3A_35, %dma_start3A_36] : memref<10240x16xf32, #tpu.memory_space<hbm>> -> memref<10240x16xf32, #tpu.memory_space<hbm>>
    tpu.enqueue_indirect_dma source(%dma_start3A_37 : memref<10240x16xf32, #tpu.memory_space<hbm>>) target(%dma_start3A_31 : memref<128x16xf32, #tpu.memory_space<vmem>>) offsets(%dma_start3A_34 : memref<128xi32, #tpu.memory_space<vmem>>) semaphore(%arg13 : memref<!tpu.dma_semaphore, #tpu.memory_space<semaphore_mem>>)
    %dma_start3A_38 = arith.constant 3 : i32
    %dma_start3A_39 = arith.constant 3 : i32
    %dma_start3A_40 = arith.constant 0 : i32
    %dma_start3A_41 = arith.constant 0 : i32
    %dma_start3A_42 = tpu.memref_slice %arg9[%dma_start3A_39, %dma_start3A_40, %dma_start3A_41] : memref<8x128x16xf32, #tpu.memory_space<vmem>> -> memref<1x128x16xf32, #tpu.memory_space<vmem>>
    %dma_start3A_43 = tpu.memref_squeeze %dma_start3A_42 : memref<1x128x16xf32, #tpu.memory_space<vmem>> -> memref<128x16xf32, #tpu.memory_space<vmem>>
    %dma_start3A_44 = arith.constant 0 : i32
    %dma_start3A_45 = tpu.memref_slice %arg7[%dma_start3A_38, %dma_start3A_44] : memref<80x128xi32, #tpu.memory_space<vmem>> -> memref<1x128xi32, #tpu.memory_space<vmem>>
    %dma_start3A_46 = tpu.memref_squeeze %dma_start3A_45 : memref<1x128xi32, #tpu.memory_space<vmem>> -> memref<128xi32, #tpu.memory_space<vmem>>
    %dma_start3A_47 = arith.constant 0 : i32
    %dma_start3A_48 = arith.constant 0 : i32
    %dma_start3A_49 = tpu.memref_slice %arg2[%dma_start3A_47, %dma_start3A_48] : memref<10240x16xf32, #tpu.memory_space<hbm>> -> memref<10240x16xf32, #tpu.memory_space<hbm>>
    tpu.enqueue_indirect_dma source(%dma_start3A_49 : memref<10240x16xf32, #tpu.memory_space<hbm>>) target(%dma_start3A_43 : memref<128x16xf32, #tpu.memory_space<vmem>>) offsets(%dma_start3A_46 : memref<128xi32, #tpu.memory_space<vmem>>) semaphore(%arg14 : memref<!tpu.dma_semaphore, #tpu.memory_space<semaphore_mem>>)
    %dma_start3A_50 = arith.constant 4 : i32
    %dma_start3A_51 = arith.constant 4 : i32
    %dma_start3A_52 = arith.constant 0 : i32
    %dma_start3A_53 = arith.constant 0 : i32
    %dma_start3A_54 = tpu.memref_slice %arg9[%dma_start3A_51, %dma_start3A_52, %dma_start3A_53] : memref<8x128x16xf32, #tpu.memory_space<vmem>> -> memref<1x128x16xf32, #tpu.memory_space<vmem>>
    %dma_start3A_55 = tpu.memref_squeeze %dma_start3A_54 : memref<1x128x16xf32, #tpu.memory_space<vmem>> -> memref<128x16xf32, #tpu.memory_space<vmem>>
    %dma_start3A_56 = arith.constant 0 : i32
    %dma_start3A_57 = tpu.memref_slice %arg7[%dma_start3A_50, %dma_start3A_56] : memref<80x128xi32, #tpu.memory_space<vmem>> -> memref<1x128xi32, #tpu.memory_space<vmem>>
    %dma_start3A_58 = tpu.memref_squeeze %dma_start3A_57 : memref<1x128xi32, #tpu.memory_space<vmem>> -> memref<128xi32, #tpu.memory_space<vmem>>
    %dma_start3A_59 = arith.constant 0 : i32
    %dma_start3A_60 = arith.constant 0 : i32
    %dma_start3A_61 = tpu.memref_slice %arg2[%dma_start3A_59, %dma_start3A_60] : memref<10240x16xf32, #tpu.memory_space<hbm>> -> memref<10240x16xf32, #tpu.memory_space<hbm>>
    tpu.enqueue_indirect_dma source(%dma_start3A_61 : memref<10240x16xf32, #tpu.memory_space<hbm>>) target(%dma_start3A_55 : memref<128x16xf32, #tpu.memory_space<vmem>>) offsets(%dma_start3A_58 : memref<128xi32, #tpu.memory_space<vmem>>) semaphore(%arg15 : memref<!tpu.dma_semaphore, #tpu.memory_space<semaphore_mem>>)
    %dma_start3A_62 = arith.constant 5 : i32
    %dma_start3A_63 = arith.constant 5 : i32
    %dma_start3A_64 = arith.constant 0 : i32
    %dma_start3A_65 = arith.constant 0 : i32
    %dma_start3A_66 = tpu.memref_slice %arg9[%dma_start3A_63, %dma_start3A_64, %dma_start3A_65] : memref<8x128x16xf32, #tpu.memory_space<vmem>> -> memref<1x128x16xf32, #tpu.memory_space<vmem>>
    %dma_start3A_67 = tpu.memref_squeeze %dma_start3A_66 : memref<1x128x16xf32, #tpu.memory_space<vmem>> -> memref<128x16xf32, #tpu.memory_space<vmem>>
    %dma_start3A_68 = arith.constant 0 : i32
    %dma_start3A_69 = tpu.memref_slice %arg7[%dma_start3A_62, %dma_start3A_68] : memref<80x128xi32, #tpu.memory_space<vmem>> -> memref<1x128xi32, #tpu.memory_space<vmem>>
    %dma_start3A_70 = tpu.memref_squeeze %dma_start3A_69 : memref<1x128xi32, #tpu.memory_space<vmem>> -> memref<128xi32, #tpu.memory_space<vmem>>
    %dma_start3A_71 = arith.constant 0 : i32
    %dma_start3A_72 = arith.constant 0 : i32
    %dma_start3A_73 = tpu.memref_slice %arg2[%dma_start3A_71, %dma_start3A_72] : memref<10240x16xf32, #tpu.memory_space<hbm>> -> memref<10240x16xf32, #tpu.memory_space<hbm>>
    tpu.enqueue_indirect_dma source(%dma_start3A_73 : memref<10240x16xf32, #tpu.memory_space<hbm>>) target(%dma_start3A_67 : memref<128x16xf32, #tpu.memory_space<vmem>>) offsets(%dma_start3A_70 : memref<128xi32, #tpu.memory_space<vmem>>) semaphore(%arg16 : memref<!tpu.dma_semaphore, #tpu.memory_space<semaphore_mem>>)
    %dma_start3A_74 = arith.constant 6 : i32
    %dma_start3A_75 = arith.constant 6 : i32
    %dma_start3A_76 = arith.constant 0 : i32
    %dma_start3A_77 = arith.constant 0 : i32
    %dma_start3A_78 = tpu.memref_slice %arg9[%dma_start3A_75, %dma_start3A_76, %dma_start3A_77] : memref<8x128x16xf32, #tpu.memory_space<vmem>> -> memref<1x128x16xf32, #tpu.memory_space<vmem>>
    %dma_start3A_79 = tpu.memref_squeeze %dma_start3A_78 : memref<1x128x16xf32, #tpu.memory_space<vmem>> -> memref<128x16xf32, #tpu.memory_space<vmem>>
    %dma_start3A_80 = arith.constant 0 : i32
    %dma_start3A_81 = tpu.memref_slice %arg7[%dma_start3A_74, %dma_start3A_80] : memref<80x128xi32, #tpu.memory_space<vmem>> -> memref<1x128xi32, #tpu.memory_space<vmem>>
    %dma_start3A_82 = tpu.memref_squeeze %dma_start3A_81 : memref<1x128xi32, #tpu.memory_space<vmem>> -> memref<128xi32, #tpu.memory_space<vmem>>
    %dma_start3A_83 = arith.constant 0 : i32
    %dma_start3A_84 = arith.constant 0 : i32
    %dma_start3A_85 = tpu.memref_slice %arg2[%dma_start3A_83, %dma_start3A_84] : memref<10240x16xf32, #tpu.memory_space<hbm>> -> memref<10240x16xf32, #tpu.memory_space<hbm>>
    tpu.enqueue_indirect_dma source(%dma_start3A_85 : memref<10240x16xf32, #tpu.memory_space<hbm>>) target(%dma_start3A_79 : memref<128x16xf32, #tpu.memory_space<vmem>>) offsets(%dma_start3A_82 : memref<128xi32, #tpu.memory_space<vmem>>) semaphore(%arg17 : memref<!tpu.dma_semaphore, #tpu.memory_space<semaphore_mem>>)
    %dma_start3A_86 = arith.constant 7 : i32
    %dma_start3A_87 = arith.constant 7 : i32
    %dma_start3A_88 = arith.constant 0 : i32
    %dma_start3A_89 = arith.constant 0 : i32
    %dma_start3A_90 = tpu.memref_slice %arg9[%dma_start3A_87, %dma_start3A_88, %dma_start3A_89] : memref<8x128x16xf32, #tpu.memory_space<vmem>> -> memref<1x128x16xf32, #tpu.memory_space<vmem>>
    %dma_start3A_91 = tpu.memref_squeeze %dma_start3A_90 : memref<1x128x16xf32, #tpu.memory_space<vmem>> -> memref<128x16xf32, #tpu.memory_space<vmem>>
    %dma_start3A_92 = arith.constant 0 : i32
    %dma_start3A_93 = tpu.memref_slice %arg7[%dma_start3A_86, %dma_start3A_92] : memref<80x128xi32, #tpu.memory_space<vmem>> -> memref<1x128xi32, #tpu.memory_space<vmem>>
    %dma_start3A_94 = tpu.memref_squeeze %dma_start3A_93 : memref<1x128xi32, #tpu.memory_space<vmem>> -> memref<128xi32, #tpu.memory_space<vmem>>
    %dma_start3A_95 = arith.constant 0 : i32
    %dma_start3A_96 = arith.constant 0 : i32
    %dma_start3A_97 = tpu.memref_slice %arg2[%dma_start3A_95, %dma_start3A_96] : memref<10240x16xf32, #tpu.memory_space<hbm>> -> memref<10240x16xf32, #tpu.memory_space<hbm>>
    tpu.enqueue_indirect_dma source(%dma_start3A_97 : memref<10240x16xf32, #tpu.memory_space<hbm>>) target(%dma_start3A_91 : memref<128x16xf32, #tpu.memory_space<vmem>>) offsets(%dma_start3A_94 : memref<128xi32, #tpu.memory_space<vmem>>) semaphore(%arg18 : memref<!tpu.dma_semaphore, #tpu.memory_space<semaphore_mem>>)
    %scan3A = arith.constant 0 : i32
    %scan3A_98 = arith.constant 10 : i32
    %scan3A_99 = arith.addi %scan3A, %scan3A_98 : i32
    %scan3A_100 = arith.constant 1 : i32
    scf.for %scan3A_103 = %scan3A to %scan3A_99 step %scan3A_100  : i32 {
      %mul3A_104 = arith.constant 8 : i32
      %mul3A_105 = arith.muli %scan3A_103, %mul3A_104 : i32
      %add3A_106 = arith.constant 0 : i32
      %add3A_107 = arith.addi %add3A_106, %mul3A_105 : i32
      %add3A_108 = arith.constant 0 : i32
      %add3A_109 = arith.addi %add3A_107, %add3A_108 : i32
      %dma_wait3A = arith.constant 0 : i32
      %dma_wait3A_110 = arith.constant 0 : i32
      %dma_wait3A_111 = arith.constant 0 : i32
      %dma_wait3A_112 = tpu.memref_slice %arg9[%dma_wait3A, %dma_wait3A_110, %dma_wait3A_111] : memref<8x128x16xf32, #tpu.memory_space<vmem>> -> memref<1x128x16xf32, #tpu.memory_space<vmem>>
      %dma_wait3A_113 = tpu.memref_squeeze %dma_wait3A_112 : memref<1x128x16xf32, #tpu.memory_space<vmem>> -> memref<128x16xf32, #tpu.memory_space<vmem>>
      %dma_wait3A_114 = arith.constant 0 : i32
      %dma_wait3A_115 = tpu.memref_slice %arg7[%add3A_109, %dma_wait3A_114] : memref<80x128xi32, #tpu.memory_space<vmem>> -> memref<1x128xi32, #tpu.memory_space<vmem>>
      %dma_wait3A_116 = tpu.memref_squeeze %dma_wait3A_115 : memref<1x128xi32, #tpu.memory_space<vmem>> -> memref<128xi32, #tpu.memory_space<vmem>>
      %dma_wait3A_117 = arith.constant 0 : i32
      %dma_wait3A_118 = arith.constant 0 : i32
      %dma_wait3A_119 = tpu.memref_slice %arg2[%dma_wait3A_117, %dma_wait3A_118] : memref<10240x16xf32, #tpu.memory_space<hbm>> -> memref<10240x16xf32, #tpu.memory_space<hbm>>
      tpu.wait_indirect_dma semaphore(%arg11 : memref<!tpu.dma_semaphore, #tpu.memory_space<semaphore_mem>>) src(%dma_wait3A_119 : memref<10240x16xf32, #tpu.memory_space<hbm>>) dst(%dma_wait3A_113 : memref<128x16xf32, #tpu.memory_space<vmem>>)
      %add3A_120 = arith.constant 0 : i32
      %add3A_121 = arith.addi %add3A_107, %add3A_120 : i32
      %dma_start3A_122 = arith.constant 0 : i32
      %dma_start3A_123 = arith.constant 0 : i32
      %dma_start3A_124 = arith.constant 0 : i32
      %dma_start3A_125 = tpu.memref_slice %arg9[%dma_start3A_122, %dma_start3A_123, %dma_start3A_124] : memref<8x128x16xf32, #tpu.memory_space<vmem>> -> memref<1x128x16xf32, #tpu.memory_space<vmem>>
      %dma_start3A_126 = tpu.memref_squeeze %dma_start3A_125 : memref<1x128x16xf32, #tpu.memory_space<vmem>> -> memref<128x16xf32, #tpu.memory_space<vmem>>
      %dma_start3A_127 = arith.constant 0 : i32
      %dma_start3A_128 = tpu.memref_slice %arg8[%add3A_121, %dma_start3A_127] : memref<80x128xi32, #tpu.memory_space<vmem>> -> memref<1x128xi32, #tpu.memory_space<vmem>>
      %dma_start3A_129 = tpu.memref_squeeze %dma_start3A_128 : memref<1x128xi32, #tpu.memory_space<vmem>> -> memref<128xi32, #tpu.memory_space<vmem>>
      %dma_start3A_130 = arith.constant 0 : i32
      %dma_start3A_131 = arith.constant 0 : i32
      %dma_start3A_132 = tpu.memref_slice %arg10[%dma_start3A_130, %dma_start3A_131] : memref<10240x16xf32, #tpu.memory_space<vmem_shared>> -> memref<10240x16xf32, #tpu.memory_space<vmem_shared>>
      tpu.enqueue_indirect_dma source(%dma_start3A_126 : memref<128x16xf32, #tpu.memory_space<vmem>>) target(%dma_start3A_132 : memref<10240x16xf32, #tpu.memory_space<vmem_shared>>) offsets(%dma_start3A_129 : memref<128xi32, #tpu.memory_space<vmem>>) semaphore(%arg19 : memref<!tpu.dma_semaphore, #tpu.memory_space<semaphore_mem>>) {add = true}
      %add3A_133 = arith.constant 1 : i32
      %add3A_134 = arith.addi %add3A_107, %add3A_133 : i32
      %dma_wait3A_135 = arith.constant 1 : i32
      %dma_wait3A_136 = arith.constant 0 : i32
      %dma_wait3A_137 = arith.constant 0 : i32
      %dma_wait3A_138 = tpu.memref_slice %arg9[%dma_wait3A_135, %dma_wait3A_136, %dma_wait3A_137] : memref<8x128x16xf32, #tpu.memory_space<vmem>> -> memref<1x128x16xf32, #tpu.memory_space<vmem>>
      %dma_wait3A_139 = tpu.memref_squeeze %dma_wait3A_138 : memref<1x128x16xf32, #tpu.memory_space<vmem>> -> memref<128x16xf32, #tpu.memory_space<vmem>>
      %dma_wait3A_140 = arith.constant 0 : i32
      %dma_wait3A_141 = tpu.memref_slice %arg7[%add3A_134, %dma_wait3A_140] : memref<80x128xi32, #tpu.memory_space<vmem>> -> memref<1x128xi32, #tpu.memory_space<vmem>>
      %dma_wait3A_142 = tpu.memref_squeeze %dma_wait3A_141 : memref<1x128xi32, #tpu.memory_space<vmem>> -> memref<128xi32, #tpu.memory_space<vmem>>
      %dma_wait3A_143 = arith.constant 0 : i32
      %dma_wait3A_144 = arith.constant 0 : i32
      %dma_wait3A_145 = tpu.memref_slice %arg2[%dma_wait3A_143, %dma_wait3A_144] : memref<10240x16xf32, #tpu.memory_space<hbm>> -> memref<10240x16xf32, #tpu.memory_space<hbm>>
      tpu.wait_indirect_dma semaphore(%arg12 : memref<!tpu.dma_semaphore, #tpu.memory_space<semaphore_mem>>) src(%dma_wait3A_145 : memref<10240x16xf32, #tpu.memory_space<hbm>>) dst(%dma_wait3A_139 : memref<128x16xf32, #tpu.memory_space<vmem>>)
      %add3A_146 = arith.constant 1 : i32
      %add3A_147 = arith.addi %add3A_107, %add3A_146 : i32
      %dma_start3A_148 = arith.constant 1 : i32
      %dma_start3A_149 = arith.constant 0 : i32
      %dma_start3A_150 = arith.constant 0 : i32
      %dma_start3A_151 = tpu.memref_slice %arg9[%dma_start3A_148, %dma_start3A_149, %dma_start3A_150] : memref<8x128x16xf32, #tpu.memory_space<vmem>> -> memref<1x128x16xf32, #tpu.memory_space<vmem>>
      %dma_start3A_152 = tpu.memref_squeeze %dma_start3A_151 : memref<1x128x16xf32, #tpu.memory_space<vmem>> -> memref<128x16xf32, #tpu.memory_space<vmem>>
      %dma_start3A_153 = arith.constant 0 : i32
      %dma_start3A_154 = tpu.memref_slice %arg8[%add3A_147, %dma_start3A_153] : memref<80x128xi32, #tpu.memory_space<vmem>> -> memref<1x128xi32, #tpu.memory_space<vmem>>
      %dma_start3A_155 = tpu.memref_squeeze %dma_start3A_154 : memref<1x128xi32, #tpu.memory_space<vmem>> -> memref<128xi32, #tpu.memory_space<vmem>>
      %dma_start3A_156 = arith.constant 0 : i32
      %dma_start3A_157 = arith.constant 0 : i32
      %dma_start3A_158 = tpu.memref_slice %arg10[%dma_start3A_156, %dma_start3A_157] : memref<10240x16xf32, #tpu.memory_space<vmem_shared>> -> memref<10240x16xf32, #tpu.memory_space<vmem_shared>>
      tpu.enqueue_indirect_dma source(%dma_start3A_152 : memref<128x16xf32, #tpu.memory_space<vmem>>) target(%dma_start3A_158 : memref<10240x16xf32, #tpu.memory_space<vmem_shared>>) offsets(%dma_start3A_155 : memref<128xi32, #tpu.memory_space<vmem>>) semaphore(%arg20 : memref<!tpu.dma_semaphore, #tpu.memory_space<semaphore_mem>>) {add = true}
      %add3A_159 = arith.constant 2 : i32
      %add3A_160 = arith.addi %add3A_107, %add3A_159 : i32
      %dma_wait3A_161 = arith.constant 2 : i32
      %dma_wait3A_162 = arith.constant 0 : i32
      %dma_wait3A_163 = arith.constant 0 : i32
      %dma_wait3A_164 = tpu.memref_slice %arg9[%dma_wait3A_161, %dma_wait3A_162, %dma_wait3A_163] : memref<8x128x16xf32, #tpu.memory_space<vmem>> -> memref<1x128x16xf32, #tpu.memory_space<vmem>>
      %dma_wait3A_165 = tpu.memref_squeeze %dma_wait3A_164 : memref<1x128x16xf32, #tpu.memory_space<vmem>> -> memref<128x16xf32, #tpu.memory_space<vmem>>
      %dma_wait3A_166 = arith.constant 0 : i32
      %dma_wait3A_167 = tpu.memref_slice %arg7[%add3A_160, %dma_wait3A_166] : memref<80x128xi32, #tpu.memory_space<vmem>> -> memref<1x128xi32, #tpu.memory_space<vmem>>
      %dma_wait3A_168 = tpu.memref_squeeze %dma_wait3A_167 : memref<1x128xi32, #tpu.memory_space<vmem>> -> memref<128xi32, #tpu.memory_space<vmem>>
      %dma_wait3A_169 = arith.constant 0 : i32
      %dma_wait3A_170 = arith.constant 0 : i32
      %dma_wait3A_171 = tpu.memref_slice %arg2[%dma_wait3A_169, %dma_wait3A_170] : memref<10240x16xf32, #tpu.memory_space<hbm>> -> memref<10240x16xf32, #tpu.memory_space<hbm>>
      tpu.wait_indirect_dma semaphore(%arg13 : memref<!tpu.dma_semaphore, #tpu.memory_space<semaphore_mem>>) src(%dma_wait3A_171 : memref<10240x16xf32, #tpu.memory_space<hbm>>) dst(%dma_wait3A_165 : memref<128x16xf32, #tpu.memory_space<vmem>>)
      %add3A_172 = arith.constant 2 : i32
      %add3A_173 = arith.addi %add3A_107, %add3A_172 : i32
      %dma_start3A_174 = arith.constant 2 : i32
      %dma_start3A_175 = arith.constant 0 : i32
      %dma_start3A_176 = arith.constant 0 : i32
      %dma_start3A_177 = tpu.memref_slice %arg9[%dma_start3A_174, %dma_start3A_175, %dma_start3A_176] : memref<8x128x16xf32, #tpu.memory_space<vmem>> -> memref<1x128x16xf32, #tpu.memory_space<vmem>>
      %dma_start3A_178 = tpu.memref_squeeze %dma_start3A_177 : memref<1x128x16xf32, #tpu.memory_space<vmem>> -> memref<128x16xf32, #tpu.memory_space<vmem>>
      %dma_start3A_179 = arith.constant 0 : i32
      %dma_start3A_180 = tpu.memref_slice %arg8[%add3A_173, %dma_start3A_179] : memref<80x128xi32, #tpu.memory_space<vmem>> -> memref<1x128xi32, #tpu.memory_space<vmem>>
      %dma_start3A_181 = tpu.memref_squeeze %dma_start3A_180 : memref<1x128xi32, #tpu.memory_space<vmem>> -> memref<128xi32, #tpu.memory_space<vmem>>
      %dma_start3A_182 = arith.constant 0 : i32
      %dma_start3A_183 = arith.constant 0 : i32
      %dma_start3A_184 = tpu.memref_slice %arg10[%dma_start3A_182, %dma_start3A_183] : memref<10240x16xf32, #tpu.memory_space<vmem_shared>> -> memref<10240x16xf32, #tpu.memory_space<vmem_shared>>
      tpu.enqueue_indirect_dma source(%dma_start3A_178 : memref<128x16xf32, #tpu.memory_space<vmem>>) target(%dma_start3A_184 : memref<10240x16xf32, #tpu.memory_space<vmem_shared>>) offsets(%dma_start3A_181 : memref<128xi32, #tpu.memory_space<vmem>>) semaphore(%arg21 : memref<!tpu.dma_semaphore, #tpu.memory_space<semaphore_mem>>) {add = true}
      %add3A_185 = arith.constant 3 : i32
      %add3A_186 = arith.addi %add3A_107, %add3A_185 : i32
      %dma_wait3A_187 = arith.constant 3 : i32
      %dma_wait3A_188 = arith.constant 0 : i32
      %dma_wait3A_189 = arith.constant 0 : i32
      %dma_wait3A_190 = tpu.memref_slice %arg9[%dma_wait3A_187, %dma_wait3A_188, %dma_wait3A_189] : memref<8x128x16xf32, #tpu.memory_space<vmem>> -> memref<1x128x16xf32, #tpu.memory_space<vmem>>
      %dma_wait3A_191 = tpu.memref_squeeze %dma_wait3A_190 : memref<1x128x16xf32, #tpu.memory_space<vmem>> -> memref<128x16xf32, #tpu.memory_space<vmem>>
      %dma_wait3A_192 = arith.constant 0 : i32
      %dma_wait3A_193 = tpu.memref_slice %arg7[%add3A_186, %dma_wait3A_192] : memref<80x128xi32, #tpu.memory_space<vmem>> -> memref<1x128xi32, #tpu.memory_space<vmem>>
      %dma_wait3A_194 = tpu.memref_squeeze %dma_wait3A_193 : memref<1x128xi32, #tpu.memory_space<vmem>> -> memref<128xi32, #tpu.memory_space<vmem>>
      %dma_wait3A_195 = arith.constant 0 : i32
      %dma_wait3A_196 = arith.constant 0 : i32
      %dma_wait3A_197 = tpu.memref_slice %arg2[%dma_wait3A_195, %dma_wait3A_196] : memref<10240x16xf32, #tpu.memory_space<hbm>> -> memref<10240x16xf32, #tpu.memory_space<hbm>>
      tpu.wait_indirect_dma semaphore(%arg14 : memref<!tpu.dma_semaphore, #tpu.memory_space<semaphore_mem>>) src(%dma_wait3A_197 : memref<10240x16xf32, #tpu.memory_space<hbm>>) dst(%dma_wait3A_191 : memref<128x16xf32, #tpu.memory_space<vmem>>)
      %add3A_198 = arith.constant 3 : i32
      %add3A_199 = arith.addi %add3A_107, %add3A_198 : i32
      %dma_start3A_200 = arith.constant 3 : i32
      %dma_start3A_201 = arith.constant 0 : i32
      %dma_start3A_202 = arith.constant 0 : i32
      %dma_start3A_203 = tpu.memref_slice %arg9[%dma_start3A_200, %dma_start3A_201, %dma_start3A_202] : memref<8x128x16xf32, #tpu.memory_space<vmem>> -> memref<1x128x16xf32, #tpu.memory_space<vmem>>
      %dma_start3A_204 = tpu.memref_squeeze %dma_start3A_203 : memref<1x128x16xf32, #tpu.memory_space<vmem>> -> memref<128x16xf32, #tpu.memory_space<vmem>>
      %dma_start3A_205 = arith.constant 0 : i32
      %dma_start3A_206 = tpu.memref_slice %arg8[%add3A_199, %dma_start3A_205] : memref<80x128xi32, #tpu.memory_space<vmem>> -> memref<1x128xi32, #tpu.memory_space<vmem>>
      %dma_start3A_207 = tpu.memref_squeeze %dma_start3A_206 : memref<1x128xi32, #tpu.memory_space<vmem>> -> memref<128xi32, #tpu.memory_space<vmem>>
      %dma_start3A_208 = arith.constant 0 : i32
      %dma_start3A_209 = arith.constant 0 : i32
      %dma_start3A_210 = tpu.memref_slice %arg10[%dma_start3A_208, %dma_start3A_209] : memref<10240x16xf32, #tpu.memory_space<vmem_shared>> -> memref<10240x16xf32, #tpu.memory_space<vmem_shared>>
      tpu.enqueue_indirect_dma source(%dma_start3A_204 : memref<128x16xf32, #tpu.memory_space<vmem>>) target(%dma_start3A_210 : memref<10240x16xf32, #tpu.memory_space<vmem_shared>>) offsets(%dma_start3A_207 : memref<128xi32, #tpu.memory_space<vmem>>) semaphore(%arg22 : memref<!tpu.dma_semaphore, #tpu.memory_space<semaphore_mem>>) {add = true}
      %add3A_211 = arith.constant 4 : i32
      %add3A_212 = arith.addi %add3A_107, %add3A_211 : i32
      %dma_wait3A_213 = arith.constant 4 : i32
      %dma_wait3A_214 = arith.constant 0 : i32
      %dma_wait3A_215 = arith.constant 0 : i32
      %dma_wait3A_216 = tpu.memref_slice %arg9[%dma_wait3A_213, %dma_wait3A_214, %dma_wait3A_215] : memref<8x128x16xf32, #tpu.memory_space<vmem>> -> memref<1x128x16xf32, #tpu.memory_space<vmem>>
      %dma_wait3A_217 = tpu.memref_squeeze %dma_wait3A_216 : memref<1x128x16xf32, #tpu.memory_space<vmem>> -> memref<128x16xf32, #tpu.memory_space<vmem>>
      %dma_wait3A_218 = arith.constant 0 : i32
      %dma_wait3A_219 = tpu.memref_slice %arg7[%add3A_212, %dma_wait3A_218] : memref<80x128xi32, #tpu.memory_space<vmem>> -> memref<1x128xi32, #tpu.memory_space<vmem>>
      %dma_wait3A_220 = tpu.memref_squeeze %dma_wait3A_219 : memref<1x128xi32, #tpu.memory_space<vmem>> -> memref<128xi32, #tpu.memory_space<vmem>>
      %dma_wait3A_221 = arith.constant 0 : i32
      %dma_wait3A_222 = arith.constant 0 : i32
      %dma_wait3A_223 = tpu.memref_slice %arg2[%dma_wait3A_221, %dma_wait3A_222] : memref<10240x16xf32, #tpu.memory_space<hbm>> -> memref<10240x16xf32, #tpu.memory_space<hbm>>
      tpu.wait_indirect_dma semaphore(%arg15 : memref<!tpu.dma_semaphore, #tpu.memory_space<semaphore_mem>>) src(%dma_wait3A_223 : memref<10240x16xf32, #tpu.memory_space<hbm>>) dst(%dma_wait3A_217 : memref<128x16xf32, #tpu.memory_space<vmem>>)
      %add3A_224 = arith.constant 4 : i32
      %add3A_225 = arith.addi %add3A_107, %add3A_224 : i32
      %dma_start3A_226 = arith.constant 4 : i32
      %dma_start3A_227 = arith.constant 0 : i32
      %dma_start3A_228 = arith.constant 0 : i32
      %dma_start3A_229 = tpu.memref_slice %arg9[%dma_start3A_226, %dma_start3A_227, %dma_start3A_228] : memref<8x128x16xf32, #tpu.memory_space<vmem>> -> memref<1x128x16xf32, #tpu.memory_space<vmem>>
      %dma_start3A_230 = tpu.memref_squeeze %dma_start3A_229 : memref<1x128x16xf32, #tpu.memory_space<vmem>> -> memref<128x16xf32, #tpu.memory_space<vmem>>
      %dma_start3A_231 = arith.constant 0 : i32
      %dma_start3A_232 = tpu.memref_slice %arg8[%add3A_225, %dma_start3A_231] : memref<80x128xi32, #tpu.memory_space<vmem>> -> memref<1x128xi32, #tpu.memory_space<vmem>>
      %dma_start3A_233 = tpu.memref_squeeze %dma_start3A_232 : memref<1x128xi32, #tpu.memory_space<vmem>> -> memref<128xi32, #tpu.memory_space<vmem>>
      %dma_start3A_234 = arith.constant 0 : i32
      %dma_start3A_235 = arith.constant 0 : i32
      %dma_start3A_236 = tpu.memref_slice %arg10[%dma_start3A_234, %dma_start3A_235] : memref<10240x16xf32, #tpu.memory_space<vmem_shared>> -> memref<10240x16xf32, #tpu.memory_space<vmem_shared>>
      tpu.enqueue_indirect_dma source(%dma_start3A_230 : memref<128x16xf32, #tpu.memory_space<vmem>>) target(%dma_start3A_236 : memref<10240x16xf32, #tpu.memory_space<vmem_shared>>) offsets(%dma_start3A_233 : memref<128xi32, #tpu.memory_space<vmem>>) semaphore(%arg23 : memref<!tpu.dma_semaphore, #tpu.memory_space<semaphore_mem>>) {add = true}
      %add3A_237 = arith.constant 5 : i32
      %add3A_238 = arith.addi %add3A_107, %add3A_237 : i32
      %dma_wait3A_239 = arith.constant 5 : i32
      %dma_wait3A_240 = arith.constant 0 : i32
      %dma_wait3A_241 = arith.constant 0 : i32
      %dma_wait3A_242 = tpu.memref_slice %arg9[%dma_wait3A_239, %dma_wait3A_240, %dma_wait3A_241] : memref<8x128x16xf32, #tpu.memory_space<vmem>> -> memref<1x128x16xf32, #tpu.memory_space<vmem>>
      %dma_wait3A_243 = tpu.memref_squeeze %dma_wait3A_242 : memref<1x128x16xf32, #tpu.memory_space<vmem>> -> memref<128x16xf32, #tpu.memory_space<vmem>>
      %dma_wait3A_244 = arith.constant 0 : i32
      %dma_wait3A_245 = tpu.memref_slice %arg7[%add3A_238, %dma_wait3A_244] : memref<80x128xi32, #tpu.memory_space<vmem>> -> memref<1x128xi32, #tpu.memory_space<vmem>>
      %dma_wait3A_246 = tpu.memref_squeeze %dma_wait3A_245 : memref<1x128xi32, #tpu.memory_space<vmem>> -> memref<128xi32, #tpu.memory_space<vmem>>
      %dma_wait3A_247 = arith.constant 0 : i32
      %dma_wait3A_248 = arith.constant 0 : i32
      %dma_wait3A_249 = tpu.memref_slice %arg2[%dma_wait3A_247, %dma_wait3A_248] : memref<10240x16xf32, #tpu.memory_space<hbm>> -> memref<10240x16xf32, #tpu.memory_space<hbm>>
      tpu.wait_indirect_dma semaphore(%arg16 : memref<!tpu.dma_semaphore, #tpu.memory_space<semaphore_mem>>) src(%dma_wait3A_249 : memref<10240x16xf32, #tpu.memory_space<hbm>>) dst(%dma_wait3A_243 : memref<128x16xf32, #tpu.memory_space<vmem>>)
      %add3A_250 = arith.constant 5 : i32
      %add3A_251 = arith.addi %add3A_107, %add3A_250 : i32
      %dma_start3A_252 = arith.constant 5 : i32
      %dma_start3A_253 = arith.constant 0 : i32
      %dma_start3A_254 = arith.constant 0 : i32
      %dma_start3A_255 = tpu.memref_slice %arg9[%dma_start3A_252, %dma_start3A_253, %dma_start3A_254] : memref<8x128x16xf32, #tpu.memory_space<vmem>> -> memref<1x128x16xf32, #tpu.memory_space<vmem>>
      %dma_start3A_256 = tpu.memref_squeeze %dma_start3A_255 : memref<1x128x16xf32, #tpu.memory_space<vmem>> -> memref<128x16xf32, #tpu.memory_space<vmem>>
      %dma_start3A_257 = arith.constant 0 : i32
      %dma_start3A_258 = tpu.memref_slice %arg8[%add3A_251, %dma_start3A_257] : memref<80x128xi32, #tpu.memory_space<vmem>> -> memref<1x128xi32, #tpu.memory_space<vmem>>
      %dma_start3A_259 = tpu.memref_squeeze %dma_start3A_258 : memref<1x128xi32, #tpu.memory_space<vmem>> -> memref<128xi32, #tpu.memory_space<vmem>>
      %dma_start3A_260 = arith.constant 0 : i32
      %dma_start3A_261 = arith.constant 0 : i32
      %dma_start3A_262 = tpu.memref_slice %arg10[%dma_start3A_260, %dma_start3A_261] : memref<10240x16xf32, #tpu.memory_space<vmem_shared>> -> memref<10240x16xf32, #tpu.memory_space<vmem_shared>>
      tpu.enqueue_indirect_dma source(%dma_start3A_256 : memref<128x16xf32, #tpu.memory_space<vmem>>) target(%dma_start3A_262 : memref<10240x16xf32, #tpu.memory_space<vmem_shared>>) offsets(%dma_start3A_259 : memref<128xi32, #tpu.memory_space<vmem>>) semaphore(%arg24 : memref<!tpu.dma_semaphore, #tpu.memory_space<semaphore_mem>>) {add = true}
      %add3A_263 = arith.constant 6 : i32
      %add3A_264 = arith.addi %add3A_107, %add3A_263 : i32
      %dma_wait3A_265 = arith.constant 6 : i32
      %dma_wait3A_266 = arith.constant 0 : i32
      %dma_wait3A_267 = arith.constant 0 : i32
      %dma_wait3A_268 = tpu.memref_slice %arg9[%dma_wait3A_265, %dma_wait3A_266, %dma_wait3A_267] : memref<8x128x16xf32, #tpu.memory_space<vmem>> -> memref<1x128x16xf32, #tpu.memory_space<vmem>>
      %dma_wait3A_269 = tpu.memref_squeeze %dma_wait3A_268 : memref<1x128x16xf32, #tpu.memory_space<vmem>> -> memref<128x16xf32, #tpu.memory_space<vmem>>
      %dma_wait3A_270 = arith.constant 0 : i32
      %dma_wait3A_271 = tpu.memref_slice %arg7[%add3A_264, %dma_wait3A_270] : memref<80x128xi32, #tpu.memory_space<vmem>> -> memref<1x128xi32, #tpu.memory_space<vmem>>
      %dma_wait3A_272 = tpu.memref_squeeze %dma_wait3A_271 : memref<1x128xi32, #tpu.memory_space<vmem>> -> memref<128xi32, #tpu.memory_space<vmem>>
      %dma_wait3A_273 = arith.constant 0 : i32
      %dma_wait3A_274 = arith.constant 0 : i32
      %dma_wait3A_275 = tpu.memref_slice %arg2[%dma_wait3A_273, %dma_wait3A_274] : memref<10240x16xf32, #tpu.memory_space<hbm>> -> memref<10240x16xf32, #tpu.memory_space<hbm>>
      tpu.wait_indirect_dma semaphore(%arg17 : memref<!tpu.dma_semaphore, #tpu.memory_space<semaphore_mem>>) src(%dma_wait3A_275 : memref<10240x16xf32, #tpu.memory_space<hbm>>) dst(%dma_wait3A_269 : memref<128x16xf32, #tpu.memory_space<vmem>>)
      %add3A_276 = arith.constant 6 : i32
      %add3A_277 = arith.addi %add3A_107, %add3A_276 : i32
      %dma_start3A_278 = arith.constant 6 : i32
      %dma_start3A_279 = arith.constant 0 : i32
      %dma_start3A_280 = arith.constant 0 : i32
      %dma_start3A_281 = tpu.memref_slice %arg9[%dma_start3A_278, %dma_start3A_279, %dma_start3A_280] : memref<8x128x16xf32, #tpu.memory_space<vmem>> -> memref<1x128x16xf32, #tpu.memory_space<vmem>>
      %dma_start3A_282 = tpu.memref_squeeze %dma_start3A_281 : memref<1x128x16xf32, #tpu.memory_space<vmem>> -> memref<128x16xf32, #tpu.memory_space<vmem>>
      %dma_start3A_283 = arith.constant 0 : i32
      %dma_start3A_284 = tpu.memref_slice %arg8[%add3A_277, %dma_start3A_283] : memref<80x128xi32, #tpu.memory_space<vmem>> -> memref<1x128xi32, #tpu.memory_space<vmem>>
      %dma_start3A_285 = tpu.memref_squeeze %dma_start3A_284 : memref<1x128xi32, #tpu.memory_space<vmem>> -> memref<128xi32, #tpu.memory_space<vmem>>
      %dma_start3A_286 = arith.constant 0 : i32
      %dma_start3A_287 = arith.constant 0 : i32
      %dma_start3A_288 = tpu.memref_slice %arg10[%dma_start3A_286, %dma_start3A_287] : memref<10240x16xf32, #tpu.memory_space<vmem_shared>> -> memref<10240x16xf32, #tpu.memory_space<vmem_shared>>
      tpu.enqueue_indirect_dma source(%dma_start3A_282 : memref<128x16xf32, #tpu.memory_space<vmem>>) target(%dma_start3A_288 : memref<10240x16xf32, #tpu.memory_space<vmem_shared>>) offsets(%dma_start3A_285 : memref<128xi32, #tpu.memory_space<vmem>>) semaphore(%arg25 : memref<!tpu.dma_semaphore, #tpu.memory_space<semaphore_mem>>) {add = true}
      %add3A_289 = arith.constant 7 : i32
      %add3A_290 = arith.addi %add3A_107, %add3A_289 : i32
      %dma_wait3A_291 = arith.constant 7 : i32
      %dma_wait3A_292 = arith.constant 0 : i32
      %dma_wait3A_293 = arith.constant 0 : i32
      %dma_wait3A_294 = tpu.memref_slice %arg9[%dma_wait3A_291, %dma_wait3A_292, %dma_wait3A_293] : memref<8x128x16xf32, #tpu.memory_space<vmem>> -> memref<1x128x16xf32, #tpu.memory_space<vmem>>
      %dma_wait3A_295 = tpu.memref_squeeze %dma_wait3A_294 : memref<1x128x16xf32, #tpu.memory_space<vmem>> -> memref<128x16xf32, #tpu.memory_space<vmem>>
      %dma_wait3A_296 = arith.constant 0 : i32
      %dma_wait3A_297 = tpu.memref_slice %arg7[%add3A_290, %dma_wait3A_296] : memref<80x128xi32, #tpu.memory_space<vmem>> -> memref<1x128xi32, #tpu.memory_space<vmem>>
      %dma_wait3A_298 = tpu.memref_squeeze %dma_wait3A_297 : memref<1x128xi32, #tpu.memory_space<vmem>> -> memref<128xi32, #tpu.memory_space<vmem>>
      %dma_wait3A_299 = arith.constant 0 : i32
      %dma_wait3A_300 = arith.constant 0 : i32
      %dma_wait3A_301 = tpu.memref_slice %arg2[%dma_wait3A_299, %dma_wait3A_300] : memref<10240x16xf32, #tpu.memory_space<hbm>> -> memref<10240x16xf32, #tpu.memory_space<hbm>>
      tpu.wait_indirect_dma semaphore(%arg18 : memref<!tpu.dma_semaphore, #tpu.memory_space<semaphore_mem>>) src(%dma_wait3A_301 : memref<10240x16xf32, #tpu.memory_space<hbm>>) dst(%dma_wait3A_295 : memref<128x16xf32, #tpu.memory_space<vmem>>)
      %add3A_302 = arith.constant 7 : i32
      %add3A_303 = arith.addi %add3A_107, %add3A_302 : i32
      %dma_start3A_304 = arith.constant 7 : i32
      %dma_start3A_305 = arith.constant 0 : i32
      %dma_start3A_306 = arith.constant 0 : i32
      %dma_start3A_307 = tpu.memref_slice %arg9[%dma_start3A_304, %dma_start3A_305, %dma_start3A_306] : memref<8x128x16xf32, #tpu.memory_space<vmem>> -> memref<1x128x16xf32, #tpu.memory_space<vmem>>
      %dma_start3A_308 = tpu.memref_squeeze %dma_start3A_307 : memref<1x128x16xf32, #tpu.memory_space<vmem>> -> memref<128x16xf32, #tpu.memory_space<vmem>>
      %dma_start3A_309 = arith.constant 0 : i32
      %dma_start3A_310 = tpu.memref_slice %arg8[%add3A_303, %dma_start3A_309] : memref<80x128xi32, #tpu.memory_space<vmem>> -> memref<1x128xi32, #tpu.memory_space<vmem>>
      %dma_start3A_311 = tpu.memref_squeeze %dma_start3A_310 : memref<1x128xi32, #tpu.memory_space<vmem>> -> memref<128xi32, #tpu.memory_space<vmem>>
      %dma_start3A_312 = arith.constant 0 : i32
      %dma_start3A_313 = arith.constant 0 : i32
      %dma_start3A_314 = tpu.memref_slice %arg10[%dma_start3A_312, %dma_start3A_313] : memref<10240x16xf32, #tpu.memory_space<vmem_shared>> -> memref<10240x16xf32, #tpu.memory_space<vmem_shared>>
      tpu.enqueue_indirect_dma source(%dma_start3A_308 : memref<128x16xf32, #tpu.memory_space<vmem>>) target(%dma_start3A_314 : memref<10240x16xf32, #tpu.memory_space<vmem_shared>>) offsets(%dma_start3A_311 : memref<128xi32, #tpu.memory_space<vmem>>) semaphore(%arg26 : memref<!tpu.dma_semaphore, #tpu.memory_space<semaphore_mem>>) {add = true}
      %dma_wait3A_315 = arith.constant 0 : i32
      %dma_wait3A_316 = arith.constant 0 : i32
      %dma_wait3A_317 = arith.constant 0 : i32
      %dma_wait3A_318 = tpu.memref_slice %arg9[%dma_wait3A_315, %dma_wait3A_316, %dma_wait3A_317] : memref<8x128x16xf32, #tpu.memory_space<vmem>> -> memref<1x128x16xf32, #tpu.memory_space<vmem>>
      %dma_wait3A_319 = tpu.memref_squeeze %dma_wait3A_318 : memref<1x128x16xf32, #tpu.memory_space<vmem>> -> memref<128x16xf32, #tpu.memory_space<vmem>>
      %dma_wait3A_320 = arith.constant 0 : i32
      %dma_wait3A_321 = tpu.memref_slice %arg8[%add3A_121, %dma_wait3A_320] : memref<80x128xi32, #tpu.memory_space<vmem>> -> memref<1x128xi32, #tpu.memory_space<vmem>>
      %dma_wait3A_322 = tpu.memref_squeeze %dma_wait3A_321 : memref<1x128xi32, #tpu.memory_space<vmem>> -> memref<128xi32, #tpu.memory_space<vmem>>
      %dma_wait3A_323 = arith.constant 0 : i32
      %dma_wait3A_324 = arith.constant 0 : i32
      %dma_wait3A_325 = tpu.memref_slice %arg10[%dma_wait3A_323, %dma_wait3A_324] : memref<10240x16xf32, #tpu.memory_space<vmem_shared>> -> memref<10240x16xf32, #tpu.memory_space<vmem_shared>>
      tpu.wait_indirect_dma semaphore(%arg19 : memref<!tpu.dma_semaphore, #tpu.memory_space<semaphore_mem>>) src(%dma_wait3A_319 : memref<128x16xf32, #tpu.memory_space<vmem>>) dst(%dma_wait3A_325 : memref<10240x16xf32, #tpu.memory_space<vmem_shared>>)
      %add3A_326 = arith.constant 8 : i32
      %add3A_327 = arith.addi %add3A_107, %add3A_326 : i32
      %add3A_328 = arith.constant 0 : i32
      %add3A_329 = arith.addi %add3A_327, %add3A_328 : i32
      %lt3A = arith.constant 80 : i32
      %lt3A_330 = arith.cmpi slt, %add3A_329, %lt3A : i32
      %convert_element_type3A = arith.extui %lt3A_330 : i1 to i32
      %cond3A = arith.constant 0 : i32
      %cond3A_331 = arith.cmpi ne, %convert_element_type3A, %cond3A : i32
      scf.if %cond3A_331 {
        %add3A_472 = arith.constant 8 : i32
        %add3A_473 = arith.addi %add3A_107, %add3A_472 : i32
        %add3A_474 = arith.constant 0 : i32
        %add3A_475 = arith.addi %add3A_473, %add3A_474 : i32
        %dma_start3A_476 = arith.constant 0 : i32
        %dma_start3A_477 = arith.constant 0 : i32
        %dma_start3A_478 = arith.constant 0 : i32
        %dma_start3A_479 = tpu.memref_slice %arg9[%dma_start3A_476, %dma_start3A_477, %dma_start3A_478] : memref<8x128x16xf32, #tpu.memory_space<vmem>> -> memref<1x128x16xf32, #tpu.memory_space<vmem>>
        %dma_start3A_480 = tpu.memref_squeeze %dma_start3A_479 : memref<1x128x16xf32, #tpu.memory_space<vmem>> -> memref<128x16xf32, #tpu.memory_space<vmem>>
        %dma_start3A_481 = arith.constant 0 : i32
        %dma_start3A_482 = tpu.memref_slice %arg7[%add3A_475, %dma_start3A_481] : memref<80x128xi32, #tpu.memory_space<vmem>> -> memref<1x128xi32, #tpu.memory_space<vmem>>
        %dma_start3A_483 = tpu.memref_squeeze %dma_start3A_482 : memref<1x128xi32, #tpu.memory_space<vmem>> -> memref<128xi32, #tpu.memory_space<vmem>>
        %dma_start3A_484 = arith.constant 0 : i32
        %dma_start3A_485 = arith.constant 0 : i32
        %dma_start3A_486 = tpu.memref_slice %arg2[%dma_start3A_484, %dma_start3A_485] : memref<10240x16xf32, #tpu.memory_space<hbm>> -> memref<10240x16xf32, #tpu.memory_space<hbm>>
        tpu.enqueue_indirect_dma source(%dma_start3A_486 : memref<10240x16xf32, #tpu.memory_space<hbm>>) target(%dma_start3A_480 : memref<128x16xf32, #tpu.memory_space<vmem>>) offsets(%dma_start3A_483 : memref<128xi32, #tpu.memory_space<vmem>>) semaphore(%arg11 : memref<!tpu.dma_semaphore, #tpu.memory_space<semaphore_mem>>)
      } else {
      }
      %dma_wait3A_332 = arith.constant 1 : i32
      %dma_wait3A_333 = arith.constant 0 : i32
      %dma_wait3A_334 = arith.constant 0 : i32
      %dma_wait3A_335 = tpu.memref_slice %arg9[%dma_wait3A_332, %dma_wait3A_333, %dma_wait3A_334] : memref<8x128x16xf32, #tpu.memory_space<vmem>> -> memref<1x128x16xf32, #tpu.memory_space<vmem>>
      %dma_wait3A_336 = tpu.memref_squeeze %dma_wait3A_335 : memref<1x128x16xf32, #tpu.memory_space<vmem>> -> memref<128x16xf32, #tpu.memory_space<vmem>>
      %dma_wait3A_337 = arith.constant 0 : i32
      %dma_wait3A_338 = tpu.memref_slice %arg8[%add3A_147, %dma_wait3A_337] : memref<80x128xi32, #tpu.memory_space<vmem>> -> memref<1x128xi32, #tpu.memory_space<vmem>>
      %dma_wait3A_339 = tpu.memref_squeeze %dma_wait3A_338 : memref<1x128xi32, #tpu.memory_space<vmem>> -> memref<128xi32, #tpu.memory_space<vmem>>
      %dma_wait3A_340 = arith.constant 0 : i32
      %dma_wait3A_341 = arith.constant 0 : i32
      %dma_wait3A_342 = tpu.memref_slice %arg10[%dma_wait3A_340, %dma_wait3A_341] : memref<10240x16xf32, #tpu.memory_space<vmem_shared>> -> memref<10240x16xf32, #tpu.memory_space<vmem_shared>>
      tpu.wait_indirect_dma semaphore(%arg20 : memref<!tpu.dma_semaphore, #tpu.memory_space<semaphore_mem>>) src(%dma_wait3A_336 : memref<128x16xf32, #tpu.memory_space<vmem>>) dst(%dma_wait3A_342 : memref<10240x16xf32, #tpu.memory_space<vmem_shared>>)
      %add3A_343 = arith.constant 8 : i32
      %add3A_344 = arith.addi %add3A_107, %add3A_343 : i32
      %add3A_345 = arith.constant 1 : i32
      %add3A_346 = arith.addi %add3A_344, %add3A_345 : i32
      %lt3A_347 = arith.constant 80 : i32
      %lt3A_348 = arith.cmpi slt, %add3A_346, %lt3A_347 : i32
      %convert_element_type3A_349 = arith.extui %lt3A_348 : i1 to i32
      %cond3A_350 = arith.constant 0 : i32
      %cond3A_351 = arith.cmpi ne, %convert_element_type3A_349, %cond3A_350 : i32
      scf.if %cond3A_351 {
        %add3A_472 = arith.constant 8 : i32
        %add3A_473 = arith.addi %add3A_107, %add3A_472 : i32
        %add3A_474 = arith.constant 1 : i32
        %add3A_475 = arith.addi %add3A_473, %add3A_474 : i32
        %dma_start3A_476 = arith.constant 1 : i32
        %dma_start3A_477 = arith.constant 0 : i32
        %dma_start3A_478 = arith.constant 0 : i32
        %dma_start3A_479 = tpu.memref_slice %arg9[%dma_start3A_476, %dma_start3A_477, %dma_start3A_478] : memref<8x128x16xf32, #tpu.memory_space<vmem>> -> memref<1x128x16xf32, #tpu.memory_space<vmem>>
        %dma_start3A_480 = tpu.memref_squeeze %dma_start3A_479 : memref<1x128x16xf32, #tpu.memory_space<vmem>> -> memref<128x16xf32, #tpu.memory_space<vmem>>
        %dma_start3A_481 = arith.constant 0 : i32
        %dma_start3A_482 = tpu.memref_slice %arg7[%add3A_475, %dma_start3A_481] : memref<80x128xi32, #tpu.memory_space<vmem>> -> memref<1x128xi32, #tpu.memory_space<vmem>>
        %dma_start3A_483 = tpu.memref_squeeze %dma_start3A_482 : memref<1x128xi32, #tpu.memory_space<vmem>> -> memref<128xi32, #tpu.memory_space<vmem>>
        %dma_start3A_484 = arith.constant 0 : i32
        %dma_start3A_485 = arith.constant 0 : i32
        %dma_start3A_486 = tpu.memref_slice %arg2[%dma_start3A_484, %dma_start3A_485] : memref<10240x16xf32, #tpu.memory_space<hbm>> -> memref<10240x16xf32, #tpu.memory_space<hbm>>
        tpu.enqueue_indirect_dma source(%dma_start3A_486 : memref<10240x16xf32, #tpu.memory_space<hbm>>) target(%dma_start3A_480 : memref<128x16xf32, #tpu.memory_space<vmem>>) offsets(%dma_start3A_483 : memref<128xi32, #tpu.memory_space<vmem>>) semaphore(%arg12 : memref<!tpu.dma_semaphore, #tpu.memory_space<semaphore_mem>>)
      } else {
      }
      %dma_wait3A_352 = arith.constant 2 : i32
      %dma_wait3A_353 = arith.constant 0 : i32
      %dma_wait3A_354 = arith.constant 0 : i32
      %dma_wait3A_355 = tpu.memref_slice %arg9[%dma_wait3A_352, %dma_wait3A_353, %dma_wait3A_354] : memref<8x128x16xf32, #tpu.memory_space<vmem>> -> memref<1x128x16xf32, #tpu.memory_space<vmem>>
      %dma_wait3A_356 = tpu.memref_squeeze %dma_wait3A_355 : memref<1x128x16xf32, #tpu.memory_space<vmem>> -> memref<128x16xf32, #tpu.memory_space<vmem>>
      %dma_wait3A_357 = arith.constant 0 : i32
      %dma_wait3A_358 = tpu.memref_slice %arg8[%add3A_173, %dma_wait3A_357] : memref<80x128xi32, #tpu.memory_space<vmem>> -> memref<1x128xi32, #tpu.memory_space<vmem>>
      %dma_wait3A_359 = tpu.memref_squeeze %dma_wait3A_358 : memref<1x128xi32, #tpu.memory_space<vmem>> -> memref<128xi32, #tpu.memory_space<vmem>>
      %dma_wait3A_360 = arith.constant 0 : i32
      %dma_wait3A_361 = arith.constant 0 : i32
      %dma_wait3A_362 = tpu.memref_slice %arg10[%dma_wait3A_360, %dma_wait3A_361] : memref<10240x16xf32, #tpu.memory_space<vmem_shared>> -> memref<10240x16xf32, #tpu.memory_space<vmem_shared>>
      tpu.wait_indirect_dma semaphore(%arg21 : memref<!tpu.dma_semaphore, #tpu.memory_space<semaphore_mem>>) src(%dma_wait3A_356 : memref<128x16xf32, #tpu.memory_space<vmem>>) dst(%dma_wait3A_362 : memref<10240x16xf32, #tpu.memory_space<vmem_shared>>)
      %add3A_363 = arith.constant 8 : i32
      %add3A_364 = arith.addi %add3A_107, %add3A_363 : i32
      %add3A_365 = arith.constant 2 : i32
      %add3A_366 = arith.addi %add3A_364, %add3A_365 : i32
      %lt3A_367 = arith.constant 80 : i32
      %lt3A_368 = arith.cmpi slt, %add3A_366, %lt3A_367 : i32
      %convert_element_type3A_369 = arith.extui %lt3A_368 : i1 to i32
      %cond3A_370 = arith.constant 0 : i32
      %cond3A_371 = arith.cmpi ne, %convert_element_type3A_369, %cond3A_370 : i32
      scf.if %cond3A_371 {
        %add3A_472 = arith.constant 8 : i32
        %add3A_473 = arith.addi %add3A_107, %add3A_472 : i32
        %add3A_474 = arith.constant 2 : i32
        %add3A_475 = arith.addi %add3A_473, %add3A_474 : i32
        %dma_start3A_476 = arith.constant 2 : i32
        %dma_start3A_477 = arith.constant 0 : i32
        %dma_start3A_478 = arith.constant 0 : i32
        %dma_start3A_479 = tpu.memref_slice %arg9[%dma_start3A_476, %dma_start3A_477, %dma_start3A_478] : memref<8x128x16xf32, #tpu.memory_space<vmem>> -> memref<1x128x16xf32, #tpu.memory_space<vmem>>
        %dma_start3A_480 = tpu.memref_squeeze %dma_start3A_479 : memref<1x128x16xf32, #tpu.memory_space<vmem>> -> memref<128x16xf32, #tpu.memory_space<vmem>>
        %dma_start3A_481 = arith.constant 0 : i32
        %dma_start3A_482 = tpu.memref_slice %arg7[%add3A_475, %dma_start3A_481] : memref<80x128xi32, #tpu.memory_space<vmem>> -> memref<1x128xi32, #tpu.memory_space<vmem>>
        %dma_start3A_483 = tpu.memref_squeeze %dma_start3A_482 : memref<1x128xi32, #tpu.memory_space<vmem>> -> memref<128xi32, #tpu.memory_space<vmem>>
        %dma_start3A_484 = arith.constant 0 : i32
        %dma_start3A_485 = arith.constant 0 : i32
        %dma_start3A_486 = tpu.memref_slice %arg2[%dma_start3A_484, %dma_start3A_485] : memref<10240x16xf32, #tpu.memory_space<hbm>> -> memref<10240x16xf32, #tpu.memory_space<hbm>>
        tpu.enqueue_indirect_dma source(%dma_start3A_486 : memref<10240x16xf32, #tpu.memory_space<hbm>>) target(%dma_start3A_480 : memref<128x16xf32, #tpu.memory_space<vmem>>) offsets(%dma_start3A_483 : memref<128xi32, #tpu.memory_space<vmem>>) semaphore(%arg13 : memref<!tpu.dma_semaphore, #tpu.memory_space<semaphore_mem>>)
      } else {
      }
      %dma_wait3A_372 = arith.constant 3 : i32
      %dma_wait3A_373 = arith.constant 0 : i32
      %dma_wait3A_374 = arith.constant 0 : i32
      %dma_wait3A_375 = tpu.memref_slice %arg9[%dma_wait3A_372, %dma_wait3A_373, %dma_wait3A_374] : memref<8x128x16xf32, #tpu.memory_space<vmem>> -> memref<1x128x16xf32, #tpu.memory_space<vmem>>
      %dma_wait3A_376 = tpu.memref_squeeze %dma_wait3A_375 : memref<1x128x16xf32, #tpu.memory_space<vmem>> -> memref<128x16xf32, #tpu.memory_space<vmem>>
      %dma_wait3A_377 = arith.constant 0 : i32
      %dma_wait3A_378 = tpu.memref_slice %arg8[%add3A_199, %dma_wait3A_377] : memref<80x128xi32, #tpu.memory_space<vmem>> -> memref<1x128xi32, #tpu.memory_space<vmem>>
      %dma_wait3A_379 = tpu.memref_squeeze %dma_wait3A_378 : memref<1x128xi32, #tpu.memory_space<vmem>> -> memref<128xi32, #tpu.memory_space<vmem>>
      %dma_wait3A_380 = arith.constant 0 : i32
      %dma_wait3A_381 = arith.constant 0 : i32
      %dma_wait3A_382 = tpu.memref_slice %arg10[%dma_wait3A_380, %dma_wait3A_381] : memref<10240x16xf32, #tpu.memory_space<vmem_shared>> -> memref<10240x16xf32, #tpu.memory_space<vmem_shared>>
      tpu.wait_indirect_dma semaphore(%arg22 : memref<!tpu.dma_semaphore, #tpu.memory_space<semaphore_mem>>) src(%dma_wait3A_376 : memref<128x16xf32, #tpu.memory_space<vmem>>) dst(%dma_wait3A_382 : memref<10240x16xf32, #tpu.memory_space<vmem_shared>>)
      %add3A_383 = arith.constant 8 : i32
      %add3A_384 = arith.addi %add3A_107, %add3A_383 : i32
      %add3A_385 = arith.constant 3 : i32
      %add3A_386 = arith.addi %add3A_384, %add3A_385 : i32
      %lt3A_387 = arith.constant 80 : i32
      %lt3A_388 = arith.cmpi slt, %add3A_386, %lt3A_387 : i32
      %convert_element_type3A_389 = arith.extui %lt3A_388 : i1 to i32
      %cond3A_390 = arith.constant 0 : i32
      %cond3A_391 = arith.cmpi ne, %convert_element_type3A_389, %cond3A_390 : i32
      scf.if %cond3A_391 {
        %add3A_472 = arith.constant 8 : i32
        %add3A_473 = arith.addi %add3A_107, %add3A_472 : i32
        %add3A_474 = arith.constant 3 : i32
        %add3A_475 = arith.addi %add3A_473, %add3A_474 : i32
        %dma_start3A_476 = arith.constant 3 : i32
        %dma_start3A_477 = arith.constant 0 : i32
        %dma_start3A_478 = arith.constant 0 : i32
        %dma_start3A_479 = tpu.memref_slice %arg9[%dma_start3A_476, %dma_start3A_477, %dma_start3A_478] : memref<8x128x16xf32, #tpu.memory_space<vmem>> -> memref<1x128x16xf32, #tpu.memory_space<vmem>>
        %dma_start3A_480 = tpu.memref_squeeze %dma_start3A_479 : memref<1x128x16xf32, #tpu.memory_space<vmem>> -> memref<128x16xf32, #tpu.memory_space<vmem>>
        %dma_start3A_481 = arith.constant 0 : i32
        %dma_start3A_482 = tpu.memref_slice %arg7[%add3A_475, %dma_start3A_481] : memref<80x128xi32, #tpu.memory_space<vmem>> -> memref<1x128xi32, #tpu.memory_space<vmem>>
        %dma_start3A_483 = tpu.memref_squeeze %dma_start3A_482 : memref<1x128xi32, #tpu.memory_space<vmem>> -> memref<128xi32, #tpu.memory_space<vmem>>
        %dma_start3A_484 = arith.constant 0 : i32
        %dma_start3A_485 = arith.constant 0 : i32
        %dma_start3A_486 = tpu.memref_slice %arg2[%dma_start3A_484, %dma_start3A_485] : memref<10240x16xf32, #tpu.memory_space<hbm>> -> memref<10240x16xf32, #tpu.memory_space<hbm>>
        tpu.enqueue_indirect_dma source(%dma_start3A_486 : memref<10240x16xf32, #tpu.memory_space<hbm>>) target(%dma_start3A_480 : memref<128x16xf32, #tpu.memory_space<vmem>>) offsets(%dma_start3A_483 : memref<128xi32, #tpu.memory_space<vmem>>) semaphore(%arg14 : memref<!tpu.dma_semaphore, #tpu.memory_space<semaphore_mem>>)
      } else {
      }
      %dma_wait3A_392 = arith.constant 4 : i32
      %dma_wait3A_393 = arith.constant 0 : i32
      %dma_wait3A_394 = arith.constant 0 : i32
      %dma_wait3A_395 = tpu.memref_slice %arg9[%dma_wait3A_392, %dma_wait3A_393, %dma_wait3A_394] : memref<8x128x16xf32, #tpu.memory_space<vmem>> -> memref<1x128x16xf32, #tpu.memory_space<vmem>>
      %dma_wait3A_396 = tpu.memref_squeeze %dma_wait3A_395 : memref<1x128x16xf32, #tpu.memory_space<vmem>> -> memref<128x16xf32, #tpu.memory_space<vmem>>
      %dma_wait3A_397 = arith.constant 0 : i32
      %dma_wait3A_398 = tpu.memref_slice %arg8[%add3A_225, %dma_wait3A_397] : memref<80x128xi32, #tpu.memory_space<vmem>> -> memref<1x128xi32, #tpu.memory_space<vmem>>
      %dma_wait3A_399 = tpu.memref_squeeze %dma_wait3A_398 : memref<1x128xi32, #tpu.memory_space<vmem>> -> memref<128xi32, #tpu.memory_space<vmem>>
      %dma_wait3A_400 = arith.constant 0 : i32
      %dma_wait3A_401 = arith.constant 0 : i32
      %dma_wait3A_402 = tpu.memref_slice %arg10[%dma_wait3A_400, %dma_wait3A_401] : memref<10240x16xf32, #tpu.memory_space<vmem_shared>> -> memref<10240x16xf32, #tpu.memory_space<vmem_shared>>
      tpu.wait_indirect_dma semaphore(%arg23 : memref<!tpu.dma_semaphore, #tpu.memory_space<semaphore_mem>>) src(%dma_wait3A_396 : memref<128x16xf32, #tpu.memory_space<vmem>>) dst(%dma_wait3A_402 : memref<10240x16xf32, #tpu.memory_space<vmem_shared>>)
      %add3A_403 = arith.constant 8 : i32
      %add3A_404 = arith.addi %add3A_107, %add3A_403 : i32
      %add3A_405 = arith.constant 4 : i32
      %add3A_406 = arith.addi %add3A_404, %add3A_405 : i32
      %lt3A_407 = arith.constant 80 : i32
      %lt3A_408 = arith.cmpi slt, %add3A_406, %lt3A_407 : i32
      %convert_element_type3A_409 = arith.extui %lt3A_408 : i1 to i32
      %cond3A_410 = arith.constant 0 : i32
      %cond3A_411 = arith.cmpi ne, %convert_element_type3A_409, %cond3A_410 : i32
      scf.if %cond3A_411 {
        %add3A_472 = arith.constant 8 : i32
        %add3A_473 = arith.addi %add3A_107, %add3A_472 : i32
        %add3A_474 = arith.constant 4 : i32
        %add3A_475 = arith.addi %add3A_473, %add3A_474 : i32
        %dma_start3A_476 = arith.constant 4 : i32
        %dma_start3A_477 = arith.constant 0 : i32
        %dma_start3A_478 = arith.constant 0 : i32
        %dma_start3A_479 = tpu.memref_slice %arg9[%dma_start3A_476, %dma_start3A_477, %dma_start3A_478] : memref<8x128x16xf32, #tpu.memory_space<vmem>> -> memref<1x128x16xf32, #tpu.memory_space<vmem>>
        %dma_start3A_480 = tpu.memref_squeeze %dma_start3A_479 : memref<1x128x16xf32, #tpu.memory_space<vmem>> -> memref<128x16xf32, #tpu.memory_space<vmem>>
        %dma_start3A_481 = arith.constant 0 : i32
        %dma_start3A_482 = tpu.memref_slice %arg7[%add3A_475, %dma_start3A_481] : memref<80x128xi32, #tpu.memory_space<vmem>> -> memref<1x128xi32, #tpu.memory_space<vmem>>
        %dma_start3A_483 = tpu.memref_squeeze %dma_start3A_482 : memref<1x128xi32, #tpu.memory_space<vmem>> -> memref<128xi32, #tpu.memory_space<vmem>>
        %dma_start3A_484 = arith.constant 0 : i32
        %dma_start3A_485 = arith.constant 0 : i32
        %dma_start3A_486 = tpu.memref_slice %arg2[%dma_start3A_484, %dma_start3A_485] : memref<10240x16xf32, #tpu.memory_space<hbm>> -> memref<10240x16xf32, #tpu.memory_space<hbm>>
        tpu.enqueue_indirect_dma source(%dma_start3A_486 : memref<10240x16xf32, #tpu.memory_space<hbm>>) target(%dma_start3A_480 : memref<128x16xf32, #tpu.memory_space<vmem>>) offsets(%dma_start3A_483 : memref<128xi32, #tpu.memory_space<vmem>>) semaphore(%arg15 : memref<!tpu.dma_semaphore, #tpu.memory_space<semaphore_mem>>)
      } else {
      }
      %dma_wait3A_412 = arith.constant 5 : i32
      %dma_wait3A_413 = arith.constant 0 : i32
      %dma_wait3A_414 = arith.constant 0 : i32
      %dma_wait3A_415 = tpu.memref_slice %arg9[%dma_wait3A_412, %dma_wait3A_413, %dma_wait3A_414] : memref<8x128x16xf32, #tpu.memory_space<vmem>> -> memref<1x128x16xf32, #tpu.memory_space<vmem>>
      %dma_wait3A_416 = tpu.memref_squeeze %dma_wait3A_415 : memref<1x128x16xf32, #tpu.memory_space<vmem>> -> memref<128x16xf32, #tpu.memory_space<vmem>>
      %dma_wait3A_417 = arith.constant 0 : i32
      %dma_wait3A_418 = tpu.memref_slice %arg8[%add3A_251, %dma_wait3A_417] : memref<80x128xi32, #tpu.memory_space<vmem>> -> memref<1x128xi32, #tpu.memory_space<vmem>>
      %dma_wait3A_419 = tpu.memref_squeeze %dma_wait3A_418 : memref<1x128xi32, #tpu.memory_space<vmem>> -> memref<128xi32, #tpu.memory_space<vmem>>
      %dma_wait3A_420 = arith.constant 0 : i32
      %dma_wait3A_421 = arith.constant 0 : i32
      %dma_wait3A_422 = tpu.memref_slice %arg10[%dma_wait3A_420, %dma_wait3A_421] : memref<10240x16xf32, #tpu.memory_space<vmem_shared>> -> memref<10240x16xf32, #tpu.memory_space<vmem_shared>>
      tpu.wait_indirect_dma semaphore(%arg24 : memref<!tpu.dma_semaphore, #tpu.memory_space<semaphore_mem>>) src(%dma_wait3A_416 : memref<128x16xf32, #tpu.memory_space<vmem>>) dst(%dma_wait3A_422 : memref<10240x16xf32, #tpu.memory_space<vmem_shared>>)
      %add3A_423 = arith.constant 8 : i32
      %add3A_424 = arith.addi %add3A_107, %add3A_423 : i32
      %add3A_425 = arith.constant 5 : i32
      %add3A_426 = arith.addi %add3A_424, %add3A_425 : i32
      %lt3A_427 = arith.constant 80 : i32
      %lt3A_428 = arith.cmpi slt, %add3A_426, %lt3A_427 : i32
      %convert_element_type3A_429 = arith.extui %lt3A_428 : i1 to i32
      %cond3A_430 = arith.constant 0 : i32
      %cond3A_431 = arith.cmpi ne, %convert_element_type3A_429, %cond3A_430 : i32
      scf.if %cond3A_431 {
        %add3A_472 = arith.constant 8 : i32
        %add3A_473 = arith.addi %add3A_107, %add3A_472 : i32
        %add3A_474 = arith.constant 5 : i32
        %add3A_475 = arith.addi %add3A_473, %add3A_474 : i32
        %dma_start3A_476 = arith.constant 5 : i32
        %dma_start3A_477 = arith.constant 0 : i32
        %dma_start3A_478 = arith.constant 0 : i32
        %dma_start3A_479 = tpu.memref_slice %arg9[%dma_start3A_476, %dma_start3A_477, %dma_start3A_478] : memref<8x128x16xf32, #tpu.memory_space<vmem>> -> memref<1x128x16xf32, #tpu.memory_space<vmem>>
        %dma_start3A_480 = tpu.memref_squeeze %dma_start3A_479 : memref<1x128x16xf32, #tpu.memory_space<vmem>> -> memref<128x16xf32, #tpu.memory_space<vmem>>
        %dma_start3A_481 = arith.constant 0 : i32
        %dma_start3A_482 = tpu.memref_slice %arg7[%add3A_475, %dma_start3A_481] : memref<80x128xi32, #tpu.memory_space<vmem>> -> memref<1x128xi32, #tpu.memory_space<vmem>>
        %dma_start3A_483 = tpu.memref_squeeze %dma_start3A_482 : memref<1x128xi32, #tpu.memory_space<vmem>> -> memref<128xi32, #tpu.memory_space<vmem>>
        %dma_start3A_484 = arith.constant 0 : i32
        %dma_start3A_485 = arith.constant 0 : i32
        %dma_start3A_486 = tpu.memref_slice %arg2[%dma_start3A_484, %dma_start3A_485] : memref<10240x16xf32, #tpu.memory_space<hbm>> -> memref<10240x16xf32, #tpu.memory_space<hbm>>
        tpu.enqueue_indirect_dma source(%dma_start3A_486 : memref<10240x16xf32, #tpu.memory_space<hbm>>) target(%dma_start3A_480 : memref<128x16xf32, #tpu.memory_space<vmem>>) offsets(%dma_start3A_483 : memref<128xi32, #tpu.memory_space<vmem>>) semaphore(%arg16 : memref<!tpu.dma_semaphore, #tpu.memory_space<semaphore_mem>>)
      } else {
      }
      %dma_wait3A_432 = arith.constant 6 : i32
      %dma_wait3A_433 = arith.constant 0 : i32
      %dma_wait3A_434 = arith.constant 0 : i32
      %dma_wait3A_435 = tpu.memref_slice %arg9[%dma_wait3A_432, %dma_wait3A_433, %dma_wait3A_434] : memref<8x128x16xf32, #tpu.memory_space<vmem>> -> memref<1x128x16xf32, #tpu.memory_space<vmem>>
      %dma_wait3A_436 = tpu.memref_squeeze %dma_wait3A_435 : memref<1x128x16xf32, #tpu.memory_space<vmem>> -> memref<128x16xf32, #tpu.memory_space<vmem>>
      %dma_wait3A_437 = arith.constant 0 : i32
      %dma_wait3A_438 = tpu.memref_slice %arg8[%add3A_277, %dma_wait3A_437] : memref<80x128xi32, #tpu.memory_space<vmem>> -> memref<1x128xi32, #tpu.memory_space<vmem>>
      %dma_wait3A_439 = tpu.memref_squeeze %dma_wait3A_438 : memref<1x128xi32, #tpu.memory_space<vmem>> -> memref<128xi32, #tpu.memory_space<vmem>>
      %dma_wait3A_440 = arith.constant 0 : i32
      %dma_wait3A_441 = arith.constant 0 : i32
      %dma_wait3A_442 = tpu.memref_slice %arg10[%dma_wait3A_440, %dma_wait3A_441] : memref<10240x16xf32, #tpu.memory_space<vmem_shared>> -> memref<10240x16xf32, #tpu.memory_space<vmem_shared>>
      tpu.wait_indirect_dma semaphore(%arg25 : memref<!tpu.dma_semaphore, #tpu.memory_space<semaphore_mem>>) src(%dma_wait3A_436 : memref<128x16xf32, #tpu.memory_space<vmem>>) dst(%dma_wait3A_442 : memref<10240x16xf32, #tpu.memory_space<vmem_shared>>)
      %add3A_443 = arith.constant 8 : i32
      %add3A_444 = arith.addi %add3A_107, %add3A_443 : i32
      %add3A_445 = arith.constant 6 : i32
      %add3A_446 = arith.addi %add3A_444, %add3A_445 : i32
      %lt3A_447 = arith.constant 80 : i32
      %lt3A_448 = arith.cmpi slt, %add3A_446, %lt3A_447 : i32
      %convert_element_type3A_449 = arith.extui %lt3A_448 : i1 to i32
      %cond3A_450 = arith.constant 0 : i32
      %cond3A_451 = arith.cmpi ne, %convert_element_type3A_449, %cond3A_450 : i32
      scf.if %cond3A_451 {
        %add3A_472 = arith.constant 8 : i32
        %add3A_473 = arith.addi %add3A_107, %add3A_472 : i32
        %add3A_474 = arith.constant 6 : i32
        %add3A_475 = arith.addi %add3A_473, %add3A_474 : i32
        %dma_start3A_476 = arith.constant 6 : i32
        %dma_start3A_477 = arith.constant 0 : i32
        %dma_start3A_478 = arith.constant 0 : i32
        %dma_start3A_479 = tpu.memref_slice %arg9[%dma_start3A_476, %dma_start3A_477, %dma_start3A_478] : memref<8x128x16xf32, #tpu.memory_space<vmem>> -> memref<1x128x16xf32, #tpu.memory_space<vmem>>
        %dma_start3A_480 = tpu.memref_squeeze %dma_start3A_479 : memref<1x128x16xf32, #tpu.memory_space<vmem>> -> memref<128x16xf32, #tpu.memory_space<vmem>>
        %dma_start3A_481 = arith.constant 0 : i32
        %dma_start3A_482 = tpu.memref_slice %arg7[%add3A_475, %dma_start3A_481] : memref<80x128xi32, #tpu.memory_space<vmem>> -> memref<1x128xi32, #tpu.memory_space<vmem>>
        %dma_start3A_483 = tpu.memref_squeeze %dma_start3A_482 : memref<1x128xi32, #tpu.memory_space<vmem>> -> memref<128xi32, #tpu.memory_space<vmem>>
        %dma_start3A_484 = arith.constant 0 : i32
        %dma_start3A_485 = arith.constant 0 : i32
        %dma_start3A_486 = tpu.memref_slice %arg2[%dma_start3A_484, %dma_start3A_485] : memref<10240x16xf32, #tpu.memory_space<hbm>> -> memref<10240x16xf32, #tpu.memory_space<hbm>>
        tpu.enqueue_indirect_dma source(%dma_start3A_486 : memref<10240x16xf32, #tpu.memory_space<hbm>>) target(%dma_start3A_480 : memref<128x16xf32, #tpu.memory_space<vmem>>) offsets(%dma_start3A_483 : memref<128xi32, #tpu.memory_space<vmem>>) semaphore(%arg17 : memref<!tpu.dma_semaphore, #tpu.memory_space<semaphore_mem>>)
      } else {
      }
      %dma_wait3A_452 = arith.constant 7 : i32
      %dma_wait3A_453 = arith.constant 0 : i32
      %dma_wait3A_454 = arith.constant 0 : i32
      %dma_wait3A_455 = tpu.memref_slice %arg9[%dma_wait3A_452, %dma_wait3A_453, %dma_wait3A_454] : memref<8x128x16xf32, #tpu.memory_space<vmem>> -> memref<1x128x16xf32, #tpu.memory_space<vmem>>
      %dma_wait3A_456 = tpu.memref_squeeze %dma_wait3A_455 : memref<1x128x16xf32, #tpu.memory_space<vmem>> -> memref<128x16xf32, #tpu.memory_space<vmem>>
      %dma_wait3A_457 = arith.constant 0 : i32
      %dma_wait3A_458 = tpu.memref_slice %arg8[%add3A_303, %dma_wait3A_457] : memref<80x128xi32, #tpu.memory_space<vmem>> -> memref<1x128xi32, #tpu.memory_space<vmem>>
      %dma_wait3A_459 = tpu.memref_squeeze %dma_wait3A_458 : memref<1x128xi32, #tpu.memory_space<vmem>> -> memref<128xi32, #tpu.memory_space<vmem>>
      %dma_wait3A_460 = arith.constant 0 : i32
      %dma_wait3A_461 = arith.constant 0 : i32
      %dma_wait3A_462 = tpu.memref_slice %arg10[%dma_wait3A_460, %dma_wait3A_461] : memref<10240x16xf32, #tpu.memory_space<vmem_shared>> -> memref<10240x16xf32, #tpu.memory_space<vmem_shared>>
      tpu.wait_indirect_dma semaphore(%arg26 : memref<!tpu.dma_semaphore, #tpu.memory_space<semaphore_mem>>) src(%dma_wait3A_456 : memref<128x16xf32, #tpu.memory_space<vmem>>) dst(%dma_wait3A_462 : memref<10240x16xf32, #tpu.memory_space<vmem_shared>>)
      %add3A_463 = arith.constant 8 : i32
      %add3A_464 = arith.addi %add3A_107, %add3A_463 : i32
      %add3A_465 = arith.constant 7 : i32
      %add3A_466 = arith.addi %add3A_464, %add3A_465 : i32
      %lt3A_467 = arith.constant 80 : i32
      %lt3A_468 = arith.cmpi slt, %add3A_466, %lt3A_467 : i32
      %convert_element_type3A_469 = arith.extui %lt3A_468 : i1 to i32
      %cond3A_470 = arith.constant 0 : i32
      %cond3A_471 = arith.cmpi ne, %convert_element_type3A_469, %cond3A_470 : i32
      scf.if %cond3A_471 {
        %add3A_472 = arith.constant 8 : i32
        %add3A_473 = arith.addi %add3A_107, %add3A_472 : i32
        %add3A_474 = arith.constant 7 : i32
        %add3A_475 = arith.addi %add3A_473, %add3A_474 : i32
        %dma_start3A_476 = arith.constant 7 : i32
        %dma_start3A_477 = arith.constant 0 : i32
        %dma_start3A_478 = arith.constant 0 : i32
        %dma_start3A_479 = tpu.memref_slice %arg9[%dma_start3A_476, %dma_start3A_477, %dma_start3A_478] : memref<8x128x16xf32, #tpu.memory_space<vmem>> -> memref<1x128x16xf32, #tpu.memory_space<vmem>>
        %dma_start3A_480 = tpu.memref_squeeze %dma_start3A_479 : memref<1x128x16xf32, #tpu.memory_space<vmem>> -> memref<128x16xf32, #tpu.memory_space<vmem>>
        %dma_start3A_481 = arith.constant 0 : i32
        %dma_start3A_482 = tpu.memref_slice %arg7[%add3A_475, %dma_start3A_481] : memref<80x128xi32, #tpu.memory_space<vmem>> -> memref<1x128xi32, #tpu.memory_space<vmem>>
        %dma_start3A_483 = tpu.memref_squeeze %dma_start3A_482 : memref<1x128xi32, #tpu.memory_space<vmem>> -> memref<128xi32, #tpu.memory_space<vmem>>
        %dma_start3A_484 = arith.constant 0 : i32
        %dma_start3A_485 = arith.constant 0 : i32
        %dma_start3A_486 = tpu.memref_slice %arg2[%dma_start3A_484, %dma_start3A_485] : memref<10240x16xf32, #tpu.memory_space<hbm>> -> memref<10240x16xf32, #tpu.memory_space<hbm>>
        tpu.enqueue_indirect_dma source(%dma_start3A_486 : memref<10240x16xf32, #tpu.memory_space<hbm>>) target(%dma_start3A_480 : memref<128x16xf32, #tpu.memory_space<vmem>>) offsets(%dma_start3A_483 : memref<128xi32, #tpu.memory_space<vmem>>) semaphore(%arg18 : memref<!tpu.dma_semaphore, #tpu.memory_space<semaphore_mem>>)
      } else {
      }
    }
    %scan3A_101 = arith.constant 10 : i32
    %barrier3A_102 = arith.constant 0 : index
    tpu.barrier barrier_id(%barrier3A_102)
    "tpu.region"() ({
      %run_scoped3A = tpu.sem_alloc : memref<!tpu.dma_semaphore, #tpu.memory_space<semaphore_mem>>
      %dma_start3A_103 = arith.constant 0 : i32
      %dma_start3A_104 = tpu.memref_slice %arg6[%arg0, %mul3A_2, %dma_start3A_103] : memref<2x10240x16xf32, #tpu.memory_space<hbm>> -> memref<1x640x16xf32, #tpu.memory_space<hbm>>
      %dma_start3A_105 = tpu.memref_squeeze %dma_start3A_104 : memref<1x640x16xf32, #tpu.memory_space<hbm>> -> memref<640x16xf32, #tpu.memory_space<hbm>>
      %dma_start3A_106 = arith.constant 0 : i32
      %dma_start3A_107 = tpu.memref_slice %arg10[%mul3A_2, %dma_start3A_106] : memref<10240x16xf32, #tpu.memory_space<vmem_shared>> -> memref<640x16xf32, #tpu.memory_space<vmem_shared>>
      tpu.enqueue_dma source(%dma_start3A_107 : memref<640x16xf32, #tpu.memory_space<vmem_shared>>) target(%dma_start3A_105 : memref<640x16xf32, #tpu.memory_space<hbm>>) target_semaphore(%run_scoped3A : memref<!tpu.dma_semaphore, #tpu.memory_space<semaphore_mem>>)
      %dma_wait3A = arith.constant 0 : i32
      %dma_wait3A_108 = tpu.memref_slice %arg6[%arg0, %mul3A_2, %dma_wait3A] : memref<2x10240x16xf32, #tpu.memory_space<hbm>> -> memref<1x640x16xf32, #tpu.memory_space<hbm>>
      %dma_wait3A_109 = tpu.memref_squeeze %dma_wait3A_108 : memref<1x640x16xf32, #tpu.memory_space<hbm>> -> memref<640x16xf32, #tpu.memory_space<hbm>>
      %dma_wait3A_110 = arith.constant 0 : i32
      %dma_wait3A_111 = tpu.memref_slice %arg10[%mul3A_2, %dma_wait3A_110] : memref<10240x16xf32, #tpu.memory_space<vmem_shared>> -> memref<640x16xf32, #tpu.memory_space<vmem_shared>>
      tpu.wait_dma2 semaphore(%run_scoped3A : memref<!tpu.dma_semaphore, #tpu.memory_space<semaphore_mem>>) src(%dma_wait3A_111 : memref<640x16xf32, #tpu.memory_space<vmem_shared>>) dst(%dma_wait3A_109 : memref<640x16xf32, #tpu.memory_space<hbm>>)
      tpu.yield
    }) : () -> ()
    return
  }
}

#map = affine_map<(d0, d1) -> (0, 0, 0)>
#map1 = affine_map<(d0, d1) -> (0, 0)>
module attributes {stable_mosaic.version = 14 : i64} {
  func.func @deg_kernel(%arg0: i32, %arg1: i32, %arg2: memref<32x80x128xi32, #tpu.memory_space<hbm>>, %arg3: memref<128x16xf32, #tpu.memory_space<hbm>>, %arg4: memref<10240x16xf32, #tpu.memory_space<hbm>>, %arg5: memref<2x10240x16xf32, #tpu.memory_space<hbm>>, %arg6: memref<80x128xi32, #tpu.memory_space<vmem>>, %arg7: memref<128x16xf32, #tpu.memory_space<vmem>>, %arg8: memref<10240x16xf32, #tpu.memory_space<vmem_shared>>, %arg9: memref<!tpu.dma_semaphore, #tpu.memory_space<semaphore_mem>>, %arg10: memref<!tpu.dma_semaphore, #tpu.memory_space<semaphore_mem>>, %arg11: memref<!tpu.dma_semaphore, #tpu.memory_space<semaphore_mem>>, %arg12: memref<!tpu.dma_semaphore, #tpu.memory_space<semaphore_mem>>, %arg13: memref<!tpu.dma_semaphore, #tpu.memory_space<semaphore_mem>>, %arg14: memref<!tpu.dma_semaphore, #tpu.memory_space<semaphore_mem>>, %arg15: memref<!tpu.dma_semaphore, #tpu.memory_space<semaphore_mem>>, %arg16: memref<!tpu.dma_semaphore, #tpu.memory_space<semaphore_mem>>) attributes {dimension_semantics = [#tpu.dimension_semantics<core_parallel>, #tpu.dimension_semantics<subcore_parallel>], iteration_bounds = array<i64: 2, 16>, scalar_prefetch = 0 : i64, scratch_operands = 11 : i64, tpu.core_type = #tpu.core_type<sc_vector_subcore>, window_params = [{transform_indices = #map}, {transform_indices = #map1}, {transform_indices = #map1}, {transform_indices = #map}]} {
    %mul3A = arith.constant 2 : i32
    %mul3A_0 = arith.muli %arg1, %mul3A : i32
    %add3A = arith.addi %mul3A_0, %arg0 : i32
    %mul3A_1 = arith.constant 640 : i32
    %mul3A_2 = arith.muli %arg1, %mul3A_1 : i32
    "tpu.region"() ({
      %run_scoped3A = tpu.sem_alloc : memref<!tpu.dma_semaphore, #tpu.memory_space<semaphore_mem>>
      %dma_start3A = arith.constant 0 : i32
      %dma_start3A_8 = tpu.memref_slice %arg8[%mul3A_2, %dma_start3A] : memref<10240x16xf32, #tpu.memory_space<vmem_shared>> -> memref<640x16xf32, #tpu.memory_space<vmem_shared>>
      %dma_start3A_9 = arith.constant 0 : i32
      %dma_start3A_10 = tpu.memref_slice %arg4[%mul3A_2, %dma_start3A_9] : memref<10240x16xf32, #tpu.memory_space<hbm>> -> memref<640x16xf32, #tpu.memory_space<hbm>>
      tpu.enqueue_dma source(%dma_start3A_10 : memref<640x16xf32, #tpu.memory_space<hbm>>) target(%dma_start3A_8 : memref<640x16xf32, #tpu.memory_space<vmem_shared>>) target_semaphore(%run_scoped3A : memref<!tpu.dma_semaphore, #tpu.memory_space<semaphore_mem>>)
      %dma_wait3A = arith.constant 0 : i32
      %dma_wait3A_11 = tpu.memref_slice %arg8[%mul3A_2, %dma_wait3A] : memref<10240x16xf32, #tpu.memory_space<vmem_shared>> -> memref<640x16xf32, #tpu.memory_space<vmem_shared>>
      %dma_wait3A_12 = arith.constant 0 : i32
      %dma_wait3A_13 = tpu.memref_slice %arg4[%mul3A_2, %dma_wait3A_12] : memref<10240x16xf32, #tpu.memory_space<hbm>> -> memref<640x16xf32, #tpu.memory_space<hbm>>
      tpu.wait_dma2 semaphore(%run_scoped3A : memref<!tpu.dma_semaphore, #tpu.memory_space<semaphore_mem>>) src(%dma_wait3A_13 : memref<640x16xf32, #tpu.memory_space<hbm>>) dst(%dma_wait3A_11 : memref<640x16xf32, #tpu.memory_space<vmem_shared>>)
      tpu.yield
    }) : () -> ()
    "tpu.region"() ({
      %run_scoped3A = tpu.sem_alloc : memref<!tpu.dma_semaphore, #tpu.memory_space<semaphore_mem>>
      tpu.enqueue_dma source(%arg3 : memref<128x16xf32, #tpu.memory_space<hbm>>) target(%arg7 : memref<128x16xf32, #tpu.memory_space<vmem>>) target_semaphore(%run_scoped3A : memref<!tpu.dma_semaphore, #tpu.memory_space<semaphore_mem>>)
      tpu.wait_dma2 semaphore(%run_scoped3A : memref<!tpu.dma_semaphore, #tpu.memory_space<semaphore_mem>>) src(%arg3 : memref<128x16xf32, #tpu.memory_space<hbm>>) dst(%arg7 : memref<128x16xf32, #tpu.memory_space<vmem>>)
      tpu.yield
    }) : () -> ()
    "tpu.region"() ({
      %run_scoped3A = tpu.sem_alloc : memref<!tpu.dma_semaphore, #tpu.memory_space<semaphore_mem>>
      %dma_start3A = arith.constant 0 : i32
      %dma_start3A_8 = arith.constant 0 : i32
      %dma_start3A_9 = tpu.memref_slice %arg2[%add3A, %dma_start3A, %dma_start3A_8] : memref<32x80x128xi32, #tpu.memory_space<hbm>> -> memref<1x80x128xi32, #tpu.memory_space<hbm>>
      %dma_start3A_10 = tpu.memref_squeeze %dma_start3A_9 : memref<1x80x128xi32, #tpu.memory_space<hbm>> -> memref<80x128xi32, #tpu.memory_space<hbm>>
      %dma_start3A_11 = arith.constant 0 : i32
      %dma_start3A_12 = arith.constant 0 : i32
      %dma_start3A_13 = tpu.memref_slice %arg2[%add3A, %dma_start3A_11, %dma_start3A_12] : memref<32x80x128xi32, #tpu.memory_space<hbm>> -> memref<1x80x128xi32, #tpu.memory_space<hbm>>
      %dma_start3A_14 = tpu.memref_squeeze %dma_start3A_13 : memref<1x80x128xi32, #tpu.memory_space<hbm>> -> memref<80x128xi32, #tpu.memory_space<hbm>>
      tpu.enqueue_dma source(%dma_start3A_14 : memref<80x128xi32, #tpu.memory_space<hbm>>) target(%arg6 : memref<80x128xi32, #tpu.memory_space<vmem>>) target_semaphore(%run_scoped3A : memref<!tpu.dma_semaphore, #tpu.memory_space<semaphore_mem>>)
      %dma_wait3A = arith.constant 0 : i32
      %dma_wait3A_15 = arith.constant 0 : i32
      %dma_wait3A_16 = tpu.memref_slice %arg2[%add3A, %dma_wait3A, %dma_wait3A_15] : memref<32x80x128xi32, #tpu.memory_space<hbm>> -> memref<1x80x128xi32, #tpu.memory_space<hbm>>
      %dma_wait3A_17 = tpu.memref_squeeze %dma_wait3A_16 : memref<1x80x128xi32, #tpu.memory_space<hbm>> -> memref<80x128xi32, #tpu.memory_space<hbm>>
      %dma_wait3A_18 = arith.constant 0 : i32
      %dma_wait3A_19 = arith.constant 0 : i32
      %dma_wait3A_20 = tpu.memref_slice %arg2[%add3A, %dma_wait3A_18, %dma_wait3A_19] : memref<32x80x128xi32, #tpu.memory_space<hbm>> -> memref<1x80x128xi32, #tpu.memory_space<hbm>>
      %dma_wait3A_21 = tpu.memref_squeeze %dma_wait3A_20 : memref<1x80x128xi32, #tpu.memory_space<hbm>> -> memref<80x128xi32, #tpu.memory_space<hbm>>
      tpu.wait_dma2 semaphore(%run_scoped3A : memref<!tpu.dma_semaphore, #tpu.memory_space<semaphore_mem>>) src(%dma_wait3A_21 : memref<80x128xi32, #tpu.memory_space<hbm>>) dst(%arg6 : memref<80x128xi32, #tpu.memory_space<vmem>>)
      tpu.yield
    }) : () -> ()
    %barrier3A = arith.constant 0 : index
    tpu.barrier barrier_id(%barrier3A)
    %scan3A = arith.constant 0 : i32
    %scan3A_3 = arith.constant 10 : i32
    %scan3A_4 = arith.addi %scan3A, %scan3A_3 : i32
    %scan3A_5 = arith.constant 1 : i32
    scf.for %scan3A_8 = %scan3A to %scan3A_4 step %scan3A_5  : i32 {
      %mul3A_9 = arith.constant 8 : i32
      %mul3A_10 = arith.muli %scan3A_8, %mul3A_9 : i32
      %add3A_11 = arith.constant 0 : i32
      %add3A_12 = arith.addi %add3A_11, %mul3A_10 : i32
      %add3A_13 = arith.constant 0 : i32
      %add3A_14 = arith.addi %add3A_12, %add3A_13 : i32
      %dma_start3A = arith.constant 0 : i32
      %dma_start3A_15 = tpu.memref_slice %arg6[%add3A_14, %dma_start3A] : memref<80x128xi32, #tpu.memory_space<vmem>> -> memref<1x128xi32, #tpu.memory_space<vmem>>
      %dma_start3A_16 = tpu.memref_squeeze %dma_start3A_15 : memref<1x128xi32, #tpu.memory_space<vmem>> -> memref<128xi32, #tpu.memory_space<vmem>>
      %dma_start3A_17 = arith.constant 0 : i32
      %dma_start3A_18 = arith.constant 0 : i32
      %dma_start3A_19 = tpu.memref_slice %arg8[%dma_start3A_17, %dma_start3A_18] : memref<10240x16xf32, #tpu.memory_space<vmem_shared>> -> memref<10240x16xf32, #tpu.memory_space<vmem_shared>>
      tpu.enqueue_indirect_dma source(%arg7 : memref<128x16xf32, #tpu.memory_space<vmem>>) target(%dma_start3A_19 : memref<10240x16xf32, #tpu.memory_space<vmem_shared>>) offsets(%dma_start3A_16 : memref<128xi32, #tpu.memory_space<vmem>>) semaphore(%arg9 : memref<!tpu.dma_semaphore, #tpu.memory_space<semaphore_mem>>) {add = true}
      %add3A_20 = arith.constant 1 : i32
      %add3A_21 = arith.addi %add3A_12, %add3A_20 : i32
      %dma_start3A_22 = arith.constant 0 : i32
      %dma_start3A_23 = tpu.memref_slice %arg6[%add3A_21, %dma_start3A_22] : memref<80x128xi32, #tpu.memory_space<vmem>> -> memref<1x128xi32, #tpu.memory_space<vmem>>
      %dma_start3A_24 = tpu.memref_squeeze %dma_start3A_23 : memref<1x128xi32, #tpu.memory_space<vmem>> -> memref<128xi32, #tpu.memory_space<vmem>>
      %dma_start3A_25 = arith.constant 0 : i32
      %dma_start3A_26 = arith.constant 0 : i32
      %dma_start3A_27 = tpu.memref_slice %arg8[%dma_start3A_25, %dma_start3A_26] : memref<10240x16xf32, #tpu.memory_space<vmem_shared>> -> memref<10240x16xf32, #tpu.memory_space<vmem_shared>>
      tpu.enqueue_indirect_dma source(%arg7 : memref<128x16xf32, #tpu.memory_space<vmem>>) target(%dma_start3A_27 : memref<10240x16xf32, #tpu.memory_space<vmem_shared>>) offsets(%dma_start3A_24 : memref<128xi32, #tpu.memory_space<vmem>>) semaphore(%arg10 : memref<!tpu.dma_semaphore, #tpu.memory_space<semaphore_mem>>) {add = true}
      %add3A_28 = arith.constant 2 : i32
      %add3A_29 = arith.addi %add3A_12, %add3A_28 : i32
      %dma_start3A_30 = arith.constant 0 : i32
      %dma_start3A_31 = tpu.memref_slice %arg6[%add3A_29, %dma_start3A_30] : memref<80x128xi32, #tpu.memory_space<vmem>> -> memref<1x128xi32, #tpu.memory_space<vmem>>
      %dma_start3A_32 = tpu.memref_squeeze %dma_start3A_31 : memref<1x128xi32, #tpu.memory_space<vmem>> -> memref<128xi32, #tpu.memory_space<vmem>>
      %dma_start3A_33 = arith.constant 0 : i32
      %dma_start3A_34 = arith.constant 0 : i32
      %dma_start3A_35 = tpu.memref_slice %arg8[%dma_start3A_33, %dma_start3A_34] : memref<10240x16xf32, #tpu.memory_space<vmem_shared>> -> memref<10240x16xf32, #tpu.memory_space<vmem_shared>>
      tpu.enqueue_indirect_dma source(%arg7 : memref<128x16xf32, #tpu.memory_space<vmem>>) target(%dma_start3A_35 : memref<10240x16xf32, #tpu.memory_space<vmem_shared>>) offsets(%dma_start3A_32 : memref<128xi32, #tpu.memory_space<vmem>>) semaphore(%arg11 : memref<!tpu.dma_semaphore, #tpu.memory_space<semaphore_mem>>) {add = true}
      %add3A_36 = arith.constant 3 : i32
      %add3A_37 = arith.addi %add3A_12, %add3A_36 : i32
      %dma_start3A_38 = arith.constant 0 : i32
      %dma_start3A_39 = tpu.memref_slice %arg6[%add3A_37, %dma_start3A_38] : memref<80x128xi32, #tpu.memory_space<vmem>> -> memref<1x128xi32, #tpu.memory_space<vmem>>
      %dma_start3A_40 = tpu.memref_squeeze %dma_start3A_39 : memref<1x128xi32, #tpu.memory_space<vmem>> -> memref<128xi32, #tpu.memory_space<vmem>>
      %dma_start3A_41 = arith.constant 0 : i32
      %dma_start3A_42 = arith.constant 0 : i32
      %dma_start3A_43 = tpu.memref_slice %arg8[%dma_start3A_41, %dma_start3A_42] : memref<10240x16xf32, #tpu.memory_space<vmem_shared>> -> memref<10240x16xf32, #tpu.memory_space<vmem_shared>>
      tpu.enqueue_indirect_dma source(%arg7 : memref<128x16xf32, #tpu.memory_space<vmem>>) target(%dma_start3A_43 : memref<10240x16xf32, #tpu.memory_space<vmem_shared>>) offsets(%dma_start3A_40 : memref<128xi32, #tpu.memory_space<vmem>>) semaphore(%arg12 : memref<!tpu.dma_semaphore, #tpu.memory_space<semaphore_mem>>) {add = true}
      %add3A_44 = arith.constant 4 : i32
      %add3A_45 = arith.addi %add3A_12, %add3A_44 : i32
      %dma_start3A_46 = arith.constant 0 : i32
      %dma_start3A_47 = tpu.memref_slice %arg6[%add3A_45, %dma_start3A_46] : memref<80x128xi32, #tpu.memory_space<vmem>> -> memref<1x128xi32, #tpu.memory_space<vmem>>
      %dma_start3A_48 = tpu.memref_squeeze %dma_start3A_47 : memref<1x128xi32, #tpu.memory_space<vmem>> -> memref<128xi32, #tpu.memory_space<vmem>>
      %dma_start3A_49 = arith.constant 0 : i32
      %dma_start3A_50 = arith.constant 0 : i32
      %dma_start3A_51 = tpu.memref_slice %arg8[%dma_start3A_49, %dma_start3A_50] : memref<10240x16xf32, #tpu.memory_space<vmem_shared>> -> memref<10240x16xf32, #tpu.memory_space<vmem_shared>>
      tpu.enqueue_indirect_dma source(%arg7 : memref<128x16xf32, #tpu.memory_space<vmem>>) target(%dma_start3A_51 : memref<10240x16xf32, #tpu.memory_space<vmem_shared>>) offsets(%dma_start3A_48 : memref<128xi32, #tpu.memory_space<vmem>>) semaphore(%arg13 : memref<!tpu.dma_semaphore, #tpu.memory_space<semaphore_mem>>) {add = true}
      %add3A_52 = arith.constant 5 : i32
      %add3A_53 = arith.addi %add3A_12, %add3A_52 : i32
      %dma_start3A_54 = arith.constant 0 : i32
      %dma_start3A_55 = tpu.memref_slice %arg6[%add3A_53, %dma_start3A_54] : memref<80x128xi32, #tpu.memory_space<vmem>> -> memref<1x128xi32, #tpu.memory_space<vmem>>
      %dma_start3A_56 = tpu.memref_squeeze %dma_start3A_55 : memref<1x128xi32, #tpu.memory_space<vmem>> -> memref<128xi32, #tpu.memory_space<vmem>>
      %dma_start3A_57 = arith.constant 0 : i32
      %dma_start3A_58 = arith.constant 0 : i32
      %dma_start3A_59 = tpu.memref_slice %arg8[%dma_start3A_57, %dma_start3A_58] : memref<10240x16xf32, #tpu.memory_space<vmem_shared>> -> memref<10240x16xf32, #tpu.memory_space<vmem_shared>>
      tpu.enqueue_indirect_dma source(%arg7 : memref<128x16xf32, #tpu.memory_space<vmem>>) target(%dma_start3A_59 : memref<10240x16xf32, #tpu.memory_space<vmem_shared>>) offsets(%dma_start3A_56 : memref<128xi32, #tpu.memory_space<vmem>>) semaphore(%arg14 : memref<!tpu.dma_semaphore, #tpu.memory_space<semaphore_mem>>) {add = true}
      %add3A_60 = arith.constant 6 : i32
      %add3A_61 = arith.addi %add3A_12, %add3A_60 : i32
      %dma_start3A_62 = arith.constant 0 : i32
      %dma_start3A_63 = tpu.memref_slice %arg6[%add3A_61, %dma_start3A_62] : memref<80x128xi32, #tpu.memory_space<vmem>> -> memref<1x128xi32, #tpu.memory_space<vmem>>
      %dma_start3A_64 = tpu.memref_squeeze %dma_start3A_63 : memref<1x128xi32, #tpu.memory_space<vmem>> -> memref<128xi32, #tpu.memory_space<vmem>>
      %dma_start3A_65 = arith.constant 0 : i32
      %dma_start3A_66 = arith.constant 0 : i32
      %dma_start3A_67 = tpu.memref_slice %arg8[%dma_start3A_65, %dma_start3A_66] : memref<10240x16xf32, #tpu.memory_space<vmem_shared>> -> memref<10240x16xf32, #tpu.memory_space<vmem_shared>>
      tpu.enqueue_indirect_dma source(%arg7 : memref<128x16xf32, #tpu.memory_space<vmem>>) target(%dma_start3A_67 : memref<10240x16xf32, #tpu.memory_space<vmem_shared>>) offsets(%dma_start3A_64 : memref<128xi32, #tpu.memory_space<vmem>>) semaphore(%arg15 : memref<!tpu.dma_semaphore, #tpu.memory_space<semaphore_mem>>) {add = true}
      %add3A_68 = arith.constant 7 : i32
      %add3A_69 = arith.addi %add3A_12, %add3A_68 : i32
      %dma_start3A_70 = arith.constant 0 : i32
      %dma_start3A_71 = tpu.memref_slice %arg6[%add3A_69, %dma_start3A_70] : memref<80x128xi32, #tpu.memory_space<vmem>> -> memref<1x128xi32, #tpu.memory_space<vmem>>
      %dma_start3A_72 = tpu.memref_squeeze %dma_start3A_71 : memref<1x128xi32, #tpu.memory_space<vmem>> -> memref<128xi32, #tpu.memory_space<vmem>>
      %dma_start3A_73 = arith.constant 0 : i32
      %dma_start3A_74 = arith.constant 0 : i32
      %dma_start3A_75 = tpu.memref_slice %arg8[%dma_start3A_73, %dma_start3A_74] : memref<10240x16xf32, #tpu.memory_space<vmem_shared>> -> memref<10240x16xf32, #tpu.memory_space<vmem_shared>>
      tpu.enqueue_indirect_dma source(%arg7 : memref<128x16xf32, #tpu.memory_space<vmem>>) target(%dma_start3A_75 : memref<10240x16xf32, #tpu.memory_space<vmem_shared>>) offsets(%dma_start3A_72 : memref<128xi32, #tpu.memory_space<vmem>>) semaphore(%arg16 : memref<!tpu.dma_semaphore, #tpu.memory_space<semaphore_mem>>) {add = true}
      %dma_wait3A = arith.constant 0 : i32
      %dma_wait3A_76 = tpu.memref_slice %arg6[%add3A_14, %dma_wait3A] : memref<80x128xi32, #tpu.memory_space<vmem>> -> memref<1x128xi32, #tpu.memory_space<vmem>>
      %dma_wait3A_77 = tpu.memref_squeeze %dma_wait3A_76 : memref<1x128xi32, #tpu.memory_space<vmem>> -> memref<128xi32, #tpu.memory_space<vmem>>
      %dma_wait3A_78 = arith.constant 0 : i32
      %dma_wait3A_79 = arith.constant 0 : i32
      %dma_wait3A_80 = tpu.memref_slice %arg8[%dma_wait3A_78, %dma_wait3A_79] : memref<10240x16xf32, #tpu.memory_space<vmem_shared>> -> memref<10240x16xf32, #tpu.memory_space<vmem_shared>>
      tpu.wait_indirect_dma semaphore(%arg9 : memref<!tpu.dma_semaphore, #tpu.memory_space<semaphore_mem>>) src(%arg7 : memref<128x16xf32, #tpu.memory_space<vmem>>) dst(%dma_wait3A_80 : memref<10240x16xf32, #tpu.memory_space<vmem_shared>>)
      %dma_wait3A_81 = arith.constant 0 : i32
      %dma_wait3A_82 = tpu.memref_slice %arg6[%add3A_21, %dma_wait3A_81] : memref<80x128xi32, #tpu.memory_space<vmem>> -> memref<1x128xi32, #tpu.memory_space<vmem>>
      %dma_wait3A_83 = tpu.memref_squeeze %dma_wait3A_82 : memref<1x128xi32, #tpu.memory_space<vmem>> -> memref<128xi32, #tpu.memory_space<vmem>>
      %dma_wait3A_84 = arith.constant 0 : i32
      %dma_wait3A_85 = arith.constant 0 : i32
      %dma_wait3A_86 = tpu.memref_slice %arg8[%dma_wait3A_84, %dma_wait3A_85] : memref<10240x16xf32, #tpu.memory_space<vmem_shared>> -> memref<10240x16xf32, #tpu.memory_space<vmem_shared>>
      tpu.wait_indirect_dma semaphore(%arg10 : memref<!tpu.dma_semaphore, #tpu.memory_space<semaphore_mem>>) src(%arg7 : memref<128x16xf32, #tpu.memory_space<vmem>>) dst(%dma_wait3A_86 : memref<10240x16xf32, #tpu.memory_space<vmem_shared>>)
      %dma_wait3A_87 = arith.constant 0 : i32
      %dma_wait3A_88 = tpu.memref_slice %arg6[%add3A_29, %dma_wait3A_87] : memref<80x128xi32, #tpu.memory_space<vmem>> -> memref<1x128xi32, #tpu.memory_space<vmem>>
      %dma_wait3A_89 = tpu.memref_squeeze %dma_wait3A_88 : memref<1x128xi32, #tpu.memory_space<vmem>> -> memref<128xi32, #tpu.memory_space<vmem>>
      %dma_wait3A_90 = arith.constant 0 : i32
      %dma_wait3A_91 = arith.constant 0 : i32
      %dma_wait3A_92 = tpu.memref_slice %arg8[%dma_wait3A_90, %dma_wait3A_91] : memref<10240x16xf32, #tpu.memory_space<vmem_shared>> -> memref<10240x16xf32, #tpu.memory_space<vmem_shared>>
      tpu.wait_indirect_dma semaphore(%arg11 : memref<!tpu.dma_semaphore, #tpu.memory_space<semaphore_mem>>) src(%arg7 : memref<128x16xf32, #tpu.memory_space<vmem>>) dst(%dma_wait3A_92 : memref<10240x16xf32, #tpu.memory_space<vmem_shared>>)
      %dma_wait3A_93 = arith.constant 0 : i32
      %dma_wait3A_94 = tpu.memref_slice %arg6[%add3A_37, %dma_wait3A_93] : memref<80x128xi32, #tpu.memory_space<vmem>> -> memref<1x128xi32, #tpu.memory_space<vmem>>
      %dma_wait3A_95 = tpu.memref_squeeze %dma_wait3A_94 : memref<1x128xi32, #tpu.memory_space<vmem>> -> memref<128xi32, #tpu.memory_space<vmem>>
      %dma_wait3A_96 = arith.constant 0 : i32
      %dma_wait3A_97 = arith.constant 0 : i32
      %dma_wait3A_98 = tpu.memref_slice %arg8[%dma_wait3A_96, %dma_wait3A_97] : memref<10240x16xf32, #tpu.memory_space<vmem_shared>> -> memref<10240x16xf32, #tpu.memory_space<vmem_shared>>
      tpu.wait_indirect_dma semaphore(%arg12 : memref<!tpu.dma_semaphore, #tpu.memory_space<semaphore_mem>>) src(%arg7 : memref<128x16xf32, #tpu.memory_space<vmem>>) dst(%dma_wait3A_98 : memref<10240x16xf32, #tpu.memory_space<vmem_shared>>)
      %dma_wait3A_99 = arith.constant 0 : i32
      %dma_wait3A_100 = tpu.memref_slice %arg6[%add3A_45, %dma_wait3A_99] : memref<80x128xi32, #tpu.memory_space<vmem>> -> memref<1x128xi32, #tpu.memory_space<vmem>>
      %dma_wait3A_101 = tpu.memref_squeeze %dma_wait3A_100 : memref<1x128xi32, #tpu.memory_space<vmem>> -> memref<128xi32, #tpu.memory_space<vmem>>
      %dma_wait3A_102 = arith.constant 0 : i32
      %dma_wait3A_103 = arith.constant 0 : i32
      %dma_wait3A_104 = tpu.memref_slice %arg8[%dma_wait3A_102, %dma_wait3A_103] : memref<10240x16xf32, #tpu.memory_space<vmem_shared>> -> memref<10240x16xf32, #tpu.memory_space<vmem_shared>>
      tpu.wait_indirect_dma semaphore(%arg13 : memref<!tpu.dma_semaphore, #tpu.memory_space<semaphore_mem>>) src(%arg7 : memref<128x16xf32, #tpu.memory_space<vmem>>) dst(%dma_wait3A_104 : memref<10240x16xf32, #tpu.memory_space<vmem_shared>>)
      %dma_wait3A_105 = arith.constant 0 : i32
      %dma_wait3A_106 = tpu.memref_slice %arg6[%add3A_53, %dma_wait3A_105] : memref<80x128xi32, #tpu.memory_space<vmem>> -> memref<1x128xi32, #tpu.memory_space<vmem>>
      %dma_wait3A_107 = tpu.memref_squeeze %dma_wait3A_106 : memref<1x128xi32, #tpu.memory_space<vmem>> -> memref<128xi32, #tpu.memory_space<vmem>>
      %dma_wait3A_108 = arith.constant 0 : i32
      %dma_wait3A_109 = arith.constant 0 : i32
      %dma_wait3A_110 = tpu.memref_slice %arg8[%dma_wait3A_108, %dma_wait3A_109] : memref<10240x16xf32, #tpu.memory_space<vmem_shared>> -> memref<10240x16xf32, #tpu.memory_space<vmem_shared>>
      tpu.wait_indirect_dma semaphore(%arg14 : memref<!tpu.dma_semaphore, #tpu.memory_space<semaphore_mem>>) src(%arg7 : memref<128x16xf32, #tpu.memory_space<vmem>>) dst(%dma_wait3A_110 : memref<10240x16xf32, #tpu.memory_space<vmem_shared>>)
      %dma_wait3A_111 = arith.constant 0 : i32
      %dma_wait3A_112 = tpu.memref_slice %arg6[%add3A_61, %dma_wait3A_111] : memref<80x128xi32, #tpu.memory_space<vmem>> -> memref<1x128xi32, #tpu.memory_space<vmem>>
      %dma_wait3A_113 = tpu.memref_squeeze %dma_wait3A_112 : memref<1x128xi32, #tpu.memory_space<vmem>> -> memref<128xi32, #tpu.memory_space<vmem>>
      %dma_wait3A_114 = arith.constant 0 : i32
      %dma_wait3A_115 = arith.constant 0 : i32
      %dma_wait3A_116 = tpu.memref_slice %arg8[%dma_wait3A_114, %dma_wait3A_115] : memref<10240x16xf32, #tpu.memory_space<vmem_shared>> -> memref<10240x16xf32, #tpu.memory_space<vmem_shared>>
      tpu.wait_indirect_dma semaphore(%arg15 : memref<!tpu.dma_semaphore, #tpu.memory_space<semaphore_mem>>) src(%arg7 : memref<128x16xf32, #tpu.memory_space<vmem>>) dst(%dma_wait3A_116 : memref<10240x16xf32, #tpu.memory_space<vmem_shared>>)
      %dma_wait3A_117 = arith.constant 0 : i32
      %dma_wait3A_118 = tpu.memref_slice %arg6[%add3A_69, %dma_wait3A_117] : memref<80x128xi32, #tpu.memory_space<vmem>> -> memref<1x128xi32, #tpu.memory_space<vmem>>
      %dma_wait3A_119 = tpu.memref_squeeze %dma_wait3A_118 : memref<1x128xi32, #tpu.memory_space<vmem>> -> memref<128xi32, #tpu.memory_space<vmem>>
      %dma_wait3A_120 = arith.constant 0 : i32
      %dma_wait3A_121 = arith.constant 0 : i32
      %dma_wait3A_122 = tpu.memref_slice %arg8[%dma_wait3A_120, %dma_wait3A_121] : memref<10240x16xf32, #tpu.memory_space<vmem_shared>> -> memref<10240x16xf32, #tpu.memory_space<vmem_shared>>
      tpu.wait_indirect_dma semaphore(%arg16 : memref<!tpu.dma_semaphore, #tpu.memory_space<semaphore_mem>>) src(%arg7 : memref<128x16xf32, #tpu.memory_space<vmem>>) dst(%dma_wait3A_122 : memref<10240x16xf32, #tpu.memory_space<vmem_shared>>)
    }
    %scan3A_6 = arith.constant 10 : i32
    %barrier3A_7 = arith.constant 0 : index
    tpu.barrier barrier_id(%barrier3A_7)
    "tpu.region"() ({
      %run_scoped3A = tpu.sem_alloc : memref<!tpu.dma_semaphore, #tpu.memory_space<semaphore_mem>>
      %dma_start3A = arith.constant 0 : i32
      %dma_start3A_8 = tpu.memref_slice %arg5[%arg0, %mul3A_2, %dma_start3A] : memref<2x10240x16xf32, #tpu.memory_space<hbm>> -> memref<1x640x16xf32, #tpu.memory_space<hbm>>
      %dma_start3A_9 = tpu.memref_squeeze %dma_start3A_8 : memref<1x640x16xf32, #tpu.memory_space<hbm>> -> memref<640x16xf32, #tpu.memory_space<hbm>>
      %dma_start3A_10 = arith.constant 0 : i32
      %dma_start3A_11 = tpu.memref_slice %arg8[%mul3A_2, %dma_start3A_10] : memref<10240x16xf32, #tpu.memory_space<vmem_shared>> -> memref<640x16xf32, #tpu.memory_space<vmem_shared>>
      tpu.enqueue_dma source(%dma_start3A_11 : memref<640x16xf32, #tpu.memory_space<vmem_shared>>) target(%dma_start3A_9 : memref<640x16xf32, #tpu.memory_space<hbm>>) target_semaphore(%run_scoped3A : memref<!tpu.dma_semaphore, #tpu.memory_space<semaphore_mem>>)
      %dma_wait3A = arith.constant 0 : i32
      %dma_wait3A_12 = tpu.memref_slice %arg5[%arg0, %mul3A_2, %dma_wait3A] : memref<2x10240x16xf32, #tpu.memory_space<hbm>> -> memref<1x640x16xf32, #tpu.memory_space<hbm>>
      %dma_wait3A_13 = tpu.memref_squeeze %dma_wait3A_12 : memref<1x640x16xf32, #tpu.memory_space<hbm>> -> memref<640x16xf32, #tpu.memory_space<hbm>>
      %dma_wait3A_14 = arith.constant 0 : i32
      %dma_wait3A_15 = tpu.memref_slice %arg8[%mul3A_2, %dma_wait3A_14] : memref<10240x16xf32, #tpu.memory_space<vmem_shared>> -> memref<640x16xf32, #tpu.memory_space<vmem_shared>>
      tpu.wait_dma2 semaphore(%run_scoped3A : memref<!tpu.dma_semaphore, #tpu.memory_space<semaphore_mem>>) src(%dma_wait3A_15 : memref<640x16xf32, #tpu.memory_space<vmem_shared>>) dst(%dma_wait3A_13 : memref<640x16xf32, #tpu.memory_space<hbm>>)
      tpu.yield
    }) : () -> ()
    return
  }
}

#map = affine_map<(d0, d1) -> (0, 0, 0)>
#map1 = affine_map<(d0, d1) -> (0, 0)>
module attributes {stable_mosaic.version = 14 : i64} {
  func.func @scatter_kernel(%arg0: i32, %arg1: i32, %arg2: memref<2x10240x64xf32, #tpu.memory_space<hbm>>, %arg3: memref<16x160x128xi32, #tpu.memory_space<hbm>>, %arg4: memref<16x160x128xi32, #tpu.memory_space<hbm>>, %arg5: memref<10240x64xf32, #tpu.memory_space<hbm>>, %arg6: memref<2x10240x64xf32, #tpu.memory_space<hbm>>, %arg7: memref<160x128xi32, #tpu.memory_space<vmem>>, %arg8: memref<160x128xi32, #tpu.memory_space<vmem>>, %arg9: memref<5x128x64xf32, #tpu.memory_space<vmem>>, %arg10: memref<10240x64xf32, #tpu.memory_space<vmem_shared>>, %arg11: memref<!tpu.dma_semaphore, #tpu.memory_space<semaphore_mem>>, %arg12: memref<!tpu.dma_semaphore, #tpu.memory_space<semaphore_mem>>, %arg13: memref<!tpu.dma_semaphore, #tpu.memory_space<semaphore_mem>>, %arg14: memref<!tpu.dma_semaphore, #tpu.memory_space<semaphore_mem>>, %arg15: memref<!tpu.dma_semaphore, #tpu.memory_space<semaphore_mem>>, %arg16: memref<!tpu.dma_semaphore, #tpu.memory_space<semaphore_mem>>, %arg17: memref<!tpu.dma_semaphore, #tpu.memory_space<semaphore_mem>>, %arg18: memref<!tpu.dma_semaphore, #tpu.memory_space<semaphore_mem>>, %arg19: memref<!tpu.dma_semaphore, #tpu.memory_space<semaphore_mem>>, %arg20: memref<!tpu.dma_semaphore, #tpu.memory_space<semaphore_mem>>) attributes {dimension_semantics = [#tpu.dimension_semantics<core_parallel>, #tpu.dimension_semantics<subcore_parallel>], iteration_bounds = array<i64: 2, 16>, scalar_prefetch = 0 : i64, scratch_operands = 14 : i64, tpu.core_type = #tpu.core_type<sc_vector_subcore>, window_params = [{transform_indices = #map}, {transform_indices = #map}, {transform_indices = #map}, {transform_indices = #map1}, {transform_indices = #map}]} {
    %mul3A = arith.constant 640 : i32
    %mul3A_0 = arith.muli %arg1, %mul3A : i32
    "tpu.region"() ({
      %run_scoped3A = tpu.sem_alloc : memref<!tpu.dma_semaphore, #tpu.memory_space<semaphore_mem>>
      %dma_start3A_85 = arith.constant 0 : i32
      %dma_start3A_86 = tpu.memref_slice %arg10[%mul3A_0, %dma_start3A_85] : memref<10240x64xf32, #tpu.memory_space<vmem_shared>> -> memref<640x64xf32, #tpu.memory_space<vmem_shared>>
      %dma_start3A_87 = arith.constant 0 : i32
      %dma_start3A_88 = tpu.memref_slice %arg5[%mul3A_0, %dma_start3A_87] : memref<10240x64xf32, #tpu.memory_space<hbm>> -> memref<640x64xf32, #tpu.memory_space<hbm>>
      tpu.enqueue_dma source(%dma_start3A_88 : memref<640x64xf32, #tpu.memory_space<hbm>>) target(%dma_start3A_86 : memref<640x64xf32, #tpu.memory_space<vmem_shared>>) target_semaphore(%run_scoped3A : memref<!tpu.dma_semaphore, #tpu.memory_space<semaphore_mem>>)
      %dma_wait3A = arith.constant 0 : i32
      %dma_wait3A_89 = tpu.memref_slice %arg10[%mul3A_0, %dma_wait3A] : memref<10240x64xf32, #tpu.memory_space<vmem_shared>> -> memref<640x64xf32, #tpu.memory_space<vmem_shared>>
      %dma_wait3A_90 = arith.constant 0 : i32
      %dma_wait3A_91 = tpu.memref_slice %arg5[%mul3A_0, %dma_wait3A_90] : memref<10240x64xf32, #tpu.memory_space<hbm>> -> memref<640x64xf32, #tpu.memory_space<hbm>>
      tpu.wait_dma2 semaphore(%run_scoped3A : memref<!tpu.dma_semaphore, #tpu.memory_space<semaphore_mem>>) src(%dma_wait3A_91 : memref<640x64xf32, #tpu.memory_space<hbm>>) dst(%dma_wait3A_89 : memref<640x64xf32, #tpu.memory_space<vmem_shared>>)
      tpu.yield
    }) : () -> ()
    "tpu.region"() ({
      %run_scoped3A = tpu.sem_alloc : memref<!tpu.dma_semaphore, #tpu.memory_space<semaphore_mem>>
      %dma_start3A_85 = arith.constant 0 : i32
      %dma_start3A_86 = arith.constant 0 : i32
      %dma_start3A_87 = tpu.memref_slice %arg3[%arg1, %dma_start3A_85, %dma_start3A_86] : memref<16x160x128xi32, #tpu.memory_space<hbm>> -> memref<1x160x128xi32, #tpu.memory_space<hbm>>
      %dma_start3A_88 = tpu.memref_squeeze %dma_start3A_87 : memref<1x160x128xi32, #tpu.memory_space<hbm>> -> memref<160x128xi32, #tpu.memory_space<hbm>>
      %dma_start3A_89 = arith.constant 0 : i32
      %dma_start3A_90 = arith.constant 0 : i32
      %dma_start3A_91 = tpu.memref_slice %arg3[%arg1, %dma_start3A_89, %dma_start3A_90] : memref<16x160x128xi32, #tpu.memory_space<hbm>> -> memref<1x160x128xi32, #tpu.memory_space<hbm>>
      %dma_start3A_92 = tpu.memref_squeeze %dma_start3A_91 : memref<1x160x128xi32, #tpu.memory_space<hbm>> -> memref<160x128xi32, #tpu.memory_space<hbm>>
      tpu.enqueue_dma source(%dma_start3A_92 : memref<160x128xi32, #tpu.memory_space<hbm>>) target(%arg7 : memref<160x128xi32, #tpu.memory_space<vmem>>) target_semaphore(%run_scoped3A : memref<!tpu.dma_semaphore, #tpu.memory_space<semaphore_mem>>)
      %dma_wait3A = arith.constant 0 : i32
      %dma_wait3A_93 = arith.constant 0 : i32
      %dma_wait3A_94 = tpu.memref_slice %arg3[%arg1, %dma_wait3A, %dma_wait3A_93] : memref<16x160x128xi32, #tpu.memory_space<hbm>> -> memref<1x160x128xi32, #tpu.memory_space<hbm>>
      %dma_wait3A_95 = tpu.memref_squeeze %dma_wait3A_94 : memref<1x160x128xi32, #tpu.memory_space<hbm>> -> memref<160x128xi32, #tpu.memory_space<hbm>>
      %dma_wait3A_96 = arith.constant 0 : i32
      %dma_wait3A_97 = arith.constant 0 : i32
      %dma_wait3A_98 = tpu.memref_slice %arg3[%arg1, %dma_wait3A_96, %dma_wait3A_97] : memref<16x160x128xi32, #tpu.memory_space<hbm>> -> memref<1x160x128xi32, #tpu.memory_space<hbm>>
      %dma_wait3A_99 = tpu.memref_squeeze %dma_wait3A_98 : memref<1x160x128xi32, #tpu.memory_space<hbm>> -> memref<160x128xi32, #tpu.memory_space<hbm>>
      tpu.wait_dma2 semaphore(%run_scoped3A : memref<!tpu.dma_semaphore, #tpu.memory_space<semaphore_mem>>) src(%dma_wait3A_99 : memref<160x128xi32, #tpu.memory_space<hbm>>) dst(%arg7 : memref<160x128xi32, #tpu.memory_space<vmem>>)
      tpu.yield
    }) : () -> ()
    "tpu.region"() ({
      %run_scoped3A = tpu.sem_alloc : memref<!tpu.dma_semaphore, #tpu.memory_space<semaphore_mem>>
      %dma_start3A_85 = arith.constant 0 : i32
      %dma_start3A_86 = arith.constant 0 : i32
      %dma_start3A_87 = tpu.memref_slice %arg4[%arg1, %dma_start3A_85, %dma_start3A_86] : memref<16x160x128xi32, #tpu.memory_space<hbm>> -> memref<1x160x128xi32, #tpu.memory_space<hbm>>
      %dma_start3A_88 = tpu.memref_squeeze %dma_start3A_87 : memref<1x160x128xi32, #tpu.memory_space<hbm>> -> memref<160x128xi32, #tpu.memory_space<hbm>>
      %dma_start3A_89 = arith.constant 0 : i32
      %dma_start3A_90 = arith.constant 0 : i32
      %dma_start3A_91 = tpu.memref_slice %arg4[%arg1, %dma_start3A_89, %dma_start3A_90] : memref<16x160x128xi32, #tpu.memory_space<hbm>> -> memref<1x160x128xi32, #tpu.memory_space<hbm>>
      %dma_start3A_92 = tpu.memref_squeeze %dma_start3A_91 : memref<1x160x128xi32, #tpu.memory_space<hbm>> -> memref<160x128xi32, #tpu.memory_space<hbm>>
      tpu.enqueue_dma source(%dma_start3A_92 : memref<160x128xi32, #tpu.memory_space<hbm>>) target(%arg8 : memref<160x128xi32, #tpu.memory_space<vmem>>) target_semaphore(%run_scoped3A : memref<!tpu.dma_semaphore, #tpu.memory_space<semaphore_mem>>)
      %dma_wait3A = arith.constant 0 : i32
      %dma_wait3A_93 = arith.constant 0 : i32
      %dma_wait3A_94 = tpu.memref_slice %arg4[%arg1, %dma_wait3A, %dma_wait3A_93] : memref<16x160x128xi32, #tpu.memory_space<hbm>> -> memref<1x160x128xi32, #tpu.memory_space<hbm>>
      %dma_wait3A_95 = tpu.memref_squeeze %dma_wait3A_94 : memref<1x160x128xi32, #tpu.memory_space<hbm>> -> memref<160x128xi32, #tpu.memory_space<hbm>>
      %dma_wait3A_96 = arith.constant 0 : i32
      %dma_wait3A_97 = arith.constant 0 : i32
      %dma_wait3A_98 = tpu.memref_slice %arg4[%arg1, %dma_wait3A_96, %dma_wait3A_97] : memref<16x160x128xi32, #tpu.memory_space<hbm>> -> memref<1x160x128xi32, #tpu.memory_space<hbm>>
      %dma_wait3A_99 = tpu.memref_squeeze %dma_wait3A_98 : memref<1x160x128xi32, #tpu.memory_space<hbm>> -> memref<160x128xi32, #tpu.memory_space<hbm>>
      tpu.wait_dma2 semaphore(%run_scoped3A : memref<!tpu.dma_semaphore, #tpu.memory_space<semaphore_mem>>) src(%dma_wait3A_99 : memref<160x128xi32, #tpu.memory_space<hbm>>) dst(%arg8 : memref<160x128xi32, #tpu.memory_space<vmem>>)
      tpu.yield
    }) : () -> ()
    %barrier3A = arith.constant 0 : index
    tpu.barrier barrier_id(%barrier3A)
    %dma_start3A = arith.constant 0 : i32
    %dma_start3A_1 = arith.constant 0 : i32
    %dma_start3A_2 = arith.constant 0 : i32
    %dma_start3A_3 = arith.constant 0 : i32
    %dma_start3A_4 = tpu.memref_slice %arg9[%dma_start3A_1, %dma_start3A_2, %dma_start3A_3] : memref<5x128x64xf32, #tpu.memory_space<vmem>> -> memref<1x128x64xf32, #tpu.memory_space<vmem>>
    %dma_start3A_5 = tpu.memref_squeeze %dma_start3A_4 : memref<1x128x64xf32, #tpu.memory_space<vmem>> -> memref<128x64xf32, #tpu.memory_space<vmem>>
    %dma_start3A_6 = arith.constant 0 : i32
    %dma_start3A_7 = tpu.memref_slice %arg7[%dma_start3A, %dma_start3A_6] : memref<160x128xi32, #tpu.memory_space<vmem>> -> memref<1x128xi32, #tpu.memory_space<vmem>>
    %dma_start3A_8 = tpu.memref_squeeze %dma_start3A_7 : memref<1x128xi32, #tpu.memory_space<vmem>> -> memref<128xi32, #tpu.memory_space<vmem>>
    %dma_start3A_9 = arith.constant 0 : i32
    %dma_start3A_10 = arith.constant 0 : i32
    %dma_start3A_11 = tpu.memref_slice %arg2[%arg0, %dma_start3A_9, %dma_start3A_10] : memref<2x10240x64xf32, #tpu.memory_space<hbm>> -> memref<1x10240x64xf32, #tpu.memory_space<hbm>>
    %dma_start3A_12 = tpu.memref_squeeze %dma_start3A_11 : memref<1x10240x64xf32, #tpu.memory_space<hbm>> -> memref<10240x64xf32, #tpu.memory_space<hbm>>
    %dma_start3A_13 = arith.constant 0 : i32
    %dma_start3A_14 = arith.constant 0 : i32
    %dma_start3A_15 = tpu.memref_slice %dma_start3A_12[%dma_start3A_13, %dma_start3A_14] : memref<10240x64xf32, #tpu.memory_space<hbm>> -> memref<10240x64xf32, #tpu.memory_space<hbm>>
    tpu.enqueue_indirect_dma source(%dma_start3A_15 : memref<10240x64xf32, #tpu.memory_space<hbm>>) target(%dma_start3A_5 : memref<128x64xf32, #tpu.memory_space<vmem>>) offsets(%dma_start3A_8 : memref<128xi32, #tpu.memory_space<vmem>>) semaphore(%arg11 : memref<!tpu.dma_semaphore, #tpu.memory_space<semaphore_mem>>)
    %dma_start3A_16 = arith.constant 1 : i32
    %dma_start3A_17 = arith.constant 1 : i32
    %dma_start3A_18 = arith.constant 0 : i32
    %dma_start3A_19 = arith.constant 0 : i32
    %dma_start3A_20 = tpu.memref_slice %arg9[%dma_start3A_17, %dma_start3A_18, %dma_start3A_19] : memref<5x128x64xf32, #tpu.memory_space<vmem>> -> memref<1x128x64xf32, #tpu.memory_space<vmem>>
    %dma_start3A_21 = tpu.memref_squeeze %dma_start3A_20 : memref<1x128x64xf32, #tpu.memory_space<vmem>> -> memref<128x64xf32, #tpu.memory_space<vmem>>
    %dma_start3A_22 = arith.constant 0 : i32
    %dma_start3A_23 = tpu.memref_slice %arg7[%dma_start3A_16, %dma_start3A_22] : memref<160x128xi32, #tpu.memory_space<vmem>> -> memref<1x128xi32, #tpu.memory_space<vmem>>
    %dma_start3A_24 = tpu.memref_squeeze %dma_start3A_23 : memref<1x128xi32, #tpu.memory_space<vmem>> -> memref<128xi32, #tpu.memory_space<vmem>>
    %dma_start3A_25 = arith.constant 0 : i32
    %dma_start3A_26 = arith.constant 0 : i32
    %dma_start3A_27 = tpu.memref_slice %arg2[%arg0, %dma_start3A_25, %dma_start3A_26] : memref<2x10240x64xf32, #tpu.memory_space<hbm>> -> memref<1x10240x64xf32, #tpu.memory_space<hbm>>
    %dma_start3A_28 = tpu.memref_squeeze %dma_start3A_27 : memref<1x10240x64xf32, #tpu.memory_space<hbm>> -> memref<10240x64xf32, #tpu.memory_space<hbm>>
    %dma_start3A_29 = arith.constant 0 : i32
    %dma_start3A_30 = arith.constant 0 : i32
    %dma_start3A_31 = tpu.memref_slice %dma_start3A_28[%dma_start3A_29, %dma_start3A_30] : memref<10240x64xf32, #tpu.memory_space<hbm>> -> memref<10240x64xf32, #tpu.memory_space<hbm>>
    tpu.enqueue_indirect_dma source(%dma_start3A_31 : memref<10240x64xf32, #tpu.memory_space<hbm>>) target(%dma_start3A_21 : memref<128x64xf32, #tpu.memory_space<vmem>>) offsets(%dma_start3A_24 : memref<128xi32, #tpu.memory_space<vmem>>) semaphore(%arg12 : memref<!tpu.dma_semaphore, #tpu.memory_space<semaphore_mem>>)
    %dma_start3A_32 = arith.constant 2 : i32
    %dma_start3A_33 = arith.constant 2 : i32
    %dma_start3A_34 = arith.constant 0 : i32
    %dma_start3A_35 = arith.constant 0 : i32
    %dma_start3A_36 = tpu.memref_slice %arg9[%dma_start3A_33, %dma_start3A_34, %dma_start3A_35] : memref<5x128x64xf32, #tpu.memory_space<vmem>> -> memref<1x128x64xf32, #tpu.memory_space<vmem>>
    %dma_start3A_37 = tpu.memref_squeeze %dma_start3A_36 : memref<1x128x64xf32, #tpu.memory_space<vmem>> -> memref<128x64xf32, #tpu.memory_space<vmem>>
    %dma_start3A_38 = arith.constant 0 : i32
    %dma_start3A_39 = tpu.memref_slice %arg7[%dma_start3A_32, %dma_start3A_38] : memref<160x128xi32, #tpu.memory_space<vmem>> -> memref<1x128xi32, #tpu.memory_space<vmem>>
    %dma_start3A_40 = tpu.memref_squeeze %dma_start3A_39 : memref<1x128xi32, #tpu.memory_space<vmem>> -> memref<128xi32, #tpu.memory_space<vmem>>
    %dma_start3A_41 = arith.constant 0 : i32
    %dma_start3A_42 = arith.constant 0 : i32
    %dma_start3A_43 = tpu.memref_slice %arg2[%arg0, %dma_start3A_41, %dma_start3A_42] : memref<2x10240x64xf32, #tpu.memory_space<hbm>> -> memref<1x10240x64xf32, #tpu.memory_space<hbm>>
    %dma_start3A_44 = tpu.memref_squeeze %dma_start3A_43 : memref<1x10240x64xf32, #tpu.memory_space<hbm>> -> memref<10240x64xf32, #tpu.memory_space<hbm>>
    %dma_start3A_45 = arith.constant 0 : i32
    %dma_start3A_46 = arith.constant 0 : i32
    %dma_start3A_47 = tpu.memref_slice %dma_start3A_44[%dma_start3A_45, %dma_start3A_46] : memref<10240x64xf32, #tpu.memory_space<hbm>> -> memref<10240x64xf32, #tpu.memory_space<hbm>>
    tpu.enqueue_indirect_dma source(%dma_start3A_47 : memref<10240x64xf32, #tpu.memory_space<hbm>>) target(%dma_start3A_37 : memref<128x64xf32, #tpu.memory_space<vmem>>) offsets(%dma_start3A_40 : memref<128xi32, #tpu.memory_space<vmem>>) semaphore(%arg13 : memref<!tpu.dma_semaphore, #tpu.memory_space<semaphore_mem>>)
    %dma_start3A_48 = arith.constant 3 : i32
    %dma_start3A_49 = arith.constant 3 : i32
    %dma_start3A_50 = arith.constant 0 : i32
    %dma_start3A_51 = arith.constant 0 : i32
    %dma_start3A_52 = tpu.memref_slice %arg9[%dma_start3A_49, %dma_start3A_50, %dma_start3A_51] : memref<5x128x64xf32, #tpu.memory_space<vmem>> -> memref<1x128x64xf32, #tpu.memory_space<vmem>>
    %dma_start3A_53 = tpu.memref_squeeze %dma_start3A_52 : memref<1x128x64xf32, #tpu.memory_space<vmem>> -> memref<128x64xf32, #tpu.memory_space<vmem>>
    %dma_start3A_54 = arith.constant 0 : i32
    %dma_start3A_55 = tpu.memref_slice %arg7[%dma_start3A_48, %dma_start3A_54] : memref<160x128xi32, #tpu.memory_space<vmem>> -> memref<1x128xi32, #tpu.memory_space<vmem>>
    %dma_start3A_56 = tpu.memref_squeeze %dma_start3A_55 : memref<1x128xi32, #tpu.memory_space<vmem>> -> memref<128xi32, #tpu.memory_space<vmem>>
    %dma_start3A_57 = arith.constant 0 : i32
    %dma_start3A_58 = arith.constant 0 : i32
    %dma_start3A_59 = tpu.memref_slice %arg2[%arg0, %dma_start3A_57, %dma_start3A_58] : memref<2x10240x64xf32, #tpu.memory_space<hbm>> -> memref<1x10240x64xf32, #tpu.memory_space<hbm>>
    %dma_start3A_60 = tpu.memref_squeeze %dma_start3A_59 : memref<1x10240x64xf32, #tpu.memory_space<hbm>> -> memref<10240x64xf32, #tpu.memory_space<hbm>>
    %dma_start3A_61 = arith.constant 0 : i32
    %dma_start3A_62 = arith.constant 0 : i32
    %dma_start3A_63 = tpu.memref_slice %dma_start3A_60[%dma_start3A_61, %dma_start3A_62] : memref<10240x64xf32, #tpu.memory_space<hbm>> -> memref<10240x64xf32, #tpu.memory_space<hbm>>
    tpu.enqueue_indirect_dma source(%dma_start3A_63 : memref<10240x64xf32, #tpu.memory_space<hbm>>) target(%dma_start3A_53 : memref<128x64xf32, #tpu.memory_space<vmem>>) offsets(%dma_start3A_56 : memref<128xi32, #tpu.memory_space<vmem>>) semaphore(%arg14 : memref<!tpu.dma_semaphore, #tpu.memory_space<semaphore_mem>>)
    %dma_start3A_64 = arith.constant 4 : i32
    %dma_start3A_65 = arith.constant 4 : i32
    %dma_start3A_66 = arith.constant 0 : i32
    %dma_start3A_67 = arith.constant 0 : i32
    %dma_start3A_68 = tpu.memref_slice %arg9[%dma_start3A_65, %dma_start3A_66, %dma_start3A_67] : memref<5x128x64xf32, #tpu.memory_space<vmem>> -> memref<1x128x64xf32, #tpu.memory_space<vmem>>
    %dma_start3A_69 = tpu.memref_squeeze %dma_start3A_68 : memref<1x128x64xf32, #tpu.memory_space<vmem>> -> memref<128x64xf32, #tpu.memory_space<vmem>>
    %dma_start3A_70 = arith.constant 0 : i32
    %dma_start3A_71 = tpu.memref_slice %arg7[%dma_start3A_64, %dma_start3A_70] : memref<160x128xi32, #tpu.memory_space<vmem>> -> memref<1x128xi32, #tpu.memory_space<vmem>>
    %dma_start3A_72 = tpu.memref_squeeze %dma_start3A_71 : memref<1x128xi32, #tpu.memory_space<vmem>> -> memref<128xi32, #tpu.memory_space<vmem>>
    %dma_start3A_73 = arith.constant 0 : i32
    %dma_start3A_74 = arith.constant 0 : i32
    %dma_start3A_75 = tpu.memref_slice %arg2[%arg0, %dma_start3A_73, %dma_start3A_74] : memref<2x10240x64xf32, #tpu.memory_space<hbm>> -> memref<1x10240x64xf32, #tpu.memory_space<hbm>>
    %dma_start3A_76 = tpu.memref_squeeze %dma_start3A_75 : memref<1x10240x64xf32, #tpu.memory_space<hbm>> -> memref<10240x64xf32, #tpu.memory_space<hbm>>
    %dma_start3A_77 = arith.constant 0 : i32
    %dma_start3A_78 = arith.constant 0 : i32
    %dma_start3A_79 = tpu.memref_slice %dma_start3A_76[%dma_start3A_77, %dma_start3A_78] : memref<10240x64xf32, #tpu.memory_space<hbm>> -> memref<10240x64xf32, #tpu.memory_space<hbm>>
    tpu.enqueue_indirect_dma source(%dma_start3A_79 : memref<10240x64xf32, #tpu.memory_space<hbm>>) target(%dma_start3A_69 : memref<128x64xf32, #tpu.memory_space<vmem>>) offsets(%dma_start3A_72 : memref<128xi32, #tpu.memory_space<vmem>>) semaphore(%arg15 : memref<!tpu.dma_semaphore, #tpu.memory_space<semaphore_mem>>)
    %scan3A = arith.constant 0 : i32
    %scan3A_80 = arith.constant 32 : i32
    %scan3A_81 = arith.addi %scan3A, %scan3A_80 : i32
    %scan3A_82 = arith.constant 1 : i32
    scf.for %scan3A_85 = %scan3A to %scan3A_81 step %scan3A_82  : i32 {
      %mul3A_86 = arith.constant 5 : i32
      %mul3A_87 = arith.muli %scan3A_85, %mul3A_86 : i32
      %add3A = arith.constant 0 : i32
      %add3A_88 = arith.addi %add3A, %mul3A_87 : i32
      %add3A_89 = arith.constant 0 : i32
      %add3A_90 = arith.addi %add3A_88, %add3A_89 : i32
      %dma_wait3A = arith.constant 0 : i32
      %dma_wait3A_91 = arith.constant 0 : i32
      %dma_wait3A_92 = arith.constant 0 : i32
      %dma_wait3A_93 = tpu.memref_slice %arg9[%dma_wait3A, %dma_wait3A_91, %dma_wait3A_92] : memref<5x128x64xf32, #tpu.memory_space<vmem>> -> memref<1x128x64xf32, #tpu.memory_space<vmem>>
      %dma_wait3A_94 = tpu.memref_squeeze %dma_wait3A_93 : memref<1x128x64xf32, #tpu.memory_space<vmem>> -> memref<128x64xf32, #tpu.memory_space<vmem>>
      %dma_wait3A_95 = arith.constant 0 : i32
      %dma_wait3A_96 = tpu.memref_slice %arg7[%add3A_90, %dma_wait3A_95] : memref<160x128xi32, #tpu.memory_space<vmem>> -> memref<1x128xi32, #tpu.memory_space<vmem>>
      %dma_wait3A_97 = tpu.memref_squeeze %dma_wait3A_96 : memref<1x128xi32, #tpu.memory_space<vmem>> -> memref<128xi32, #tpu.memory_space<vmem>>
      %dma_wait3A_98 = arith.constant 0 : i32
      %dma_wait3A_99 = arith.constant 0 : i32
      %dma_wait3A_100 = tpu.memref_slice %arg2[%arg0, %dma_wait3A_98, %dma_wait3A_99] : memref<2x10240x64xf32, #tpu.memory_space<hbm>> -> memref<1x10240x64xf32, #tpu.memory_space<hbm>>
      %dma_wait3A_101 = tpu.memref_squeeze %dma_wait3A_100 : memref<1x10240x64xf32, #tpu.memory_space<hbm>> -> memref<10240x64xf32, #tpu.memory_space<hbm>>
      %dma_wait3A_102 = arith.constant 0 : i32
      %dma_wait3A_103 = arith.constant 0 : i32
      %dma_wait3A_104 = tpu.memref_slice %dma_wait3A_101[%dma_wait3A_102, %dma_wait3A_103] : memref<10240x64xf32, #tpu.memory_space<hbm>> -> memref<10240x64xf32, #tpu.memory_space<hbm>>
      tpu.wait_indirect_dma semaphore(%arg11 : memref<!tpu.dma_semaphore, #tpu.memory_space<semaphore_mem>>) src(%dma_wait3A_104 : memref<10240x64xf32, #tpu.memory_space<hbm>>) dst(%dma_wait3A_94 : memref<128x64xf32, #tpu.memory_space<vmem>>)
      %add3A_105 = arith.constant 0 : i32
      %add3A_106 = arith.addi %add3A_88, %add3A_105 : i32
      %dma_start3A_107 = arith.constant 0 : i32
      %dma_start3A_108 = arith.constant 0 : i32
      %dma_start3A_109 = arith.constant 0 : i32
      %dma_start3A_110 = tpu.memref_slice %arg9[%dma_start3A_107, %dma_start3A_108, %dma_start3A_109] : memref<5x128x64xf32, #tpu.memory_space<vmem>> -> memref<1x128x64xf32, #tpu.memory_space<vmem>>
      %dma_start3A_111 = tpu.memref_squeeze %dma_start3A_110 : memref<1x128x64xf32, #tpu.memory_space<vmem>> -> memref<128x64xf32, #tpu.memory_space<vmem>>
      %dma_start3A_112 = arith.constant 0 : i32
      %dma_start3A_113 = tpu.memref_slice %arg8[%add3A_106, %dma_start3A_112] : memref<160x128xi32, #tpu.memory_space<vmem>> -> memref<1x128xi32, #tpu.memory_space<vmem>>
      %dma_start3A_114 = tpu.memref_squeeze %dma_start3A_113 : memref<1x128xi32, #tpu.memory_space<vmem>> -> memref<128xi32, #tpu.memory_space<vmem>>
      %dma_start3A_115 = arith.constant 0 : i32
      %dma_start3A_116 = arith.constant 0 : i32
      %dma_start3A_117 = tpu.memref_slice %arg10[%dma_start3A_115, %dma_start3A_116] : memref<10240x64xf32, #tpu.memory_space<vmem_shared>> -> memref<10240x64xf32, #tpu.memory_space<vmem_shared>>
      tpu.enqueue_indirect_dma source(%dma_start3A_111 : memref<128x64xf32, #tpu.memory_space<vmem>>) target(%dma_start3A_117 : memref<10240x64xf32, #tpu.memory_space<vmem_shared>>) offsets(%dma_start3A_114 : memref<128xi32, #tpu.memory_space<vmem>>) semaphore(%arg16 : memref<!tpu.dma_semaphore, #tpu.memory_space<semaphore_mem>>) {add = true}
      %add3A_118 = arith.constant 1 : i32
      %add3A_119 = arith.addi %add3A_88, %add3A_118 : i32
      %dma_wait3A_120 = arith.constant 1 : i32
      %dma_wait3A_121 = arith.constant 0 : i32
      %dma_wait3A_122 = arith.constant 0 : i32
      %dma_wait3A_123 = tpu.memref_slice %arg9[%dma_wait3A_120, %dma_wait3A_121, %dma_wait3A_122] : memref<5x128x64xf32, #tpu.memory_space<vmem>> -> memref<1x128x64xf32, #tpu.memory_space<vmem>>
      %dma_wait3A_124 = tpu.memref_squeeze %dma_wait3A_123 : memref<1x128x64xf32, #tpu.memory_space<vmem>> -> memref<128x64xf32, #tpu.memory_space<vmem>>
      %dma_wait3A_125 = arith.constant 0 : i32
      %dma_wait3A_126 = tpu.memref_slice %arg7[%add3A_119, %dma_wait3A_125] : memref<160x128xi32, #tpu.memory_space<vmem>> -> memref<1x128xi32, #tpu.memory_space<vmem>>
      %dma_wait3A_127 = tpu.memref_squeeze %dma_wait3A_126 : memref<1x128xi32, #tpu.memory_space<vmem>> -> memref<128xi32, #tpu.memory_space<vmem>>
      %dma_wait3A_128 = arith.constant 0 : i32
      %dma_wait3A_129 = arith.constant 0 : i32
      %dma_wait3A_130 = tpu.memref_slice %arg2[%arg0, %dma_wait3A_128, %dma_wait3A_129] : memref<2x10240x64xf32, #tpu.memory_space<hbm>> -> memref<1x10240x64xf32, #tpu.memory_space<hbm>>
      %dma_wait3A_131 = tpu.memref_squeeze %dma_wait3A_130 : memref<1x10240x64xf32, #tpu.memory_space<hbm>> -> memref<10240x64xf32, #tpu.memory_space<hbm>>
      %dma_wait3A_132 = arith.constant 0 : i32
      %dma_wait3A_133 = arith.constant 0 : i32
      %dma_wait3A_134 = tpu.memref_slice %dma_wait3A_131[%dma_wait3A_132, %dma_wait3A_133] : memref<10240x64xf32, #tpu.memory_space<hbm>> -> memref<10240x64xf32, #tpu.memory_space<hbm>>
      tpu.wait_indirect_dma semaphore(%arg12 : memref<!tpu.dma_semaphore, #tpu.memory_space<semaphore_mem>>) src(%dma_wait3A_134 : memref<10240x64xf32, #tpu.memory_space<hbm>>) dst(%dma_wait3A_124 : memref<128x64xf32, #tpu.memory_space<vmem>>)
      %add3A_135 = arith.constant 1 : i32
      %add3A_136 = arith.addi %add3A_88, %add3A_135 : i32
      %dma_start3A_137 = arith.constant 1 : i32
      %dma_start3A_138 = arith.constant 0 : i32
      %dma_start3A_139 = arith.constant 0 : i32
      %dma_start3A_140 = tpu.memref_slice %arg9[%dma_start3A_137, %dma_start3A_138, %dma_start3A_139] : memref<5x128x64xf32, #tpu.memory_space<vmem>> -> memref<1x128x64xf32, #tpu.memory_space<vmem>>
      %dma_start3A_141 = tpu.memref_squeeze %dma_start3A_140 : memref<1x128x64xf32, #tpu.memory_space<vmem>> -> memref<128x64xf32, #tpu.memory_space<vmem>>
      %dma_start3A_142 = arith.constant 0 : i32
      %dma_start3A_143 = tpu.memref_slice %arg8[%add3A_136, %dma_start3A_142] : memref<160x128xi32, #tpu.memory_space<vmem>> -> memref<1x128xi32, #tpu.memory_space<vmem>>
      %dma_start3A_144 = tpu.memref_squeeze %dma_start3A_143 : memref<1x128xi32, #tpu.memory_space<vmem>> -> memref<128xi32, #tpu.memory_space<vmem>>
      %dma_start3A_145 = arith.constant 0 : i32
      %dma_start3A_146 = arith.constant 0 : i32
      %dma_start3A_147 = tpu.memref_slice %arg10[%dma_start3A_145, %dma_start3A_146] : memref<10240x64xf32, #tpu.memory_space<vmem_shared>> -> memref<10240x64xf32, #tpu.memory_space<vmem_shared>>
      tpu.enqueue_indirect_dma source(%dma_start3A_141 : memref<128x64xf32, #tpu.memory_space<vmem>>) target(%dma_start3A_147 : memref<10240x64xf32, #tpu.memory_space<vmem_shared>>) offsets(%dma_start3A_144 : memref<128xi32, #tpu.memory_space<vmem>>) semaphore(%arg17 : memref<!tpu.dma_semaphore, #tpu.memory_space<semaphore_mem>>) {add = true}
      %add3A_148 = arith.constant 2 : i32
      %add3A_149 = arith.addi %add3A_88, %add3A_148 : i32
      %dma_wait3A_150 = arith.constant 2 : i32
      %dma_wait3A_151 = arith.constant 0 : i32
      %dma_wait3A_152 = arith.constant 0 : i32
      %dma_wait3A_153 = tpu.memref_slice %arg9[%dma_wait3A_150, %dma_wait3A_151, %dma_wait3A_152] : memref<5x128x64xf32, #tpu.memory_space<vmem>> -> memref<1x128x64xf32, #tpu.memory_space<vmem>>
      %dma_wait3A_154 = tpu.memref_squeeze %dma_wait3A_153 : memref<1x128x64xf32, #tpu.memory_space<vmem>> -> memref<128x64xf32, #tpu.memory_space<vmem>>
      %dma_wait3A_155 = arith.constant 0 : i32
      %dma_wait3A_156 = tpu.memref_slice %arg7[%add3A_149, %dma_wait3A_155] : memref<160x128xi32, #tpu.memory_space<vmem>> -> memref<1x128xi32, #tpu.memory_space<vmem>>
      %dma_wait3A_157 = tpu.memref_squeeze %dma_wait3A_156 : memref<1x128xi32, #tpu.memory_space<vmem>> -> memref<128xi32, #tpu.memory_space<vmem>>
      %dma_wait3A_158 = arith.constant 0 : i32
      %dma_wait3A_159 = arith.constant 0 : i32
      %dma_wait3A_160 = tpu.memref_slice %arg2[%arg0, %dma_wait3A_158, %dma_wait3A_159] : memref<2x10240x64xf32, #tpu.memory_space<hbm>> -> memref<1x10240x64xf32, #tpu.memory_space<hbm>>
      %dma_wait3A_161 = tpu.memref_squeeze %dma_wait3A_160 : memref<1x10240x64xf32, #tpu.memory_space<hbm>> -> memref<10240x64xf32, #tpu.memory_space<hbm>>
      %dma_wait3A_162 = arith.constant 0 : i32
      %dma_wait3A_163 = arith.constant 0 : i32
      %dma_wait3A_164 = tpu.memref_slice %dma_wait3A_161[%dma_wait3A_162, %dma_wait3A_163] : memref<10240x64xf32, #tpu.memory_space<hbm>> -> memref<10240x64xf32, #tpu.memory_space<hbm>>
      tpu.wait_indirect_dma semaphore(%arg13 : memref<!tpu.dma_semaphore, #tpu.memory_space<semaphore_mem>>) src(%dma_wait3A_164 : memref<10240x64xf32, #tpu.memory_space<hbm>>) dst(%dma_wait3A_154 : memref<128x64xf32, #tpu.memory_space<vmem>>)
      %add3A_165 = arith.constant 2 : i32
      %add3A_166 = arith.addi %add3A_88, %add3A_165 : i32
      %dma_start3A_167 = arith.constant 2 : i32
      %dma_start3A_168 = arith.constant 0 : i32
      %dma_start3A_169 = arith.constant 0 : i32
      %dma_start3A_170 = tpu.memref_slice %arg9[%dma_start3A_167, %dma_start3A_168, %dma_start3A_169] : memref<5x128x64xf32, #tpu.memory_space<vmem>> -> memref<1x128x64xf32, #tpu.memory_space<vmem>>
      %dma_start3A_171 = tpu.memref_squeeze %dma_start3A_170 : memref<1x128x64xf32, #tpu.memory_space<vmem>> -> memref<128x64xf32, #tpu.memory_space<vmem>>
      %dma_start3A_172 = arith.constant 0 : i32
      %dma_start3A_173 = tpu.memref_slice %arg8[%add3A_166, %dma_start3A_172] : memref<160x128xi32, #tpu.memory_space<vmem>> -> memref<1x128xi32, #tpu.memory_space<vmem>>
      %dma_start3A_174 = tpu.memref_squeeze %dma_start3A_173 : memref<1x128xi32, #tpu.memory_space<vmem>> -> memref<128xi32, #tpu.memory_space<vmem>>
      %dma_start3A_175 = arith.constant 0 : i32
      %dma_start3A_176 = arith.constant 0 : i32
      %dma_start3A_177 = tpu.memref_slice %arg10[%dma_start3A_175, %dma_start3A_176] : memref<10240x64xf32, #tpu.memory_space<vmem_shared>> -> memref<10240x64xf32, #tpu.memory_space<vmem_shared>>
      tpu.enqueue_indirect_dma source(%dma_start3A_171 : memref<128x64xf32, #tpu.memory_space<vmem>>) target(%dma_start3A_177 : memref<10240x64xf32, #tpu.memory_space<vmem_shared>>) offsets(%dma_start3A_174 : memref<128xi32, #tpu.memory_space<vmem>>) semaphore(%arg18 : memref<!tpu.dma_semaphore, #tpu.memory_space<semaphore_mem>>) {add = true}
      %add3A_178 = arith.constant 3 : i32
      %add3A_179 = arith.addi %add3A_88, %add3A_178 : i32
      %dma_wait3A_180 = arith.constant 3 : i32
      %dma_wait3A_181 = arith.constant 0 : i32
      %dma_wait3A_182 = arith.constant 0 : i32
      %dma_wait3A_183 = tpu.memref_slice %arg9[%dma_wait3A_180, %dma_wait3A_181, %dma_wait3A_182] : memref<5x128x64xf32, #tpu.memory_space<vmem>> -> memref<1x128x64xf32, #tpu.memory_space<vmem>>
      %dma_wait3A_184 = tpu.memref_squeeze %dma_wait3A_183 : memref<1x128x64xf32, #tpu.memory_space<vmem>> -> memref<128x64xf32, #tpu.memory_space<vmem>>
      %dma_wait3A_185 = arith.constant 0 : i32
      %dma_wait3A_186 = tpu.memref_slice %arg7[%add3A_179, %dma_wait3A_185] : memref<160x128xi32, #tpu.memory_space<vmem>> -> memref<1x128xi32, #tpu.memory_space<vmem>>
      %dma_wait3A_187 = tpu.memref_squeeze %dma_wait3A_186 : memref<1x128xi32, #tpu.memory_space<vmem>> -> memref<128xi32, #tpu.memory_space<vmem>>
      %dma_wait3A_188 = arith.constant 0 : i32
      %dma_wait3A_189 = arith.constant 0 : i32
      %dma_wait3A_190 = tpu.memref_slice %arg2[%arg0, %dma_wait3A_188, %dma_wait3A_189] : memref<2x10240x64xf32, #tpu.memory_space<hbm>> -> memref<1x10240x64xf32, #tpu.memory_space<hbm>>
      %dma_wait3A_191 = tpu.memref_squeeze %dma_wait3A_190 : memref<1x10240x64xf32, #tpu.memory_space<hbm>> -> memref<10240x64xf32, #tpu.memory_space<hbm>>
      %dma_wait3A_192 = arith.constant 0 : i32
      %dma_wait3A_193 = arith.constant 0 : i32
      %dma_wait3A_194 = tpu.memref_slice %dma_wait3A_191[%dma_wait3A_192, %dma_wait3A_193] : memref<10240x64xf32, #tpu.memory_space<hbm>> -> memref<10240x64xf32, #tpu.memory_space<hbm>>
      tpu.wait_indirect_dma semaphore(%arg14 : memref<!tpu.dma_semaphore, #tpu.memory_space<semaphore_mem>>) src(%dma_wait3A_194 : memref<10240x64xf32, #tpu.memory_space<hbm>>) dst(%dma_wait3A_184 : memref<128x64xf32, #tpu.memory_space<vmem>>)
      %add3A_195 = arith.constant 3 : i32
      %add3A_196 = arith.addi %add3A_88, %add3A_195 : i32
      %dma_start3A_197 = arith.constant 3 : i32
      %dma_start3A_198 = arith.constant 0 : i32
      %dma_start3A_199 = arith.constant 0 : i32
      %dma_start3A_200 = tpu.memref_slice %arg9[%dma_start3A_197, %dma_start3A_198, %dma_start3A_199] : memref<5x128x64xf32, #tpu.memory_space<vmem>> -> memref<1x128x64xf32, #tpu.memory_space<vmem>>
      %dma_start3A_201 = tpu.memref_squeeze %dma_start3A_200 : memref<1x128x64xf32, #tpu.memory_space<vmem>> -> memref<128x64xf32, #tpu.memory_space<vmem>>
      %dma_start3A_202 = arith.constant 0 : i32
      %dma_start3A_203 = tpu.memref_slice %arg8[%add3A_196, %dma_start3A_202] : memref<160x128xi32, #tpu.memory_space<vmem>> -> memref<1x128xi32, #tpu.memory_space<vmem>>
      %dma_start3A_204 = tpu.memref_squeeze %dma_start3A_203 : memref<1x128xi32, #tpu.memory_space<vmem>> -> memref<128xi32, #tpu.memory_space<vmem>>
      %dma_start3A_205 = arith.constant 0 : i32
      %dma_start3A_206 = arith.constant 0 : i32
      %dma_start3A_207 = tpu.memref_slice %arg10[%dma_start3A_205, %dma_start3A_206] : memref<10240x64xf32, #tpu.memory_space<vmem_shared>> -> memref<10240x64xf32, #tpu.memory_space<vmem_shared>>
      tpu.enqueue_indirect_dma source(%dma_start3A_201 : memref<128x64xf32, #tpu.memory_space<vmem>>) target(%dma_start3A_207 : memref<10240x64xf32, #tpu.memory_space<vmem_shared>>) offsets(%dma_start3A_204 : memref<128xi32, #tpu.memory_space<vmem>>) semaphore(%arg19 : memref<!tpu.dma_semaphore, #tpu.memory_space<semaphore_mem>>) {add = true}
      %add3A_208 = arith.constant 4 : i32
      %add3A_209 = arith.addi %add3A_88, %add3A_208 : i32
      %dma_wait3A_210 = arith.constant 4 : i32
      %dma_wait3A_211 = arith.constant 0 : i32
      %dma_wait3A_212 = arith.constant 0 : i32
      %dma_wait3A_213 = tpu.memref_slice %arg9[%dma_wait3A_210, %dma_wait3A_211, %dma_wait3A_212] : memref<5x128x64xf32, #tpu.memory_space<vmem>> -> memref<1x128x64xf32, #tpu.memory_space<vmem>>
      %dma_wait3A_214 = tpu.memref_squeeze %dma_wait3A_213 : memref<1x128x64xf32, #tpu.memory_space<vmem>> -> memref<128x64xf32, #tpu.memory_space<vmem>>
      %dma_wait3A_215 = arith.constant 0 : i32
      %dma_wait3A_216 = tpu.memref_slice %arg7[%add3A_209, %dma_wait3A_215] : memref<160x128xi32, #tpu.memory_space<vmem>> -> memref<1x128xi32, #tpu.memory_space<vmem>>
      %dma_wait3A_217 = tpu.memref_squeeze %dma_wait3A_216 : memref<1x128xi32, #tpu.memory_space<vmem>> -> memref<128xi32, #tpu.memory_space<vmem>>
      %dma_wait3A_218 = arith.constant 0 : i32
      %dma_wait3A_219 = arith.constant 0 : i32
      %dma_wait3A_220 = tpu.memref_slice %arg2[%arg0, %dma_wait3A_218, %dma_wait3A_219] : memref<2x10240x64xf32, #tpu.memory_space<hbm>> -> memref<1x10240x64xf32, #tpu.memory_space<hbm>>
      %dma_wait3A_221 = tpu.memref_squeeze %dma_wait3A_220 : memref<1x10240x64xf32, #tpu.memory_space<hbm>> -> memref<10240x64xf32, #tpu.memory_space<hbm>>
      %dma_wait3A_222 = arith.constant 0 : i32
      %dma_wait3A_223 = arith.constant 0 : i32
      %dma_wait3A_224 = tpu.memref_slice %dma_wait3A_221[%dma_wait3A_222, %dma_wait3A_223] : memref<10240x64xf32, #tpu.memory_space<hbm>> -> memref<10240x64xf32, #tpu.memory_space<hbm>>
      tpu.wait_indirect_dma semaphore(%arg15 : memref<!tpu.dma_semaphore, #tpu.memory_space<semaphore_mem>>) src(%dma_wait3A_224 : memref<10240x64xf32, #tpu.memory_space<hbm>>) dst(%dma_wait3A_214 : memref<128x64xf32, #tpu.memory_space<vmem>>)
      %add3A_225 = arith.constant 4 : i32
      %add3A_226 = arith.addi %add3A_88, %add3A_225 : i32
      %dma_start3A_227 = arith.constant 4 : i32
      %dma_start3A_228 = arith.constant 0 : i32
      %dma_start3A_229 = arith.constant 0 : i32
      %dma_start3A_230 = tpu.memref_slice %arg9[%dma_start3A_227, %dma_start3A_228, %dma_start3A_229] : memref<5x128x64xf32, #tpu.memory_space<vmem>> -> memref<1x128x64xf32, #tpu.memory_space<vmem>>
      %dma_start3A_231 = tpu.memref_squeeze %dma_start3A_230 : memref<1x128x64xf32, #tpu.memory_space<vmem>> -> memref<128x64xf32, #tpu.memory_space<vmem>>
      %dma_start3A_232 = arith.constant 0 : i32
      %dma_start3A_233 = tpu.memref_slice %arg8[%add3A_226, %dma_start3A_232] : memref<160x128xi32, #tpu.memory_space<vmem>> -> memref<1x128xi32, #tpu.memory_space<vmem>>
      %dma_start3A_234 = tpu.memref_squeeze %dma_start3A_233 : memref<1x128xi32, #tpu.memory_space<vmem>> -> memref<128xi32, #tpu.memory_space<vmem>>
      %dma_start3A_235 = arith.constant 0 : i32
      %dma_start3A_236 = arith.constant 0 : i32
      %dma_start3A_237 = tpu.memref_slice %arg10[%dma_start3A_235, %dma_start3A_236] : memref<10240x64xf32, #tpu.memory_space<vmem_shared>> -> memref<10240x64xf32, #tpu.memory_space<vmem_shared>>
      tpu.enqueue_indirect_dma source(%dma_start3A_231 : memref<128x64xf32, #tpu.memory_space<vmem>>) target(%dma_start3A_237 : memref<10240x64xf32, #tpu.memory_space<vmem_shared>>) offsets(%dma_start3A_234 : memref<128xi32, #tpu.memory_space<vmem>>) semaphore(%arg20 : memref<!tpu.dma_semaphore, #tpu.memory_space<semaphore_mem>>) {add = true}
      %dma_wait3A_238 = arith.constant 0 : i32
      %dma_wait3A_239 = arith.constant 0 : i32
      %dma_wait3A_240 = arith.constant 0 : i32
      %dma_wait3A_241 = tpu.memref_slice %arg9[%dma_wait3A_238, %dma_wait3A_239, %dma_wait3A_240] : memref<5x128x64xf32, #tpu.memory_space<vmem>> -> memref<1x128x64xf32, #tpu.memory_space<vmem>>
      %dma_wait3A_242 = tpu.memref_squeeze %dma_wait3A_241 : memref<1x128x64xf32, #tpu.memory_space<vmem>> -> memref<128x64xf32, #tpu.memory_space<vmem>>
      %dma_wait3A_243 = arith.constant 0 : i32
      %dma_wait3A_244 = tpu.memref_slice %arg8[%add3A_106, %dma_wait3A_243] : memref<160x128xi32, #tpu.memory_space<vmem>> -> memref<1x128xi32, #tpu.memory_space<vmem>>
      %dma_wait3A_245 = tpu.memref_squeeze %dma_wait3A_244 : memref<1x128xi32, #tpu.memory_space<vmem>> -> memref<128xi32, #tpu.memory_space<vmem>>
      %dma_wait3A_246 = arith.constant 0 : i32
      %dma_wait3A_247 = arith.constant 0 : i32
      %dma_wait3A_248 = tpu.memref_slice %arg10[%dma_wait3A_246, %dma_wait3A_247] : memref<10240x64xf32, #tpu.memory_space<vmem_shared>> -> memref<10240x64xf32, #tpu.memory_space<vmem_shared>>
      tpu.wait_indirect_dma semaphore(%arg16 : memref<!tpu.dma_semaphore, #tpu.memory_space<semaphore_mem>>) src(%dma_wait3A_242 : memref<128x64xf32, #tpu.memory_space<vmem>>) dst(%dma_wait3A_248 : memref<10240x64xf32, #tpu.memory_space<vmem_shared>>)
      %add3A_249 = arith.constant 5 : i32
      %add3A_250 = arith.addi %add3A_88, %add3A_249 : i32
      %add3A_251 = arith.constant 0 : i32
      %add3A_252 = arith.addi %add3A_250, %add3A_251 : i32
      %lt3A = arith.constant 160 : i32
      %lt3A_253 = arith.cmpi slt, %add3A_252, %lt3A : i32
      %convert_element_type3A = arith.extui %lt3A_253 : i1 to i32
      %cond3A = arith.constant 0 : i32
      %cond3A_254 = arith.cmpi ne, %convert_element_type3A, %cond3A : i32
      scf.if %cond3A_254 {
        %add3A_335 = arith.constant 5 : i32
        %add3A_336 = arith.addi %add3A_88, %add3A_335 : i32
        %add3A_337 = arith.constant 0 : i32
        %add3A_338 = arith.addi %add3A_336, %add3A_337 : i32
        %dma_start3A_339 = arith.constant 0 : i32
        %dma_start3A_340 = arith.constant 0 : i32
        %dma_start3A_341 = arith.constant 0 : i32
        %dma_start3A_342 = tpu.memref_slice %arg9[%dma_start3A_339, %dma_start3A_340, %dma_start3A_341] : memref<5x128x64xf32, #tpu.memory_space<vmem>> -> memref<1x128x64xf32, #tpu.memory_space<vmem>>
        %dma_start3A_343 = tpu.memref_squeeze %dma_start3A_342 : memref<1x128x64xf32, #tpu.memory_space<vmem>> -> memref<128x64xf32, #tpu.memory_space<vmem>>
        %dma_start3A_344 = arith.constant 0 : i32
        %dma_start3A_345 = tpu.memref_slice %arg7[%add3A_338, %dma_start3A_344] : memref<160x128xi32, #tpu.memory_space<vmem>> -> memref<1x128xi32, #tpu.memory_space<vmem>>
        %dma_start3A_346 = tpu.memref_squeeze %dma_start3A_345 : memref<1x128xi32, #tpu.memory_space<vmem>> -> memref<128xi32, #tpu.memory_space<vmem>>
        %dma_start3A_347 = arith.constant 0 : i32
        %dma_start3A_348 = arith.constant 0 : i32
        %dma_start3A_349 = tpu.memref_slice %arg2[%arg0, %dma_start3A_347, %dma_start3A_348] : memref<2x10240x64xf32, #tpu.memory_space<hbm>> -> memref<1x10240x64xf32, #tpu.memory_space<hbm>>
        %dma_start3A_350 = tpu.memref_squeeze %dma_start3A_349 : memref<1x10240x64xf32, #tpu.memory_space<hbm>> -> memref<10240x64xf32, #tpu.memory_space<hbm>>
        %dma_start3A_351 = arith.constant 0 : i32
        %dma_start3A_352 = arith.constant 0 : i32
        %dma_start3A_353 = tpu.memref_slice %dma_start3A_350[%dma_start3A_351, %dma_start3A_352] : memref<10240x64xf32, #tpu.memory_space<hbm>> -> memref<10240x64xf32, #tpu.memory_space<hbm>>
        tpu.enqueue_indirect_dma source(%dma_start3A_353 : memref<10240x64xf32, #tpu.memory_space<hbm>>) target(%dma_start3A_343 : memref<128x64xf32, #tpu.memory_space<vmem>>) offsets(%dma_start3A_346 : memref<128xi32, #tpu.memory_space<vmem>>) semaphore(%arg11 : memref<!tpu.dma_semaphore, #tpu.memory_space<semaphore_mem>>)
      } else {
      }
      %dma_wait3A_255 = arith.constant 1 : i32
      %dma_wait3A_256 = arith.constant 0 : i32
      %dma_wait3A_257 = arith.constant 0 : i32
      %dma_wait3A_258 = tpu.memref_slice %arg9[%dma_wait3A_255, %dma_wait3A_256, %dma_wait3A_257] : memref<5x128x64xf32, #tpu.memory_space<vmem>> -> memref<1x128x64xf32, #tpu.memory_space<vmem>>
      %dma_wait3A_259 = tpu.memref_squeeze %dma_wait3A_258 : memref<1x128x64xf32, #tpu.memory_space<vmem>> -> memref<128x64xf32, #tpu.memory_space<vmem>>
      %dma_wait3A_260 = arith.constant 0 : i32
      %dma_wait3A_261 = tpu.memref_slice %arg8[%add3A_136, %dma_wait3A_260] : memref<160x128xi32, #tpu.memory_space<vmem>> -> memref<1x128xi32, #tpu.memory_space<vmem>>
      %dma_wait3A_262 = tpu.memref_squeeze %dma_wait3A_261 : memref<1x128xi32, #tpu.memory_space<vmem>> -> memref<128xi32, #tpu.memory_space<vmem>>
      %dma_wait3A_263 = arith.constant 0 : i32
      %dma_wait3A_264 = arith.constant 0 : i32
      %dma_wait3A_265 = tpu.memref_slice %arg10[%dma_wait3A_263, %dma_wait3A_264] : memref<10240x64xf32, #tpu.memory_space<vmem_shared>> -> memref<10240x64xf32, #tpu.memory_space<vmem_shared>>
      tpu.wait_indirect_dma semaphore(%arg17 : memref<!tpu.dma_semaphore, #tpu.memory_space<semaphore_mem>>) src(%dma_wait3A_259 : memref<128x64xf32, #tpu.memory_space<vmem>>) dst(%dma_wait3A_265 : memref<10240x64xf32, #tpu.memory_space<vmem_shared>>)
      %add3A_266 = arith.constant 5 : i32
      %add3A_267 = arith.addi %add3A_88, %add3A_266 : i32
      %add3A_268 = arith.constant 1 : i32
      %add3A_269 = arith.addi %add3A_267, %add3A_268 : i32
      %lt3A_270 = arith.constant 160 : i32
      %lt3A_271 = arith.cmpi slt, %add3A_269, %lt3A_270 : i32
      %convert_element_type3A_272 = arith.extui %lt3A_271 : i1 to i32
      %cond3A_273 = arith.constant 0 : i32
      %cond3A_274 = arith.cmpi ne, %convert_element_type3A_272, %cond3A_273 : i32
      scf.if %cond3A_274 {
        %add3A_335 = arith.constant 5 : i32
        %add3A_336 = arith.addi %add3A_88, %add3A_335 : i32
        %add3A_337 = arith.constant 1 : i32
        %add3A_338 = arith.addi %add3A_336, %add3A_337 : i32
        %dma_start3A_339 = arith.constant 1 : i32
        %dma_start3A_340 = arith.constant 0 : i32
        %dma_start3A_341 = arith.constant 0 : i32
        %dma_start3A_342 = tpu.memref_slice %arg9[%dma_start3A_339, %dma_start3A_340, %dma_start3A_341] : memref<5x128x64xf32, #tpu.memory_space<vmem>> -> memref<1x128x64xf32, #tpu.memory_space<vmem>>
        %dma_start3A_343 = tpu.memref_squeeze %dma_start3A_342 : memref<1x128x64xf32, #tpu.memory_space<vmem>> -> memref<128x64xf32, #tpu.memory_space<vmem>>
        %dma_start3A_344 = arith.constant 0 : i32
        %dma_start3A_345 = tpu.memref_slice %arg7[%add3A_338, %dma_start3A_344] : memref<160x128xi32, #tpu.memory_space<vmem>> -> memref<1x128xi32, #tpu.memory_space<vmem>>
        %dma_start3A_346 = tpu.memref_squeeze %dma_start3A_345 : memref<1x128xi32, #tpu.memory_space<vmem>> -> memref<128xi32, #tpu.memory_space<vmem>>
        %dma_start3A_347 = arith.constant 0 : i32
        %dma_start3A_348 = arith.constant 0 : i32
        %dma_start3A_349 = tpu.memref_slice %arg2[%arg0, %dma_start3A_347, %dma_start3A_348] : memref<2x10240x64xf32, #tpu.memory_space<hbm>> -> memref<1x10240x64xf32, #tpu.memory_space<hbm>>
        %dma_start3A_350 = tpu.memref_squeeze %dma_start3A_349 : memref<1x10240x64xf32, #tpu.memory_space<hbm>> -> memref<10240x64xf32, #tpu.memory_space<hbm>>
        %dma_start3A_351 = arith.constant 0 : i32
        %dma_start3A_352 = arith.constant 0 : i32
        %dma_start3A_353 = tpu.memref_slice %dma_start3A_350[%dma_start3A_351, %dma_start3A_352] : memref<10240x64xf32, #tpu.memory_space<hbm>> -> memref<10240x64xf32, #tpu.memory_space<hbm>>
        tpu.enqueue_indirect_dma source(%dma_start3A_353 : memref<10240x64xf32, #tpu.memory_space<hbm>>) target(%dma_start3A_343 : memref<128x64xf32, #tpu.memory_space<vmem>>) offsets(%dma_start3A_346 : memref<128xi32, #tpu.memory_space<vmem>>) semaphore(%arg12 : memref<!tpu.dma_semaphore, #tpu.memory_space<semaphore_mem>>)
      } else {
      }
      %dma_wait3A_275 = arith.constant 2 : i32
      %dma_wait3A_276 = arith.constant 0 : i32
      %dma_wait3A_277 = arith.constant 0 : i32
      %dma_wait3A_278 = tpu.memref_slice %arg9[%dma_wait3A_275, %dma_wait3A_276, %dma_wait3A_277] : memref<5x128x64xf32, #tpu.memory_space<vmem>> -> memref<1x128x64xf32, #tpu.memory_space<vmem>>
      %dma_wait3A_279 = tpu.memref_squeeze %dma_wait3A_278 : memref<1x128x64xf32, #tpu.memory_space<vmem>> -> memref<128x64xf32, #tpu.memory_space<vmem>>
      %dma_wait3A_280 = arith.constant 0 : i32
      %dma_wait3A_281 = tpu.memref_slice %arg8[%add3A_166, %dma_wait3A_280] : memref<160x128xi32, #tpu.memory_space<vmem>> -> memref<1x128xi32, #tpu.memory_space<vmem>>
      %dma_wait3A_282 = tpu.memref_squeeze %dma_wait3A_281 : memref<1x128xi32, #tpu.memory_space<vmem>> -> memref<128xi32, #tpu.memory_space<vmem>>
      %dma_wait3A_283 = arith.constant 0 : i32
      %dma_wait3A_284 = arith.constant 0 : i32
      %dma_wait3A_285 = tpu.memref_slice %arg10[%dma_wait3A_283, %dma_wait3A_284] : memref<10240x64xf32, #tpu.memory_space<vmem_shared>> -> memref<10240x64xf32, #tpu.memory_space<vmem_shared>>
      tpu.wait_indirect_dma semaphore(%arg18 : memref<!tpu.dma_semaphore, #tpu.memory_space<semaphore_mem>>) src(%dma_wait3A_279 : memref<128x64xf32, #tpu.memory_space<vmem>>) dst(%dma_wait3A_285 : memref<10240x64xf32, #tpu.memory_space<vmem_shared>>)
      %add3A_286 = arith.constant 5 : i32
      %add3A_287 = arith.addi %add3A_88, %add3A_286 : i32
      %add3A_288 = arith.constant 2 : i32
      %add3A_289 = arith.addi %add3A_287, %add3A_288 : i32
      %lt3A_290 = arith.constant 160 : i32
      %lt3A_291 = arith.cmpi slt, %add3A_289, %lt3A_290 : i32
      %convert_element_type3A_292 = arith.extui %lt3A_291 : i1 to i32
      %cond3A_293 = arith.constant 0 : i32
      %cond3A_294 = arith.cmpi ne, %convert_element_type3A_292, %cond3A_293 : i32
      scf.if %cond3A_294 {
        %add3A_335 = arith.constant 5 : i32
        %add3A_336 = arith.addi %add3A_88, %add3A_335 : i32
        %add3A_337 = arith.constant 2 : i32
        %add3A_338 = arith.addi %add3A_336, %add3A_337 : i32
        %dma_start3A_339 = arith.constant 2 : i32
        %dma_start3A_340 = arith.constant 0 : i32
        %dma_start3A_341 = arith.constant 0 : i32
        %dma_start3A_342 = tpu.memref_slice %arg9[%dma_start3A_339, %dma_start3A_340, %dma_start3A_341] : memref<5x128x64xf32, #tpu.memory_space<vmem>> -> memref<1x128x64xf32, #tpu.memory_space<vmem>>
        %dma_start3A_343 = tpu.memref_squeeze %dma_start3A_342 : memref<1x128x64xf32, #tpu.memory_space<vmem>> -> memref<128x64xf32, #tpu.memory_space<vmem>>
        %dma_start3A_344 = arith.constant 0 : i32
        %dma_start3A_345 = tpu.memref_slice %arg7[%add3A_338, %dma_start3A_344] : memref<160x128xi32, #tpu.memory_space<vmem>> -> memref<1x128xi32, #tpu.memory_space<vmem>>
        %dma_start3A_346 = tpu.memref_squeeze %dma_start3A_345 : memref<1x128xi32, #tpu.memory_space<vmem>> -> memref<128xi32, #tpu.memory_space<vmem>>
        %dma_start3A_347 = arith.constant 0 : i32
        %dma_start3A_348 = arith.constant 0 : i32
        %dma_start3A_349 = tpu.memref_slice %arg2[%arg0, %dma_start3A_347, %dma_start3A_348] : memref<2x10240x64xf32, #tpu.memory_space<hbm>> -> memref<1x10240x64xf32, #tpu.memory_space<hbm>>
        %dma_start3A_350 = tpu.memref_squeeze %dma_start3A_349 : memref<1x10240x64xf32, #tpu.memory_space<hbm>> -> memref<10240x64xf32, #tpu.memory_space<hbm>>
        %dma_start3A_351 = arith.constant 0 : i32
        %dma_start3A_352 = arith.constant 0 : i32
        %dma_start3A_353 = tpu.memref_slice %dma_start3A_350[%dma_start3A_351, %dma_start3A_352] : memref<10240x64xf32, #tpu.memory_space<hbm>> -> memref<10240x64xf32, #tpu.memory_space<hbm>>
        tpu.enqueue_indirect_dma source(%dma_start3A_353 : memref<10240x64xf32, #tpu.memory_space<hbm>>) target(%dma_start3A_343 : memref<128x64xf32, #tpu.memory_space<vmem>>) offsets(%dma_start3A_346 : memref<128xi32, #tpu.memory_space<vmem>>) semaphore(%arg13 : memref<!tpu.dma_semaphore, #tpu.memory_space<semaphore_mem>>)
      } else {
      }
      %dma_wait3A_295 = arith.constant 3 : i32
      %dma_wait3A_296 = arith.constant 0 : i32
      %dma_wait3A_297 = arith.constant 0 : i32
      %dma_wait3A_298 = tpu.memref_slice %arg9[%dma_wait3A_295, %dma_wait3A_296, %dma_wait3A_297] : memref<5x128x64xf32, #tpu.memory_space<vmem>> -> memref<1x128x64xf32, #tpu.memory_space<vmem>>
      %dma_wait3A_299 = tpu.memref_squeeze %dma_wait3A_298 : memref<1x128x64xf32, #tpu.memory_space<vmem>> -> memref<128x64xf32, #tpu.memory_space<vmem>>
      %dma_wait3A_300 = arith.constant 0 : i32
      %dma_wait3A_301 = tpu.memref_slice %arg8[%add3A_196, %dma_wait3A_300] : memref<160x128xi32, #tpu.memory_space<vmem>> -> memref<1x128xi32, #tpu.memory_space<vmem>>
      %dma_wait3A_302 = tpu.memref_squeeze %dma_wait3A_301 : memref<1x128xi32, #tpu.memory_space<vmem>> -> memref<128xi32, #tpu.memory_space<vmem>>
      %dma_wait3A_303 = arith.constant 0 : i32
      %dma_wait3A_304 = arith.constant 0 : i32
      %dma_wait3A_305 = tpu.memref_slice %arg10[%dma_wait3A_303, %dma_wait3A_304] : memref<10240x64xf32, #tpu.memory_space<vmem_shared>> -> memref<10240x64xf32, #tpu.memory_space<vmem_shared>>
      tpu.wait_indirect_dma semaphore(%arg19 : memref<!tpu.dma_semaphore, #tpu.memory_space<semaphore_mem>>) src(%dma_wait3A_299 : memref<128x64xf32, #tpu.memory_space<vmem>>) dst(%dma_wait3A_305 : memref<10240x64xf32, #tpu.memory_space<vmem_shared>>)
      %add3A_306 = arith.constant 5 : i32
      %add3A_307 = arith.addi %add3A_88, %add3A_306 : i32
      %add3A_308 = arith.constant 3 : i32
      %add3A_309 = arith.addi %add3A_307, %add3A_308 : i32
      %lt3A_310 = arith.constant 160 : i32
      %lt3A_311 = arith.cmpi slt, %add3A_309, %lt3A_310 : i32
      %convert_element_type3A_312 = arith.extui %lt3A_311 : i1 to i32
      %cond3A_313 = arith.constant 0 : i32
      %cond3A_314 = arith.cmpi ne, %convert_element_type3A_312, %cond3A_313 : i32
      scf.if %cond3A_314 {
        %add3A_335 = arith.constant 5 : i32
        %add3A_336 = arith.addi %add3A_88, %add3A_335 : i32
        %add3A_337 = arith.constant 3 : i32
        %add3A_338 = arith.addi %add3A_336, %add3A_337 : i32
        %dma_start3A_339 = arith.constant 3 : i32
        %dma_start3A_340 = arith.constant 0 : i32
        %dma_start3A_341 = arith.constant 0 : i32
        %dma_start3A_342 = tpu.memref_slice %arg9[%dma_start3A_339, %dma_start3A_340, %dma_start3A_341] : memref<5x128x64xf32, #tpu.memory_space<vmem>> -> memref<1x128x64xf32, #tpu.memory_space<vmem>>
        %dma_start3A_343 = tpu.memref_squeeze %dma_start3A_342 : memref<1x128x64xf32, #tpu.memory_space<vmem>> -> memref<128x64xf32, #tpu.memory_space<vmem>>
        %dma_start3A_344 = arith.constant 0 : i32
        %dma_start3A_345 = tpu.memref_slice %arg7[%add3A_338, %dma_start3A_344] : memref<160x128xi32, #tpu.memory_space<vmem>> -> memref<1x128xi32, #tpu.memory_space<vmem>>
        %dma_start3A_346 = tpu.memref_squeeze %dma_start3A_345 : memref<1x128xi32, #tpu.memory_space<vmem>> -> memref<128xi32, #tpu.memory_space<vmem>>
        %dma_start3A_347 = arith.constant 0 : i32
        %dma_start3A_348 = arith.constant 0 : i32
        %dma_start3A_349 = tpu.memref_slice %arg2[%arg0, %dma_start3A_347, %dma_start3A_348] : memref<2x10240x64xf32, #tpu.memory_space<hbm>> -> memref<1x10240x64xf32, #tpu.memory_space<hbm>>
        %dma_start3A_350 = tpu.memref_squeeze %dma_start3A_349 : memref<1x10240x64xf32, #tpu.memory_space<hbm>> -> memref<10240x64xf32, #tpu.memory_space<hbm>>
        %dma_start3A_351 = arith.constant 0 : i32
        %dma_start3A_352 = arith.constant 0 : i32
        %dma_start3A_353 = tpu.memref_slice %dma_start3A_350[%dma_start3A_351, %dma_start3A_352] : memref<10240x64xf32, #tpu.memory_space<hbm>> -> memref<10240x64xf32, #tpu.memory_space<hbm>>
        tpu.enqueue_indirect_dma source(%dma_start3A_353 : memref<10240x64xf32, #tpu.memory_space<hbm>>) target(%dma_start3A_343 : memref<128x64xf32, #tpu.memory_space<vmem>>) offsets(%dma_start3A_346 : memref<128xi32, #tpu.memory_space<vmem>>) semaphore(%arg14 : memref<!tpu.dma_semaphore, #tpu.memory_space<semaphore_mem>>)
      } else {
      }
      %dma_wait3A_315 = arith.constant 4 : i32
      %dma_wait3A_316 = arith.constant 0 : i32
      %dma_wait3A_317 = arith.constant 0 : i32
      %dma_wait3A_318 = tpu.memref_slice %arg9[%dma_wait3A_315, %dma_wait3A_316, %dma_wait3A_317] : memref<5x128x64xf32, #tpu.memory_space<vmem>> -> memref<1x128x64xf32, #tpu.memory_space<vmem>>
      %dma_wait3A_319 = tpu.memref_squeeze %dma_wait3A_318 : memref<1x128x64xf32, #tpu.memory_space<vmem>> -> memref<128x64xf32, #tpu.memory_space<vmem>>
      %dma_wait3A_320 = arith.constant 0 : i32
      %dma_wait3A_321 = tpu.memref_slice %arg8[%add3A_226, %dma_wait3A_320] : memref<160x128xi32, #tpu.memory_space<vmem>> -> memref<1x128xi32, #tpu.memory_space<vmem>>
      %dma_wait3A_322 = tpu.memref_squeeze %dma_wait3A_321 : memref<1x128xi32, #tpu.memory_space<vmem>> -> memref<128xi32, #tpu.memory_space<vmem>>
      %dma_wait3A_323 = arith.constant 0 : i32
      %dma_wait3A_324 = arith.constant 0 : i32
      %dma_wait3A_325 = tpu.memref_slice %arg10[%dma_wait3A_323, %dma_wait3A_324] : memref<10240x64xf32, #tpu.memory_space<vmem_shared>> -> memref<10240x64xf32, #tpu.memory_space<vmem_shared>>
      tpu.wait_indirect_dma semaphore(%arg20 : memref<!tpu.dma_semaphore, #tpu.memory_space<semaphore_mem>>) src(%dma_wait3A_319 : memref<128x64xf32, #tpu.memory_space<vmem>>) dst(%dma_wait3A_325 : memref<10240x64xf32, #tpu.memory_space<vmem_shared>>)
      %add3A_326 = arith.constant 5 : i32
      %add3A_327 = arith.addi %add3A_88, %add3A_326 : i32
      %add3A_328 = arith.constant 4 : i32
      %add3A_329 = arith.addi %add3A_327, %add3A_328 : i32
      %lt3A_330 = arith.constant 160 : i32
      %lt3A_331 = arith.cmpi slt, %add3A_329, %lt3A_330 : i32
      %convert_element_type3A_332 = arith.extui %lt3A_331 : i1 to i32
      %cond3A_333 = arith.constant 0 : i32
      %cond3A_334 = arith.cmpi ne, %convert_element_type3A_332, %cond3A_333 : i32
      scf.if %cond3A_334 {
        %add3A_335 = arith.constant 5 : i32
        %add3A_336 = arith.addi %add3A_88, %add3A_335 : i32
        %add3A_337 = arith.constant 4 : i32
        %add3A_338 = arith.addi %add3A_336, %add3A_337 : i32
        %dma_start3A_339 = arith.constant 4 : i32
        %dma_start3A_340 = arith.constant 0 : i32
        %dma_start3A_341 = arith.constant 0 : i32
        %dma_start3A_342 = tpu.memref_slice %arg9[%dma_start3A_339, %dma_start3A_340, %dma_start3A_341] : memref<5x128x64xf32, #tpu.memory_space<vmem>> -> memref<1x128x64xf32, #tpu.memory_space<vmem>>
        %dma_start3A_343 = tpu.memref_squeeze %dma_start3A_342 : memref<1x128x64xf32, #tpu.memory_space<vmem>> -> memref<128x64xf32, #tpu.memory_space<vmem>>
        %dma_start3A_344 = arith.constant 0 : i32
        %dma_start3A_345 = tpu.memref_slice %arg7[%add3A_338, %dma_start3A_344] : memref<160x128xi32, #tpu.memory_space<vmem>> -> memref<1x128xi32, #tpu.memory_space<vmem>>
        %dma_start3A_346 = tpu.memref_squeeze %dma_start3A_345 : memref<1x128xi32, #tpu.memory_space<vmem>> -> memref<128xi32, #tpu.memory_space<vmem>>
        %dma_start3A_347 = arith.constant 0 : i32
        %dma_start3A_348 = arith.constant 0 : i32
        %dma_start3A_349 = tpu.memref_slice %arg2[%arg0, %dma_start3A_347, %dma_start3A_348] : memref<2x10240x64xf32, #tpu.memory_space<hbm>> -> memref<1x10240x64xf32, #tpu.memory_space<hbm>>
        %dma_start3A_350 = tpu.memref_squeeze %dma_start3A_349 : memref<1x10240x64xf32, #tpu.memory_space<hbm>> -> memref<10240x64xf32, #tpu.memory_space<hbm>>
        %dma_start3A_351 = arith.constant 0 : i32
        %dma_start3A_352 = arith.constant 0 : i32
        %dma_start3A_353 = tpu.memref_slice %dma_start3A_350[%dma_start3A_351, %dma_start3A_352] : memref<10240x64xf32, #tpu.memory_space<hbm>> -> memref<10240x64xf32, #tpu.memory_space<hbm>>
        tpu.enqueue_indirect_dma source(%dma_start3A_353 : memref<10240x64xf32, #tpu.memory_space<hbm>>) target(%dma_start3A_343 : memref<128x64xf32, #tpu.memory_space<vmem>>) offsets(%dma_start3A_346 : memref<128xi32, #tpu.memory_space<vmem>>) semaphore(%arg15 : memref<!tpu.dma_semaphore, #tpu.memory_space<semaphore_mem>>)
      } else {
      }
    }
    %scan3A_83 = arith.constant 32 : i32
    %barrier3A_84 = arith.constant 0 : index
    tpu.barrier barrier_id(%barrier3A_84)
    "tpu.region"() ({
      %run_scoped3A = tpu.sem_alloc : memref<!tpu.dma_semaphore, #tpu.memory_space<semaphore_mem>>
      %dma_start3A_85 = arith.constant 0 : i32
      %dma_start3A_86 = tpu.memref_slice %arg6[%arg0, %mul3A_0, %dma_start3A_85] : memref<2x10240x64xf32, #tpu.memory_space<hbm>> -> memref<1x640x64xf32, #tpu.memory_space<hbm>>
      %dma_start3A_87 = tpu.memref_squeeze %dma_start3A_86 : memref<1x640x64xf32, #tpu.memory_space<hbm>> -> memref<640x64xf32, #tpu.memory_space<hbm>>
      %dma_start3A_88 = arith.constant 0 : i32
      %dma_start3A_89 = tpu.memref_slice %arg10[%mul3A_0, %dma_start3A_88] : memref<10240x64xf32, #tpu.memory_space<vmem_shared>> -> memref<640x64xf32, #tpu.memory_space<vmem_shared>>
      tpu.enqueue_dma source(%dma_start3A_89 : memref<640x64xf32, #tpu.memory_space<vmem_shared>>) target(%dma_start3A_87 : memref<640x64xf32, #tpu.memory_space<hbm>>) target_semaphore(%run_scoped3A : memref<!tpu.dma_semaphore, #tpu.memory_space<semaphore_mem>>)
      %dma_wait3A = arith.constant 0 : i32
      %dma_wait3A_90 = tpu.memref_slice %arg6[%arg0, %mul3A_0, %dma_wait3A] : memref<2x10240x64xf32, #tpu.memory_space<hbm>> -> memref<1x640x64xf32, #tpu.memory_space<hbm>>
      %dma_wait3A_91 = tpu.memref_squeeze %dma_wait3A_90 : memref<1x640x64xf32, #tpu.memory_space<hbm>> -> memref<640x64xf32, #tpu.memory_space<hbm>>
      %dma_wait3A_92 = arith.constant 0 : i32
      %dma_wait3A_93 = tpu.memref_slice %arg10[%mul3A_0, %dma_wait3A_92] : memref<10240x64xf32, #tpu.memory_space<vmem_shared>> -> memref<640x64xf32, #tpu.memory_space<vmem_shared>>
      tpu.wait_dma2 semaphore(%run_scoped3A : memref<!tpu.dma_semaphore, #tpu.memory_space<semaphore_mem>>) src(%dma_wait3A_93 : memref<640x64xf32, #tpu.memory_space<vmem_shared>>) dst(%dma_wait3A_91 : memref<640x64xf32, #tpu.memory_space<hbm>>)
      tpu.yield
    }) : () -> ()
    return
  }
}

module attributes {stable_mosaic.version = 14 : i64} {
  func.func @_mm_body(%arg0: i32, %arg1: memref<1024x128xf32, #tpu.memory_space<vmem>>, %arg2: memref<128x128xf32, #tpu.memory_space<vmem>>, %arg3: memref<1024x128xf32, #tpu.memory_space<vmem>>) attributes {dimension_semantics = [#tpu.dimension_semantics<arbitrary>], iteration_bounds = array<i64: 10>, scalar_prefetch = 0 : i64, scratch_operands = 0 : i64, tpu.core_type = #tpu.core_type<tc>, window_params = [{transform_indices = @transform_0, window_bounds = array<i64: 1024, 128>}, {pipeline_mode = #tpu.pipeline_mode<synchronous>, transform_indices = @transform_1, window_bounds = array<i64: 128, 128>}, {transform_indices = @transform_2, window_bounds = array<i64: 1024, 128>}]} {
    %get3A = arith.constant 0 : index
    %get3A_0 = arith.constant 0 : index
    %get3A_1 = vector.load %arg1[%get3A, %get3A_0] : memref<1024x128xf32, #tpu.memory_space<vmem>>, vector<1024x128xf32>
    %get3A_2 = arith.constant 0 : index
    %get3A_3 = arith.constant 0 : index
    %get3A_4 = vector.load %arg2[%get3A_2, %get3A_3] : memref<128x128xf32, #tpu.memory_space<vmem>>, vector<128x128xf32>
    %dot_general3A = arith.constant dense<0.000000e+00> : vector<1024x128xf32>
    %dot_general3A_5 = tpu.matmul %get3A_1, %get3A_4, %dot_general3A {dimension_numbers = #tpu.dot_dimension_numbers<[1], [0], [0], [1], [0, 0, 1, 1], [], []>, transpose_lhs_hint = false} : vector<1024x128xf32>, vector<128x128xf32>, vector<1024x128xf32> -> vector<1024x128xf32>
    %swap3A = arith.constant 0 : index
    %swap3A_6 = arith.constant 0 : index
    %swap3A_7 = vector.load %arg3[%swap3A, %swap3A_6] : memref<1024x128xf32, #tpu.memory_space<vmem>>, vector<1024x128xf32>
    tpu.vector_store %arg3[%swap3A, %swap3A_6], %dot_general3A_5 {strides = array<i32>} : memref<1024x128xf32, #tpu.memory_space<vmem>>, vector<1024x128xf32>,
    return
  }
  func.func @transform_0(%arg0: i32) -> (i32, i32) {
    %c0_i32 = arith.constant 0 : i32
    %c0_i32_0 = arith.constant 0 : i32
    return %arg0, %c0_i32 : i32, i32
  }
  func.func @transform_1(%arg0: i32) -> (i32, i32) {
    %c0_i32 = arith.constant 0 : i32
    %c0_i32_0 = arith.constant 0 : i32
    %c0_i32_1 = arith.constant 0 : i32
    return %c0_i32, %c0_i32_0 : i32, i32
  }
  func.func @transform_2(%arg0: i32) -> (i32, i32) {
    %c0_i32 = arith.constant 0 : i32
    %c0_i32_0 = arith.constant 0 : i32
    return %arg0, %c0_i32 : i32, i32
  }
}

module attributes {stable_mosaic.version = 14 : i64} {
  func.func @_scale_body(%arg0: i32, %arg1: memref<1024x128xf32, #tpu.memory_space<vmem>>, %arg2: memref<2x1024x16xf32, #tpu.memory_space<vmem>>, %arg3: memref<2x1024x64xf32, #tpu.memory_space<vmem>>) attributes {dimension_semantics = [#tpu.dimension_semantics<arbitrary>], iteration_bounds = array<i64: 10>, scalar_prefetch = 0 : i64, scratch_operands = 0 : i64, tpu.core_type = #tpu.core_type<tc>, window_params = [{transform_indices = @transform_0, window_bounds = array<i64: 1024, 128>}, {transform_indices = @transform_1, window_bounds = array<i64: 2, 1024, 16>}, {transform_indices = @transform_2, window_bounds = array<i64: 2, 1024, 64>}]} {
    %get3A = arith.constant 0 : index
    %get3A_0 = arith.constant 0 : index
    %get3A_1 = arith.constant 0 : index
    %get3A_2 = vector.load %arg2[%get3A, %get3A_0, %get3A_1] : memref<2x1024x16xf32, #tpu.memory_space<vmem>>, vector<1x1024x16xf32>
    %get3A_3 = vector.shape_cast %get3A_2 : vector<1x1024x16xf32> to vector<1024x16xf32>
    %get3A_4 = arith.constant 1 : index
    %get3A_5 = arith.constant 0 : index
    %get3A_6 = arith.constant 0 : index
    %get3A_7 = vector.load %arg2[%get3A_4, %get3A_5, %get3A_6] : memref<2x1024x16xf32, #tpu.memory_space<vmem>>, vector<1x1024x16xf32>
    %get3A_8 = vector.shape_cast %get3A_7 : vector<1x1024x16xf32> to vector<1024x16xf32>
    %slice3A = vector.extract_strided_slice %get3A_3 {offsets = [0, 0], sizes = [1024, 1], strides = [1, 1]} : vector<1024x16xf32> to vector<1024x1xf32>
    %slice3A_9 = vector.extract_strided_slice %get3A_8 {offsets = [0, 0], sizes = [1024, 1], strides = [1, 1]} : vector<1024x16xf32> to vector<1024x1xf32>
    %add3A = arith.addf %slice3A, %slice3A_9 : vector<1024x1xf32>
    %add3A_10 = arith.constant 1.000000e+00 : f32
    %add3A_11 = vector.broadcast %add3A_10 : f32 to vector<1024x1xf32>
    %add3A_12 = arith.addf %add3A, %add3A_11 : vector<1024x1xf32>
    %rsqrt3A = math.rsqrt %add3A_12 : vector<1024x1xf32>
    %get3A_13 = arith.constant 0 : index
    %get3A_14 = arith.constant 0 : index
    %get3A_15 = vector.load %arg1[%get3A_13, %get3A_14] : memref<1024x128xf32, #tpu.memory_space<vmem>>, vector<1024x128xf32>
    %mul3A = vector.broadcast %rsqrt3A : vector<1024x1xf32> to vector<1024x128xf32>
    %mul3A_16 = arith.mulf %get3A_15, %mul3A : vector<1024x128xf32>
    %slice3A_17 = vector.extract_strided_slice %mul3A_16 {offsets = [0, 0], sizes = [1024, 64], strides = [1, 1]} : vector<1024x128xf32> to vector<1024x64xf32>
    %swap3A = arith.constant 0 : index
    %swap3A_18 = arith.constant 0 : index
    %swap3A_19 = arith.constant 0 : index
    %swap3A_20 = vector.load %arg3[%swap3A, %swap3A_18, %swap3A_19] : memref<2x1024x64xf32, #tpu.memory_space<vmem>>, vector<1x1024x64xf32>
    %swap3A_21 = vector.shape_cast %swap3A_20 : vector<1x1024x64xf32> to vector<1024x64xf32>
    %swap3A_22 = vector.shape_cast %slice3A_17 : vector<1024x64xf32> to vector<1x1024x64xf32>
    tpu.vector_store %arg3[%swap3A, %swap3A_18, %swap3A_19], %swap3A_22 {strides = array<i32>} : memref<2x1024x64xf32, #tpu.memory_space<vmem>>, vector<1x1024x64xf32>,
    %slice3A_23 = vector.extract_strided_slice %mul3A_16 {offsets = [0, 64], sizes = [1024, 64], strides = [1, 1]} : vector<1024x128xf32> to vector<1024x64xf32>
    %swap3A_24 = arith.constant 1 : index
    %swap3A_25 = arith.constant 0 : index
    %swap3A_26 = arith.constant 0 : index
    %swap3A_27 = vector.load %arg3[%swap3A_24, %swap3A_25, %swap3A_26] : memref<2x1024x64xf32, #tpu.memory_space<vmem>>, vector<1x1024x64xf32>
    %swap3A_28 = vector.shape_cast %swap3A_27 : vector<1x1024x64xf32> to vector<1024x64xf32>
    %swap3A_29 = vector.shape_cast %slice3A_23 : vector<1024x64xf32> to vector<1x1024x64xf32>
    tpu.vector_store %arg3[%swap3A_24, %swap3A_25, %swap3A_26], %swap3A_29 {strides = array<i32>} : memref<2x1024x64xf32, #tpu.memory_space<vmem>>, vector<1x1024x64xf32>,
    return
  }
  func.func @transform_0(%arg0: i32) -> (i32, i32) {
    %c0_i32 = arith.constant 0 : i32
    %c0_i32_0 = arith.constant 0 : i32
    return %arg0, %c0_i32 : i32, i32
  }
  func.func @transform_1(%arg0: i32) -> (i32, i32, i32) {
    %c0_i32 = arith.constant 0 : i32
    %c0_i32_0 = arith.constant 0 : i32
    %c0_i32_1 = arith.constant 0 : i32
    return %c0_i32, %arg0, %c0_i32_0 : i32, i32, i32
  }
  func.func @transform_2(%arg0: i32) -> (i32, i32, i32) {
    %c0_i32 = arith.constant 0 : i32
    %c0_i32_0 = arith.constant 0 : i32
    %c0_i32_1 = arith.constant 0 : i32
    return %c0_i32, %arg0, %c0_i32_0 : i32, i32, i32
  }
}

module attributes {stable_mosaic.version = 14 : i64} {
  func.func @_dense2_body(%arg0: i32, %arg1: memref<2x1024x64xf32, #tpu.memory_space<vmem>>, %arg2: memref<2x1024x64xf32, #tpu.memory_space<vmem>>, %arg3: memref<2x1024x16xf32, #tpu.memory_space<vmem>>, %arg4: memref<1x128xf32, #tpu.memory_space<vmem>>, %arg5: memref<128x16xf32, #tpu.memory_space<vmem>>, %arg6: memref<1024x16xf32, #tpu.memory_space<vmem>>) attributes {dimension_semantics = [#tpu.dimension_semantics<arbitrary>], iteration_bounds = array<i64: 10>, scalar_prefetch = 0 : i64, scratch_operands = 0 : i64, tpu.core_type = #tpu.core_type<tc>, window_params = [{transform_indices = @transform_0, window_bounds = array<i64: 2, 1024, 64>}, {transform_indices = @transform_1, window_bounds = array<i64: 2, 1024, 64>}, {transform_indices = @transform_2, window_bounds = array<i64: 2, 1024, 16>}, {pipeline_mode = #tpu.pipeline_mode<synchronous>, transform_indices = @transform_3, window_bounds = array<i64: 1, 128>}, {pipeline_mode = #tpu.pipeline_mode<synchronous>, transform_indices = @transform_4, window_bounds = array<i64: 128, 16>}, {transform_indices = @transform_5, window_bounds = array<i64: 1024, 16>}]} {
    %get3A = arith.constant 0 : index
    %get3A_0 = arith.constant 0 : index
    %get3A_1 = arith.constant 0 : index
    %get3A_2 = vector.load %arg3[%get3A, %get3A_0, %get3A_1] : memref<2x1024x16xf32, #tpu.memory_space<vmem>>, vector<1x1024x16xf32>
    %get3A_3 = vector.shape_cast %get3A_2 : vector<1x1024x16xf32> to vector<1024x16xf32>
    %get3A_4 = arith.constant 1 : index
    %get3A_5 = arith.constant 0 : index
    %get3A_6 = arith.constant 0 : index
    %get3A_7 = vector.load %arg3[%get3A_4, %get3A_5, %get3A_6] : memref<2x1024x16xf32, #tpu.memory_space<vmem>>, vector<1x1024x16xf32>
    %get3A_8 = vector.shape_cast %get3A_7 : vector<1x1024x16xf32> to vector<1024x16xf32>
    %slice3A = vector.extract_strided_slice %get3A_3 {offsets = [0, 0], sizes = [1024, 1], strides = [1, 1]} : vector<1024x16xf32> to vector<1024x1xf32>
    %slice3A_9 = vector.extract_strided_slice %get3A_8 {offsets = [0, 0], sizes = [1024, 1], strides = [1, 1]} : vector<1024x16xf32> to vector<1024x1xf32>
    %add3A = arith.addf %slice3A, %slice3A_9 : vector<1024x1xf32>
    %add3A_10 = arith.constant 1.000000e+00 : f32
    %add3A_11 = vector.broadcast %add3A_10 : f32 to vector<1024x1xf32>
    %add3A_12 = arith.addf %add3A, %add3A_11 : vector<1024x1xf32>
    %rsqrt3A = math.rsqrt %add3A_12 : vector<1024x1xf32>
    %get3A_13 = arith.constant 0 : index
    %get3A_14 = arith.constant 0 : index
    %get3A_15 = arith.constant 0 : index
    %get3A_16 = vector.load %arg1[%get3A_13, %get3A_14, %get3A_15] : memref<2x1024x64xf32, #tpu.memory_space<vmem>>, vector<1x1024x64xf32>
    %get3A_17 = vector.shape_cast %get3A_16 : vector<1x1024x64xf32> to vector<1024x64xf32>
    %get3A_18 = arith.constant 0 : index
    %get3A_19 = arith.constant 0 : index
    %get3A_20 = arith.constant 0 : index
    %get3A_21 = vector.load %arg2[%get3A_18, %get3A_19, %get3A_20] : memref<2x1024x64xf32, #tpu.memory_space<vmem>>, vector<1x1024x64xf32>
    %get3A_22 = vector.shape_cast %get3A_21 : vector<1x1024x64xf32> to vector<1024x64xf32>
    %add3A_23 = arith.addf %get3A_17, %get3A_22 : vector<1024x64xf32>
    %get3A_24 = arith.constant 1 : index
    %get3A_25 = arith.constant 0 : index
    %get3A_26 = arith.constant 0 : index
    %get3A_27 = vector.load %arg1[%get3A_24, %get3A_25, %get3A_26] : memref<2x1024x64xf32, #tpu.memory_space<vmem>>, vector<1x1024x64xf32>
    %get3A_28 = vector.shape_cast %get3A_27 : vector<1x1024x64xf32> to vector<1024x64xf32>
    %get3A_29 = arith.constant 1 : index
    %get3A_30 = arith.constant 0 : index
    %get3A_31 = arith.constant 0 : index
    %get3A_32 = vector.load %arg2[%get3A_29, %get3A_30, %get3A_31] : memref<2x1024x64xf32, #tpu.memory_space<vmem>>, vector<1x1024x64xf32>
    %get3A_33 = vector.shape_cast %get3A_32 : vector<1x1024x64xf32> to vector<1024x64xf32>
    %add3A_34 = arith.addf %get3A_28, %get3A_33 : vector<1024x64xf32>
    %concatenate3A = tpu.concatenate %add3A_23, %add3A_34 in 1 : vector<1024x64xf32>, vector<1024x64xf32> -> vector<1024x128xf32>
    %mul3A = vector.broadcast %rsqrt3A : vector<1024x1xf32> to vector<1024x128xf32>
    %mul3A_35 = arith.mulf %concatenate3A, %mul3A : vector<1024x128xf32>
    %get3A_36 = arith.constant 0 : index
    %get3A_37 = arith.constant 0 : index
    %get3A_38 = vector.load %arg4[%get3A_36, %get3A_37] : memref<1x128xf32, #tpu.memory_space<vmem>>, vector<1x128xf32>
    %add3A_39 = vector.broadcast %get3A_38 : vector<1x128xf32> to vector<1024x128xf32>
    %add3A_40 = arith.addf %mul3A_35, %add3A_39 : vector<1024x128xf32>
    %max3A = arith.constant 0.000000e+00 : f32
    %max3A_41 = vector.broadcast %max3A : f32 to vector<1024x128xf32>
    %max3A_42 = arith.maximumf %add3A_40, %max3A_41 : vector<1024x128xf32>
    %get3A_43 = arith.constant 0 : index
    %get3A_44 = arith.constant 0 : index
    %get3A_45 = vector.load %arg5[%get3A_43, %get3A_44] : memref<128x16xf32, #tpu.memory_space<vmem>>, vector<128x16xf32>
    %dot_general3A = arith.constant dense<0.000000e+00> : vector<1024x16xf32>
    %dot_general3A_46 = tpu.matmul %max3A_42, %get3A_45, %dot_general3A {dimension_numbers = #tpu.dot_dimension_numbers<[1], [0], [0], [1], [0, 0, 1, 1], [], []>, transpose_lhs_hint = false} : vector<1024x128xf32>, vector<128x16xf32>, vector<1024x16xf32> -> vector<1024x16xf32>
    %mul3A_47 = vector.broadcast %rsqrt3A : vector<1024x1xf32> to vector<1024x16xf32>
    %mul3A_48 = arith.mulf %dot_general3A_46, %mul3A_47 : vector<1024x16xf32>
    %swap3A = arith.constant 0 : index
    %swap3A_49 = arith.constant 0 : index
    %swap3A_50 = vector.load %arg6[%swap3A, %swap3A_49] : memref<1024x16xf32, #tpu.memory_space<vmem>>, vector<1024x16xf32>
    tpu.vector_store %arg6[%swap3A, %swap3A_49], %mul3A_48 {strides = array<i32>} : memref<1024x16xf32, #tpu.memory_space<vmem>>, vector<1024x16xf32>,
    return
  }
  func.func @transform_0(%arg0: i32) -> (i32, i32, i32) {
    %c0_i32 = arith.constant 0 : i32
    %c0_i32_0 = arith.constant 0 : i32
    %c0_i32_1 = arith.constant 0 : i32
    return %c0_i32, %arg0, %c0_i32_0 : i32, i32, i32
  }
  func.func @transform_1(%arg0: i32) -> (i32, i32, i32) {
    %c0_i32 = arith.constant 0 : i32
    %c0_i32_0 = arith.constant 0 : i32
    %c0_i32_1 = arith.constant 0 : i32
    return %c0_i32, %arg0, %c0_i32_0 : i32, i32, i32
  }
  func.func @transform_2(%arg0: i32) -> (i32, i32, i32) {
    %c0_i32 = arith.constant 0 : i32
    %c0_i32_0 = arith.constant 0 : i32
    %c0_i32_1 = arith.constant 0 : i32
    return %c0_i32, %arg0, %c0_i32_0 : i32, i32, i32
  }
  func.func @transform_3(%arg0: i32) -> (i32, i32) {
    %c0_i32 = arith.constant 0 : i32
    %c0_i32_0 = arith.constant 0 : i32
    %c0_i32_1 = arith.constant 0 : i32
    return %c0_i32, %c0_i32_0 : i32, i32
  }
  func.func @transform_4(%arg0: i32) -> (i32, i32) {
    %c0_i32 = arith.constant 0 : i32
    %c0_i32_0 = arith.constant 0 : i32
    %c0_i32_1 = arith.constant 0 : i32
    return %c0_i32, %c0_i32_0 : i32, i32
  }
  func.func @transform_5(%arg0: i32) -> (i32, i32) {
    %c0_i32 = arith.constant 0 : i32
    %c0_i32_0 = arith.constant 0 : i32
    return %arg0, %c0_i32 : i32, i32
  }
}

module attributes {stable_mosaic.version = 14 : i64} {
  func.func @_final_body(%arg0: i32, %arg1: memref<2x1024x16xf32, #tpu.memory_space<vmem>>, %arg2: memref<1024x16xf32, #tpu.memory_space<vmem>>, %arg3: memref<2x1024x16xf32, #tpu.memory_space<vmem>>, %arg4: memref<1x16xf32, #tpu.memory_space<vmem>>, %arg5: memref<1024x16xf32, #tpu.memory_space<vmem>>) attributes {dimension_semantics = [#tpu.dimension_semantics<arbitrary>], iteration_bounds = array<i64: 10>, scalar_prefetch = 0 : i64, scratch_operands = 0 : i64, tpu.core_type = #tpu.core_type<tc>, window_params = [{transform_indices = @transform_0, window_bounds = array<i64: 2, 1024, 16>}, {transform_indices = @transform_1, window_bounds = array<i64: 1024, 16>}, {transform_indices = @transform_2, window_bounds = array<i64: 2, 1024, 16>}, {pipeline_mode = #tpu.pipeline_mode<synchronous>, transform_indices = @transform_3, window_bounds = array<i64: 1, 16>}, {transform_indices = @transform_4, window_bounds = array<i64: 1024, 16>}]} {
    %get3A = arith.constant 0 : index
    %get3A_0 = arith.constant 0 : index
    %get3A_1 = arith.constant 0 : index
    %get3A_2 = vector.load %arg3[%get3A, %get3A_0, %get3A_1] : memref<2x1024x16xf32, #tpu.memory_space<vmem>>, vector<1x1024x16xf32>
    %get3A_3 = vector.shape_cast %get3A_2 : vector<1x1024x16xf32> to vector<1024x16xf32>
    %get3A_4 = arith.constant 1 : index
    %get3A_5 = arith.constant 0 : index
    %get3A_6 = arith.constant 0 : index
    %get3A_7 = vector.load %arg3[%get3A_4, %get3A_5, %get3A_6] : memref<2x1024x16xf32, #tpu.memory_space<vmem>>, vector<1x1024x16xf32>
    %get3A_8 = vector.shape_cast %get3A_7 : vector<1x1024x16xf32> to vector<1024x16xf32>
    %slice3A = vector.extract_strided_slice %get3A_3 {offsets = [0, 0], sizes = [1024, 1], strides = [1, 1]} : vector<1024x16xf32> to vector<1024x1xf32>
    %slice3A_9 = vector.extract_strided_slice %get3A_8 {offsets = [0, 0], sizes = [1024, 1], strides = [1, 1]} : vector<1024x16xf32> to vector<1024x1xf32>
    %add3A = arith.addf %slice3A, %slice3A_9 : vector<1024x1xf32>
    %add3A_10 = arith.constant 1.000000e+00 : f32
    %add3A_11 = vector.broadcast %add3A_10 : f32 to vector<1024x1xf32>
    %add3A_12 = arith.addf %add3A, %add3A_11 : vector<1024x1xf32>
    %rsqrt3A = math.rsqrt %add3A_12 : vector<1024x1xf32>
    %get3A_13 = arith.constant 0 : index
    %get3A_14 = arith.constant 0 : index
    %get3A_15 = arith.constant 0 : index
    %get3A_16 = vector.load %arg1[%get3A_13, %get3A_14, %get3A_15] : memref<2x1024x16xf32, #tpu.memory_space<vmem>>, vector<1x1024x16xf32>
    %get3A_17 = vector.shape_cast %get3A_16 : vector<1x1024x16xf32> to vector<1024x16xf32>
    %get3A_18 = arith.constant 1 : index
    %get3A_19 = arith.constant 0 : index
    %get3A_20 = arith.constant 0 : index
    %get3A_21 = vector.load %arg1[%get3A_18, %get3A_19, %get3A_20] : memref<2x1024x16xf32, #tpu.memory_space<vmem>>, vector<1x1024x16xf32>
    %get3A_22 = vector.shape_cast %get3A_21 : vector<1x1024x16xf32> to vector<1024x16xf32>
    %add3A_23 = arith.addf %get3A_17, %get3A_22 : vector<1024x16xf32>
    %get3A_24 = arith.constant 0 : index
    %get3A_25 = arith.constant 0 : index
    %get3A_26 = vector.load %arg2[%get3A_24, %get3A_25] : memref<1024x16xf32, #tpu.memory_space<vmem>>, vector<1024x16xf32>
    %add3A_27 = arith.addf %add3A_23, %get3A_26 : vector<1024x16xf32>
    %mul3A = vector.broadcast %rsqrt3A : vector<1024x1xf32> to vector<1024x16xf32>
    %mul3A_28 = arith.mulf %add3A_27, %mul3A : vector<1024x16xf32>
    %get3A_29 = arith.constant 0 : index
    %get3A_30 = arith.constant 0 : index
    %get3A_31 = vector.load %arg4[%get3A_29, %get3A_30] : memref<1x16xf32, #tpu.memory_space<vmem>>, vector<1x16xf32>
    %add3A_32 = vector.broadcast %get3A_31 : vector<1x16xf32> to vector<1024x16xf32>
    %add3A_33 = arith.addf %mul3A_28, %add3A_32 : vector<1024x16xf32>
    %swap3A = arith.constant 0 : index
    %swap3A_34 = arith.constant 0 : index
    %swap3A_35 = vector.load %arg5[%swap3A, %swap3A_34] : memref<1024x16xf32, #tpu.memory_space<vmem>>, vector<1024x16xf32>
    tpu.vector_store %arg5[%swap3A, %swap3A_34], %add3A_33 {strides = array<i32>} : memref<1024x16xf32, #tpu.memory_space<vmem>>, vector<1024x16xf32>,
    return
  }
  func.func @transform_0(%arg0: i32) -> (i32, i32, i32) {
    %c0_i32 = arith.constant 0 : i32
    %c0_i32_0 = arith.constant 0 : i32
    %c0_i32_1 = arith.constant 0 : i32
    return %c0_i32, %arg0, %c0_i32_0 : i32, i32, i32
  }
  func.func @transform_1(%arg0: i32) -> (i32, i32) {
    %c0_i32 = arith.constant 0 : i32
    %c0_i32_0 = arith.constant 0 : i32
    return %arg0, %c0_i32 : i32, i32
  }
  func.func @transform_2(%arg0: i32) -> (i32, i32, i32) {
    %c0_i32 = arith.constant 0 : i32
    %c0_i32_0 = arith.constant 0 : i32
    %c0_i32_1 = arith.constant 0 : i32
    return %c0_i32, %arg0, %c0_i32_0 : i32, i32, i32
  }
  func.func @transform_3(%arg0: i32) -> (i32, i32) {
    %c0_i32 = arith.constant 0 : i32
    %c0_i32_0 = arith.constant 0 : i32
    %c0_i32_1 = arith.constant 0 : i32
    return %c0_i32, %c0_i32_0 : i32, i32
  }
  func.func @transform_4(%arg0: i32) -> (i32, i32) {
    %c0_i32 = arith.constant 0 : i32
    %c0_i32_0 = arith.constant 0 : i32
    return %arg0, %c0_i32 : i32, i32
  }
}

</mosaic_0001>

<sc_bundles>
// kernel: kernel.12.cloned.1.call-start
scs
__scs_entry_jumppad:
0x0: {  	(pc) =	sbr.rel $0x88, $3  }
0x1: {  	(tag) =	ssettag $0x0;
	lr =	simm.s32 $0x1  }
0x2: {  	[smem:$0x3F9B] =	sst lr;
	_ =	strace $0xD0000000  }
0x3: {  	_ = 	snop  }
0x4: {  	_ = 	snop  }
0x5: {  	_ = 	snop  }
0x6: {  	_ = 	snop  }
0x7: {  	_ = 	snop  }
__scs_overlays_trampoline_lowered:
0x8: {  	[smem:$0x3FAA] =	sst s0  }
0x9: {  	[smem:$0x3FAB] =	sst s1  }
0xa: {  	[smem:$0x3FAC] =	sst s2  }
0xb: {  	[smem:$0x3FAD] =	sst s3  }
0xc: {  	[smem:$0x3FAE] =	sst s4  }
0xd: {  	[smem:$0x3FAF] =	sst s5  }
0xe: {  	[smem:$0x3FB0] =	sst s6  }
0xf: {  	[smem:$0x3FB1] =	sst s7  }
0x10: {  	[smem:$0x3FB2] =	sst s8  }
0x11: {  	[smem:$0x3FB3] =	sst s9;
	s0 =	simm.s32 @!p0 $0x0  }
0x12: {  	s1 =	sld [smem:$0x3F99];
	s0 =	simm.s32 @p0 $0x1  }
0x13: {  	[smem:$0x3FB4] =	sst s0;
	s0 =	simm.s32 @!p1 $0x0  }
0x14: {  	s2 =	sld [smem:$0x3F98];
	s0 =	simm.s32 @p1 $0x1  }
0x15: {  	[smem:$0x3FB5] =	sst s0;
	s0 =	simm.s32 @!p2 $0x0  }
0x16: {  	s3 =	sld [smem:$0x3FDB];
	s0 =	simm.s32 @p2 $0x1  }
0x17: {  	s4 =	simm.s32 $0x1BF5;
	[smem:$0x3FB7] =	sst s0  }
0x18: {  	s0 =	sld [smem:$0x3F9A];
	_ =	swait.ge [sflag:s4], $0x0  }
0x19: {  	s7 =	sld [smem:$0x3F9B]  }
0x1a: {  	s8 =	sadd.s32 $0xFFFFE003, lr  }
0x1b: {  	s9 =	sadd.s32 $0xFFFFFEF7, lr;
	s5 =	simm.s32 $0xFFFFFFFF;
	p2 =	slt.u32 s8, $0xFFFFF086  }
0x1c: {  	p1 =	slt.u32 s9, $0xF7A;
	s5 =	simm.s32 @!p2 $0x0  }
0x1d: {  	s5 =	simm.s32 @p1 $0x1;
	p0 =	seq.s32 s7, s2  }
0x1e: {  	s7 =	smul.u32 @!p0 $0xF7A, s2;
	p2 =	seq.s32 @!p0 s5, $0x0  }
0x1f: {  	s9 =	smul.u32 $0xF7A, s1;
	s8 =	simm.s32 @!p0 $0x1BF5;
	p2 =	por !p2, p0  }
0x20: {  	[sflag:s8] =	ssyncset.s32 @!p0 $0xFFFFF086;
	s6 =	sadd.s32 @!p0 s3, s7;
	s7 =	simm.s32 @!p0 $0x108  }
0x21: {  	s3 =	sadd.s32 s3, s9;
	s6 =	sadd.s32 @!p0 $0x88, s6;
	s7 =	simm.s32 @p2 $0x1082  }
0x22: {  	[simem:s7], [sflag:s8] =	dma.local @!p0 [hbm:s6], $0xF7A  }
0x23: {  	s9 =	sor.u32 $0xD0000000, s2;
	s6 =	simm.s32 $0x108;
	_ =	swait.ge @!p0 [sflag:s8], $0x0  }
0x24: {  	s3 =	sadd.s32 $0x88, s3;
	s6 =	simm.s32 @!p1 $0x1082;
	[sflag:s4] =	ssyncset.s32 $0xFFFFF086  }
0x25: {  	[simem:s6], [sflag:s4] =	dma.local [hbm:s3], $0xF7A  }
0x26: {  	[smem:$0x3F9B] =	sst s1;
	(tag) =	ssettag s2;
	_ =	strace s9  }
0x27: {  	s1 =	sld [smem:$0x3FAB]  }
0x28: {  	s2 =	sld [smem:$0x3FAC]  }
0x29: {  	s4 =	sld [smem:$0x3FAE]  }
0x2a: {  	p0 =	seq.s32 s5, $0x0;
	s5 =	sld [smem:$0x3FAF]  }
0x2b: {  	s6 =	sld [smem:$0x3FB0]  }
0x2c: {  	s7 =	sld [smem:$0x3FB1]  }
0x2d: {  	s3 =	simm.s32 $0x108;
	s8 =	sld [smem:$0x3FB2]  }
0x2e: {  	s3 =	simm.s32 @!p0 $0x1082;
	s9 =	sld [smem:$0x3FB3]  }
0x2f: {  	lr =	sadd.s32 s0, s3;
	s0 =	sld [smem:$0x3FAA]  }
0x30: {  	s3 =	sld [smem:$0x3FAD]  }
0x31: {  	[smem:$0x3FB6] =	sst s10  }
0x32: {  	s10 =	sld [smem:$0x3FB4];
	_ =	sdelay $0x3  }
0x33: {  	p0 =	seq.s32 s10, $0x1;
	s10 =	sld [smem:$0x3FB6];
	_ =	sdelay $0x3  }
0x34: {  	[smem:$0x3FB6] =	sst s10  }
0x35: {  	s10 =	sld [smem:$0x3FB5];
	_ =	sdelay $0x3  }
0x36: {  	p1 =	seq.s32 s10, $0x1;
	s10 =	sld [smem:$0x3FB6];
	_ =	sdelay $0x3  }
0x37: {  	[smem:$0x3FB6] =	sst s10  }
0x38: {  	s10 =	sld [smem:$0x3FB7]  }
0x39: {  	_ = 	snop;
	(pc) =	sbr.ind lr, $3  }
0x3a: {  	_ = 	snop  }
0x3b: {  	_ = 	snop  }
0x3c: {  	p2 =	seq.s32 s10, $0x1;
	s10 =	sld [smem:$0x3FB6]  }
0x3d: {  	_ =	shalt  }
0x3e: {  	_ =	shalt  }
0x3f: {  	_ =	shalt  }
0x40: {  	_ =	shalt  }
0x41: {  	_ =	shalt  }
0x42: {  	_ =	shalt  }
0x43: {  	_ =	shalt  }
0x44: {  	_ =	shalt  }
0x45: {  	_ =	shalt  }
0x46: {  	_ =	shalt  }
0x47: {  	_ =	shalt  }
0x48: {  	_ =	shalt  }
0x49: {  	_ =	shalt  }
0x4a: {  	_ =	shalt  }
0x4b: {  	_ =	shalt  }
0x4c: {  	_ =	shalt  }
0x4d: {  	_ =	shalt  }
0x4e: {  	_ =	shalt  }
0x4f: {  	_ =	shalt  }
0x50: {  	_ =	shalt  }
0x51: {  	_ =	shalt  }
0x52: {  	_ =	shalt  }
0x53: {  	_ =	shalt  }
0x54: {  	_ =	shalt  }
0x55: {  	_ =	shalt  }
0x56: {  	_ =	shalt  }
0x57: {  	_ =	shalt  }
0x58: {  	_ =	shalt  }
0x59: {  	_ =	shalt  }
0x5a: {  	_ =	shalt  }
0x5b: {  	_ =	shalt  }
0x5c: {  	_ =	shalt  }
0x5d: {  	_ =	shalt  }
0x5e: {  	_ =	shalt  }
0x5f: {  	_ =	shalt  }
0x60: {  	_ =	shalt  }
0x61: {  	_ =	shalt  }
0x62: {  	_ =	shalt  }
0x63: {  	_ =	shalt  }
0x64: {  	_ =	shalt  }
0x65: {  	_ =	shalt  }
0x66: {  	_ =	shalt  }
0x67: {  	_ =	shalt  }
0x68: {  	_ =	shalt  }
0x69: {  	_ =	shalt  }
0x6a: {  	_ =	shalt  }
0x6b: {  	_ =	shalt  }
0x6c: {  	_ =	shalt  }
0x6d: {  	_ =	shalt  }
0x6e: {  	_ =	shalt  }
0x6f: {  	_ =	shalt  }
0x70: {  	_ =	shalt  }
0x71: {  	_ =	shalt  }
0x72: {  	_ =	shalt  }
0x73: {  	_ =	shalt  }
0x74: {  	_ =	shalt  }
0x75: {  	_ =	shalt  }
0x76: {  	_ =	shalt  }
0x77: {  	_ =	shalt  }
0x78: {  	_ =	shalt  }
0x79: {  	_ =	shalt  }
0x7a: {  	_ =	shalt  }
0x7b: {  	_ =	shalt  }
0x7c: {  	_ =	shalt  }
0x7d: {  	_ =	shalt  }
0x7e: {  	_ =	shalt  }
0x7f: {  	_ =	shalt  }
0x80: {  	_ =	shalt  }
0x81: {  	_ =	shalt  }
0x82: {  	_ =	shalt  }
0x83: {  	_ =	shalt  }
0x84: {  	_ =	shalt  }
0x85: {  	_ =	shalt  }
0x86: {  	_ =	shalt  }
0x87: {  	_ =	shalt  }
.Lfunc_end0:
.L_simem_size_0:
called_computation.1_lowered:
.L_overlay_start_0:
0x88: {  	s2 =	sld [smem:$0x3FD9]  }
0x89: {  	s3 =	sld [smem:$0x3FFE];
	_ =	sdelay $0x1  }
0x8a: {  	s1 =	srdreg.scid  }
0x8b: {  	s0 =	sand.u32 $0x1, s1  }
0x8c: {  	s16 =	sshll.u32 s0, $0xA;
	s2 =	sadd.s32 s3, s2  }
0x8d: {  	s2 =	sadd.s32 s2, s16  }
0x8e: {  	[smem:$0x3FC2] =	sst s2  }
0x8f: {  	_ = 	snop  }
0x90: {  	(tm) =	ssettm $0x1  }
0x91: {  	s17 =	sld [smem:$0x3FFB];
	_ =	sdelay $0x3  }
0x92: {  	_ =	strace s17  }
0x93: {  	s2 =	sld [smem:$0x3FFC];
	_ =	sdelay $0x3  }
0x94: {  	_ =	strace s2  }
0x95: {  	s2 =	sld [smem:$0x3FFD];
	_ =	sdelay $0x3  }
0x96: {  	_ =	strace s2  }
0x97: {  	_ =	strace $0x8FFFFFFF  }
0x98: {  	s18 =	sld [smem:$0x3FDB];
	_ =	sdelay $0x1  }
0x99: {  	s19 =	simm.s32 $_scs_section_size  }
0x9a: {  	s4 =	simm.s32 $_size__tile_overlayer_lowered;
	s5 =	simm.s32 $_tile_overlayer_lowered  }
0x9b: {  	s22 =	simm.s32 $0x1BFF;
	s21 =	sshll.u32 s5, $0x1;
	s2 =	sadd.s32 s19, s18  }
0x9c: {  	s6 =	simm.s32 $0x0;
	s20 =	sshll.u32 s4, $0x1;
	s4 =	sadd.s32 s21, s2  }
0x9d: {  	[timem:s6], [sflag:s22] =	dma.local [hbm:s4], s20  }
0x9e: {  	_ =	swait.ge [sflag:s22], s20  }
0x9f: {  	s3 =	ssub.s32 $0x0, s20;
	[sflag:s22] =	ssyncset.done $0x0  }
0xa0: {  	[sflag:s22] =	ssyncadd.s32 s3;
	_ =	sdelay $0x1  }
0xa1: {  	s23 =	simm.s32 $0x1B8B  }
0xa2: {  	_ =	swait.ge [sflag:s23], $0x1  }
0xa3: {  	[sflag:s23] =	ssyncset.done $0x0  }
0xa4: {  	s25 =	simm.s32 $0x1B8E;
	s24 =	sld [smem:$0x3FFE];
	[sflag:s23] =	ssyncadd.s32 $0xFFFFFFFF  }
0xa5: {  	s26 =	simm.s32 $execute0_lowered;
	[smem:$0x3FD2] =	sst s25  }
0xa6: {  	s4 =	sshll.u32 s26, $0x1;
	_ =	strace $0x80000049;
	[dreg:$0x1] =	wrdreg $0xFFFFFFFF  }
0xa7: {  	s28 =	simm.s32 $_size_execute0_lowered;
	s2 =	sadd.s32 s2, s4;
	[dreg:$0x0] =	wrdreg $0x0  }
0xa8: {  	s4 =	sshll.u32 s28, $0x1;
	[dreg:$0x2] =	wrdreg s2  }
0xa9: {  	[dreg:$0x3] =	wrdreg s4  }
0xaa: {  	[dreg:$0x4] =	wrdreg $0xC0  }
0xab: {  	_ =	task [dreg:s6], $0x5FFFF  }
0xac: {  	[dreg:$0x1] =	wrdreg $0xFFFFFFFF  }
0xad: {  	[dreg:$0x0] =	wrdreg $0x60  }
0xae: {  	[dreg:$0x2] =	wrdreg s24  }
0xaf: {  	[dreg:$0x3] =	wrdreg $0x140000  }
0xb0: {  	[dreg:$0x4] =	wrdreg $0x9  }
0xb1: {  	_ =	task.clear_ibuf [dreg:s6], $0x5FFFF;
	_ =	strace $0x90000049  }
0xb2: {  	s29 =	simm.s32 $0x9;
	_ =	strace $0x8000004B  }
0xb3: {  	_ =	swait.ge [sflag:s29], $0x1  }
0xb4: {  	[sflag:s29] =	ssyncadd.s32 $0xFFFFFFFF  }
0xb5: {  	_ =	strace $0x9000004B  }
0xb6: {  	_ =	sfence  }
0xb7: {  	s30 =	sld [smem:$0x0];
	_ =	sdelay $0x2  }
0xb8: {  	s31 =	sshll.u32 s1, $0xD;
	s1 =	sshrl.u32 s1, $0x2  }
0xb9: {  	s3 =	sand.u32 $0x4000, s31;
	s1 =	sadd.s32 s1, s30  }
0xba: {  	s0 =	sor.u32 s3, s0;
	s1 =	sshll.u32 s1, $0x11  }
0xbb: {  	s0 =	sor.u32 s1, s0  }
0xbc: {  	s0 =	sadd.s32 $0x8F2B, s0  }
0xbd: {  	[sflag:s0] =	ssyncadd.remote.s32 $0x1  }
0xbe: {  	_ =	sfence.sel $0xFFFF  }
0xbf: {  	[dreg:$0x0] =	wrdreg $0xFFFFFFFF;
	(pc) =	sbr.abs _section_cstart, $3  }
0xc0: {  	[dreg:$0x1] =	wrdreg $0xFFFFFFFF  }
0xc1: {  	_ =	task.clear_ibuf [dreg:s6], $0x2FFFF;
	_ =	strace $0x9FFFFFFF  }
0xc2: {  	(tm) =	ssettm $0x7FFFFFFF  }
0xc3: {  	_ =	shalt  }
tec
execute0_lowered:
.L_overlay_start_1:
0x0: {  	(tag) =	ssettag $0x1  }
0x1: {  	s0 =	rddreg [dreg:$0x0];
	s1 =	srdreg.scid  }
0x2: {  	s2 =	rddreg [dreg:$0x1];
	s10 =	stileid.u32;
	s3 =	simm.s32 $0x0  }
0x3: {  	s12 =	simm.s32 $0xB;
	s14 =	simm.s32 $0x80;
	s15 =	simm.s32 $0xA000  }
0x4: {  	s16 =	simm.s32 $0xC000;
	s18 =	simm.s32 $0xE000;
	s20 =	simm.s32 $0x10000  }
0x5: {  	s22 =	simm.s32 $0x12000;
	s23 =	simm.s32 $0x1;
	s28 =	simm.s32 $0x5  }
0x6: {  	s29 =	simm.s32 $0x6;
	s30 =	simm.s32 $0x7;
	s31 =	simm.s32 $0x8  }
0x7: {  	s17 =	simm.s32 $0x0;
	s1 =	sand.u32 $0x1, s1;
	s5 =	smul.u32 $0xA00, s10  }
0x8: {  	[smem:$0x7FF] =	sst s3;
	s7 =	smul.u32 $0xA000, s10;
	s26 =	sshll.u32 s10, $0x6  }
0x9: {  	s4 =	smul.u32 $0xA0000, s1;
	_ =	strace $0x8000004A;
	s1 =	ssub.s32 $0x2, s1  }
0xa: {  	s9 =	sadd.s32 s5, s0;
	s24 =	sshrl.u32 s7, $0x3;
	s25 =	sshrl.u32 s1, $0x1  }
0xb: {  	s11 =	sadd.s32 s7, s2;
	s6 =	sshrl.u32 s4, $0x3;
	s4 =	sadd.s32 s7, s4  }
0xc: {  	s5 =	sadd.s32 s24, s0;
	s1 =	ssub.s32 s1, s25;
	s7 =	sadd.s32 $0xB000, s9  }
0xd: {  	s11 =	sshrl.u32 s11, $0x3;
	s24 =	simm.s32 $0x2;
	s25 =	simm.s32 $0x3  }
0xe: {  	s8 =	sadd.s32 s6, s0;
	s4 =	sshrl.u32 s4, $0x3;
	s6 =	sadd.s32 $0x1000, s9  }
0xf: {  	s10 =	smax.u32 s1, $0x1;
	s1 =	simm.s32 $0xA;
	s0 =	sadd.s32 s4, s0  }
0x10: {  	s4 =	sadd.s32 $0xEC000, s5;
	s5 =	sor.u32 $0x1C0B, s26;
	s8 =	sadd.s32 $0xC4000, s8  }
0x11: {  	s26 =	simm.s32 $0x4;
	s9 =	sadd.s32 $0x100000, s0;
	s0 =	simm.s32 $0x9  }
.LBB2_1:
0x12: {  	[spmem:s11], [sflag:s5] =	dma.local [hbm:s4], $0x1400  }
0x13: {  	_ =	swait.ge [sflag:s12], $0x1400  }
0x14: {  	[sflag:s12] =	ssyncset.done $0x0  }
0x15: {  	[sflag:s12] =	ssyncadd.s32 $0xFFFFEC00  }
0x16: {  	[tilespmem:s3], [sflag:$0xB] =	stream.linear.gather [hbm4b:s6+s3], $0x5000, $0x38;
	[tilespmem:$0x1E000] =	vst v63  }
0x17: {  	_ =	swait.ge [sflag:s12], $0x5000  }
0x18: {  	[sflag:s12] =	ssyncset.done $0x0  }
0x19: {  	s13 =	simm.s32 $0x5000;
	[sflag:s12] =	ssyncadd.s32 $0xFFFFB000  }
0x1a: {  	[tilespmem:s13], [sflag:$0xB] =	stream.linear.gather [hbm4b:s7+s3], $0x5000, $0x38;
	[tilespmem:$0x1E000] =	vst v63  }
0x1b: {  	_ =	swait.ge [sflag:s12], $0x5000  }
0x1c: {  	[sflag:s12] =	ssyncset.done $0x0  }
0x1d: {  	[sflag:s12] =	ssyncadd.s32 $0xFFFFB000  }
0x1e: {  	[bflag:$0x0] =	sbarrier.arrive $0xFFFF  }
0x1f: {  	[tilespmem:s15], [sflag:$0x1] =	stream.indirect.gather [hbm4b:s8+s14], $0x40, s3, s14, $0xb8;
	[tilespmem:$0x1E000] =	vst v63  }
0x20: {  	_ = 	snop  }
0x21: {  	[tilespmem:s16], [sflag:$0x2] =	stream.indirect.gather [hbm4b:s8+s14], $0x40, s14, s14, $0xb8;
	[tilespmem:$0x1E000] =	vst v63  }
0x22: {  	s21 =	simm.s32 $0x100  }
0x23: {  	[tilespmem:s18], [sflag:$0x3] =	stream.indirect.gather [hbm4b:s8+s14], $0x40, s21, s14, $0xb8;
	[tilespmem:$0x1E000] =	vst v63  }
0x24: {  	s19 =	simm.s32 $0x180  }
0x25: {  	[tilespmem:s20], [sflag:$0x4] =	stream.indirect.gather [hbm4b:s8+s14], $0x40, s19, s14, $0xb8;
	[tilespmem:$0x1E000] =	vst v63  }
0x26: {  	s21 =	simm.s32 $0x200  }
0x27: {  	[tilespmem:s22], [sflag:$0x5] =	stream.indirect.gather [hbm4b:s8+s14], $0x40, s21, s14, $0xb8;
	[tilespmem:$0x1E000] =	vst v63  }
0x28: {  	_ =	swait.ge [sflag:s23], $0x2000  }
0x29: {  	[sflag:s23] =	ssyncset.done $0x0  }
0x2a: {  	s19 =	simm.s32 $0x5000;
	[sflag:s23] =	ssyncadd.s32 $0xFFFFE000  }
0x2b: {  	[spmem:s2] =	stream.indirect.scatter.add.f32 [tilespmem:s15], [sflag:$0x6], $0x40, s19, s14, $0xb8;
	[tilespmem:$0x1E000] =	vst v63  }
0x2c: {  	_ =	swait.ge [sflag:s24], $0x2000  }
0x2d: {  	[sflag:s24] =	ssyncset.done $0x0  }
0x2e: {  	s13 =	simm.s32 $0x5080;
	[sflag:s24] =	ssyncadd.s32 $0xFFFFE000  }
0x2f: {  	[spmem:s2] =	stream.indirect.scatter.add.f32 [tilespmem:s16], [sflag:$0x7], $0x40, s13, s14, $0xb8;
	[tilespmem:$0x1E000] =	vst v63  }
0x30: {  	_ =	swait.ge [sflag:s25], $0x2000  }
0x31: {  	[sflag:s25] =	ssyncset.done $0x0  }
0x32: {  	s21 =	simm.s32 $0x5100;
	[sflag:s25] =	ssyncadd.s32 $0xFFFFE000  }
0x33: {  	[spmem:s2] =	stream.indirect.scatter.add.f32 [tilespmem:s18], [sflag:$0x8], $0x40, s21, s14, $0xb8;
	[tilespmem:$0x1E000] =	vst v63  }
0x34: {  	_ =	swait.ge [sflag:s26], $0x2000  }
0x35: {  	[sflag:s26] =	ssyncset.done $0x0  }
0x36: {  	s13 =	simm.s32 $0x5180;
	[sflag:s26] =	ssyncadd.s32 $0xFFFFE000  }
0x37: {  	[spmem:s2] =	stream.indirect.scatter.add.f32 [tilespmem:s20], [sflag:$0x9], $0x40, s13, s14, $0xb8;
	[tilespmem:$0x1E000] =	vst v63  }
0x38: {  	_ =	swait.ge [sflag:s28], $0x2000  }
0x39: {  	[sflag:s28] =	ssyncset.done $0x0  }
0x3a: {  	s21 =	simm.s32 $0x5200;
	[sflag:s28] =	ssyncadd.s32 $0xFFFFE000  }
0x3b: {  	[spmem:s2] =	stream.indirect.scatter.add.f32 [tilespmem:s22], [sflag:$0xA], $0x40, s21, s14, $0xb8;
	[tilespmem:$0x1E000] =	vst v63  }
0x3c: {  	_ =	swait.ge [sflag:s29], $0x2000  }
0x3d: {  	[sflag:s29] =	ssyncset.done $0x0  }
0x3e: {  	s13 =	simm.s32 $0x280;
	[sflag:s29] =	ssyncadd.s32 $0xFFFFE000  }
0x3f: {  	[tilespmem:s15], [sflag:$0x1] =	stream.indirect.gather [hbm4b:s8+s14], $0x40, s13, s14, $0xb8;
	[tilespmem:$0x1E000] =	vst v63  }
0x40: {  	_ =	swait.ge [sflag:s30], $0x2000  }
0x41: {  	[sflag:s30] =	ssyncset.done $0x0  }
0x42: {  	s21 =	simm.s32 $0x300;
	[sflag:s30] =	ssyncadd.s32 $0xFFFFE000  }
0x43: {  	[tilespmem:s16], [sflag:$0x2] =	stream.indirect.gather [hbm4b:s8+s14], $0x40, s21, s14, $0xb8;
	[tilespmem:$0x1E000] =	vst v63  }
0x44: {  	_ =	swait.ge [sflag:s31], $0x2000  }
0x45: {  	[sflag:s31] =	ssyncset.done $0x0  }
0x46: {  	s13 =	simm.s32 $0x380;
	[sflag:s31] =	ssyncadd.s32 $0xFFFFE000  }
0x47: {  	[tilespmem:s18], [sflag:$0x3] =	stream.indirect.gather [hbm4b:s8+s14], $0x40, s13, s14, $0xb8;
	[tilespmem:$0x1E000] =	vst v63  }
0x48: {  	_ =	swait.ge [sflag:s0], $0x2000  }
0x49: {  	[sflag:s0] =	ssyncset.done $0x0  }
0x4a: {  	s21 =	simm.s32 $0x400;
	[sflag:s0] =	ssyncadd.s32 $0xFFFFE000  }
0x4b: {  	[tilespmem:s20], [sflag:$0x4] =	stream.indirect.gather [hbm4b:s8+s14], $0x40, s21, s14, $0xb8;
	[tilespmem:$0x1E000] =	vst v63  }
0x4c: {  	_ =	swait.ge [sflag:s1], $0x2000  }
0x4d: {  	[sflag:s1] =	ssyncset.done $0x0  }
0x4e: {  	s19 =	simm.s32 $0xA00;
	s21 =	simm.s32 $0x480;
	[sflag:s1] =	ssyncadd.s32 $0xFFFFE000  }
.LBB2_2:
0x4f: {  	[tilespmem:s22], [sflag:$0x5] =	stream.indirect.gather [hbm4b:s8+s14], $0x40, s21, s14, $0xb8;
	[tilespmem:$0x1E000] =	vst v63  }
0x50: {  	s21 =	smov.u32 s19  }
0x51: {  	p0 =	sne.s32 s19, $0x12C00;
	s19 =	sadd.s32 $0xA00, s19;
	_ =	swait.ge [sflag:s23], $0x2000  }
0x52: {  	s21 =	sshra.s32 s21, $0x2;
	[sflag:s23] =	ssyncset.done $0x0  }
0x53: {  	s13 =	sadd.s32 $0x5000, s21;
	[sflag:s23] =	ssyncadd.s32 $0xFFFFE000  }
0x54: {  	[spmem:s2] =	stream.indirect.scatter.add.f32 [tilespmem:s15], [sflag:$0x6], $0x40, s13, s14, $0xb8;
	[tilespmem:$0x1E000] =	vst v63  }
0x55: {  	_ =	swait.ge [sflag:s24], $0x2000  }
0x56: {  	[sflag:s24] =	ssyncset.done $0x0  }
0x57: {  	s13 =	sadd.s32 $0x5080, s21;
	[sflag:s24] =	ssyncadd.s32 $0xFFFFE000  }
0x58: {  	[spmem:s2] =	stream.indirect.scatter.add.f32 [tilespmem:s16], [sflag:$0x7], $0x40, s13, s14, $0xb8;
	[tilespmem:$0x1E000] =	vst v63  }
0x59: {  	_ =	swait.ge [sflag:s25], $0x2000  }
0x5a: {  	[sflag:s25] =	ssyncset.done $0x0  }
0x5b: {  	s13 =	sadd.s32 $0x5100, s21;
	[sflag:s25] =	ssyncadd.s32 $0xFFFFE000  }
0x5c: {  	[spmem:s2] =	stream.indirect.scatter.add.f32 [tilespmem:s18], [sflag:$0x8], $0x40, s13, s14, $0xb8;
	[tilespmem:$0x1E000] =	vst v63  }
0x5d: {  	_ =	swait.ge [sflag:s26], $0x2000  }
0x5e: {  	[sflag:s26] =	ssyncset.done $0x0  }
0x5f: {  	s13 =	sadd.s32 $0x5180, s21;
	[sflag:s26] =	ssyncadd.s32 $0xFFFFE000  }
0x60: {  	[spmem:s2] =	stream.indirect.scatter.add.f32 [tilespmem:s20], [sflag:$0x9], $0x40, s13, s14, $0xb8;
	[tilespmem:$0x1E000] =	vst v63  }
0x61: {  	_ =	swait.ge [sflag:s28], $0x2000  }
0x62: {  	[sflag:s28] =	ssyncset.done $0x0  }
0x63: {  	s13 =	sadd.s32 $0x5200, s21;
	[sflag:s28] =	ssyncadd.s32 $0xFFFFE000  }
0x64: {  	[spmem:s2] =	stream.indirect.scatter.add.f32 [tilespmem:s22], [sflag:$0xA], $0x40, s13, s14, $0xb8;
	[tilespmem:$0x1E000] =	vst v63  }
0x65: {  	_ =	swait.ge [sflag:s29], $0x2000  }
0x66: {  	[sflag:s29] =	ssyncset.done $0x0  }
0x67: {  	s13 =	sadd.s32 $0x280, s21;
	[sflag:s29] =	ssyncadd.s32 $0xFFFFE000  }
0x68: {  	[tilespmem:s15], [sflag:$0x1] =	stream.indirect.gather [hbm4b:s8+s14], $0x40, s13, s14, $0xb8;
	[tilespmem:$0x1E000] =	vst v63  }
0x69: {  	_ =	swait.ge [sflag:s30], $0x2000  }
0x6a: {  	[sflag:s30] =	ssyncset.done $0x0  }
0x6b: {  	s13 =	sadd.s32 $0x300, s21;
	[sflag:s30] =	ssyncadd.s32 $0xFFFFE000  }
0x6c: {  	[tilespmem:s16], [sflag:$0x2] =	stream.indirect.gather [hbm4b:s8+s14], $0x40, s13, s14, $0xb8;
	[tilespmem:$0x1E000] =	vst v63  }
0x6d: {  	_ =	swait.ge [sflag:s31], $0x2000  }
0x6e: {  	[sflag:s31] =	ssyncset.done $0x0  }
0x6f: {  	s13 =	sadd.s32 $0x380, s21;
	[sflag:s31] =	ssyncadd.s32 $0xFFFFE000  }
0x70: {  	[tilespmem:s18], [sflag:$0x3] =	stream.indirect.gather [hbm4b:s8+s14], $0x40, s13, s14, $0xb8;
	[tilespmem:$0x1E000] =	vst v63  }
0x71: {  	_ =	swait.ge [sflag:s0], $0x2000  }
0x72: {  	[sflag:s0] =	ssyncset.done $0x0  }
.Ltmp0:
0x73: {  	s13 =	sadd.s32 $0x400, s21;
	[sflag:s0] =	ssyncadd.s32 $0xFFFFE000;
	(pc) =	sbr.rel @p0 .LBB2_2-.Ltmp0, $4  }
0x74: {  	[tilespmem:s20], [sflag:$0x4] =	stream.indirect.gather [hbm4b:s8+s14], $0x40, s13, s14, $0xb8;
	[tilespmem:$0x1E000] =	vst v63  }
0x75: {  	_ =	swait.ge [sflag:s1], $0x2000  }
0x76: {  	[sflag:s1] =	ssyncset.done $0x0  }
0x77: {  	s21 =	sadd.s32 $0x480, s21;
	[sflag:s1] =	ssyncadd.s32 $0xFFFFE000  }
0x78: {  	[tilespmem:s22], [sflag:$0x5] =	stream.indirect.gather [hbm4b:s8+s14], $0x40, s21, s14, $0xb8;
	[tilespmem:$0x1E000] =	vst v63  }
0x79: {  	_ =	swait.ge [sflag:s23], $0x2000  }
0x7a: {  	[sflag:s23] =	ssyncset.done $0x0  }
0x7b: {  	s13 =	simm.s32 $0x9D80;
	[sflag:s23] =	ssyncadd.s32 $0xFFFFE000  }
0x7c: {  	[spmem:s2] =	stream.indirect.scatter.add.f32 [tilespmem:s15], [sflag:$0x6], $0x40, s13, s14, $0xb8;
	[tilespmem:$0x1E000] =	vst v63  }
0x7d: {  	_ =	swait.ge [sflag:s24], $0x2000  }
0x7e: {  	[sflag:s24] =	ssyncset.done $0x0  }
0x7f: {  	s19 =	simm.s32 $0x9E00;
	[sflag:s24] =	ssyncadd.s32 $0xFFFFE000  }
0x80: {  	[spmem:s2] =	stream.indirect.scatter.add.f32 [tilespmem:s16], [sflag:$0x7], $0x40, s19, s14, $0xb8;
	[tilespmem:$0x1E000] =	vst v63  }
0x81: {  	_ =	swait.ge [sflag:s25], $0x2000  }
0x82: {  	[sflag:s25] =	ssyncset.done $0x0  }
0x83: {  	s21 =	simm.s32 $0x9E80;
	[sflag:s25] =	ssyncadd.s32 $0xFFFFE000  }
0x84: {  	[spmem:s2] =	stream.indirect.scatter.add.f32 [tilespmem:s18], [sflag:$0x8], $0x40, s21, s14, $0xb8;
	[tilespmem:$0x1E000] =	vst v63  }
0x85: {  	_ =	swait.ge [sflag:s26], $0x2000  }
0x86: {  	[sflag:s26] =	ssyncset.done $0x0  }
0x87: {  	s19 =	simm.s32 $0x9F00;
	[sflag:s26] =	ssyncadd.s32 $0xFFFFE000  }
0x88: {  	[spmem:s2] =	stream.indirect.scatter.add.f32 [tilespmem:s20], [sflag:$0x9], $0x40, s19, s14, $0xb8;
	[tilespmem:$0x1E000] =	vst v63  }
0x89: {  	_ =	swait.ge [sflag:s28], $0x2000  }
0x8a: {  	[sflag:s28] =	ssyncset.done $0x0  }
0x8b: {  	s21 =	simm.s32 $0x9F80;
	[sflag:s28] =	ssyncadd.s32 $0xFFFFE000  }
0x8c: {  	[spmem:s2] =	stream.indirect.scatter.add.f32 [tilespmem:s22], [sflag:$0xA], $0x40, s21, s14, $0xb8;
	[tilespmem:$0x1E000] =	vst v63  }
0x8d: {  	_ =	swait.ge [sflag:s29], $0x2000  }
0x8e: {  	[sflag:s29] =	ssyncset.done $0x0  }
0x8f: {  	[sflag:s29] =	ssyncadd.s32 $0xFFFFE000  }
0x90: {  	_ =	swait.ge [sflag:s30], $0x2000  }
0x91: {  	[sflag:s30] =	ssyncset.done $0x0  }
0x92: {  	[sflag:s30] =	ssyncadd.s32 $0xFFFFE000  }
0x93: {  	_ =	swait.ge [sflag:s31], $0x2000  }
0x94: {  	[sflag:s31] =	ssyncset.done $0x0  }
0x95: {  	[sflag:s31] =	ssyncadd.s32 $0xFFFFE000  }
0x96: {  	_ =	swait.ge [sflag:s0], $0x2000  }
0x97: {  	[sflag:s0] =	ssyncset.done $0x0  }
0x98: {  	[sflag:s0] =	ssyncadd.s32 $0xFFFFE000  }
0x99: {  	_ =	swait.ge [sflag:s1], $0x2000  }
0x9a: {  	s17 =	sadd.s32 $0x1, s17;
	[sflag:s1] =	ssyncset.done $0x0  }
0x9b: {  	p0 =	sne.s32 s17, s10;
	[sflag:s1] =	ssyncadd.s32 $0xFFFFE000  }
.Ltmp1:
0x9c: {  	[bflag:$0x0] =	sbarrier.arrive $0xFFFF;
	(pc) =	sbr.rel @p0 .LBB2_1-.Ltmp1, $4  }
0x9d: {  	[hbm:s9], [sflag:s5] =	dma.local [spmem:s11], $0x1400  }
0x9e: {  	_ =	swait.ge [sflag:s12], $0x1400  }
0x9f: {  	[sflag:s12] =	ssyncset.done $0x0  }
0xa0: {  	[sflag:s12] =	ssyncadd.s32 $0xFFFFEC00  }
0xa1: {  	_ =	sfence.sel $0x180000  }
0xa2: {  	[bflag:$0x0] =	sbarrier.arrive $0xFFFF  }
0xa3: {  	_ =	strace $0x9000004A  }
0xa4: {  	s0 =	stileid.u32;
	[bflag:$0x2] =	sbarrier.arrive $0xFFFF  }
0xa5: {  	p0 =	sne.s32 s0, $0x0;
	s0 =	rddreg [dreg:$0x2]  }
0xa6: {  	s0 =	sadd.s32 @!p0 $0x100000, s0  }
0xa7: {  	[sflag:s0] =	ssyncadd.tile.s32 @!p0 $0x1;
	_ =	shalt  }
.Lfunc_end2:
_tile_overlayer_lowered:
.L_overlay_start_2:
0xa8: {  	(tag) =	ssettag $0x2  }
0xa9: {  	s0 =	rddreg [dreg:$0x0];
	s2 =	stileid.u32  }
0xaa: {  	s1 =	rddreg [dreg:$0x1];
	p0 =	sne.s32 s2, $0x0  }
0xab: {  	s3 =	rddreg [dreg:$0x2];
	[bflag:$0x3] =	sbarrier.arrive $0xFFFF;
	s2 =	simm.s32 @!p0 $0x1C0B  }
0xac: {  	[timem:s3], [sflag:s2] =	dma.local @!p0 [hbm:s0], s1  }
0xad: {  	s0 =	simm.s32 @!p0 $0xB  }
0xae: {  	_ =	swait.ge @!p0 [sflag:s0], s1  }
0xaf: {  	s1 =	ssub.s32 @!p0 $0x0, s1;
	[sflag:s0] =	ssyncset.done @!p0 $0x0  }
0xb0: {  	[sflag:s0] =	ssyncadd.s32 @!p0 s1  }
0xb1: {  	[bflag:$0x3] =	sbarrier.arrive $0xFFFF  }
0xb2: {  	_ =	shalt  }

// kernel: kernel.15.cloned.1.call-start
scs
__scs_entry_jumppad:
0x0: {  	(pc) =	sbr.rel $0x88, $3  }
0x1: {  	(tag) =	ssettag $0x0;
	lr =	simm.s32 $0x1  }
0x2: {  	[smem:$0x3F9B] =	sst lr;
	_ =	strace $0xD0000000  }
0x3: {  	_ = 	snop  }
0x4: {  	_ = 	snop  }
0x5: {  	_ = 	snop  }
0x6: {  	_ = 	snop  }
0x7: {  	_ = 	snop  }
__scs_overlays_trampoline_lowered:
0x8: {  	[smem:$0x3FAA] =	sst s0  }
0x9: {  	[smem:$0x3FAB] =	sst s1  }
0xa: {  	[smem:$0x3FAC] =	sst s2  }
0xb: {  	[smem:$0x3FAD] =	sst s3  }
0xc: {  	[smem:$0x3FAE] =	sst s4  }
0xd: {  	[smem:$0x3FAF] =	sst s5  }
0xe: {  	[smem:$0x3FB0] =	sst s6  }
0xf: {  	[smem:$0x3FB1] =	sst s7  }
0x10: {  	[smem:$0x3FB2] =	sst s8  }
0x11: {  	[smem:$0x3FB3] =	sst s9;
	s0 =	simm.s32 @!p0 $0x0  }
0x12: {  	s1 =	sld [smem:$0x3F99];
	s0 =	simm.s32 @p0 $0x1  }
0x13: {  	[smem:$0x3FB4] =	sst s0;
	s0 =	simm.s32 @!p1 $0x0  }
0x14: {  	s2 =	sld [smem:$0x3F98];
	s0 =	simm.s32 @p1 $0x1  }
0x15: {  	[smem:$0x3FB5] =	sst s0;
	s0 =	simm.s32 @!p2 $0x0  }
0x16: {  	s3 =	sld [smem:$0x3FDB];
	s0 =	simm.s32 @p2 $0x1  }
0x17: {  	s4 =	simm.s32 $0x1BF5;
	[smem:$0x3FB7] =	sst s0  }
0x18: {  	s0 =	sld [smem:$0x3F9A];
	_ =	swait.ge [sflag:s4], $0x0  }
0x19: {  	s7 =	sld [smem:$0x3F9B]  }
0x1a: {  	s8 =	sadd.s32 $0xFFFFE003, lr  }
0x1b: {  	s9 =	sadd.s32 $0xFFFFFEF7, lr;
	s5 =	simm.s32 $0xFFFFFFFF;
	p2 =	slt.u32 s8, $0xFFFFF086  }
0x1c: {  	p1 =	slt.u32 s9, $0xF7A;
	s5 =	simm.s32 @!p2 $0x0  }
0x1d: {  	s5 =	simm.s32 @p1 $0x1;
	p0 =	seq.s32 s7, s2  }
0x1e: {  	s7 =	smul.u32 @!p0 $0xF7A, s2;
	p2 =	seq.s32 @!p0 s5, $0x0  }
0x1f: {  	s9 =	smul.u32 $0xF7A, s1;
	s8 =	simm.s32 @!p0 $0x1BF5;
	p2 =	por !p2, p0  }
0x20: {  	[sflag:s8] =	ssyncset.s32 @!p0 $0xFFFFF086;
	s6 =	sadd.s32 @!p0 s3, s7;
	s7 =	simm.s32 @!p0 $0x108  }
0x21: {  	s3 =	sadd.s32 s3, s9;
	s6 =	sadd.s32 @!p0 $0x88, s6;
	s7 =	simm.s32 @p2 $0x1082  }
0x22: {  	[simem:s7], [sflag:s8] =	dma.local @!p0 [hbm:s6], $0xF7A  }
0x23: {  	s9 =	sor.u32 $0xD0000000, s2;
	s6 =	simm.s32 $0x108;
	_ =	swait.ge @!p0 [sflag:s8], $0x0  }
0x24: {  	s3 =	sadd.s32 $0x88, s3;
	s6 =	simm.s32 @!p1 $0x1082;
	[sflag:s4] =	ssyncset.s32 $0xFFFFF086  }
0x25: {  	[simem:s6], [sflag:s4] =	dma.local [hbm:s3], $0xF7A  }
0x26: {  	[smem:$0x3F9B] =	sst s1;
	(tag) =	ssettag s2;
	_ =	strace s9  }
0x27: {  	s1 =	sld [smem:$0x3FAB]  }
0x28: {  	s2 =	sld [smem:$0x3FAC]  }
0x29: {  	s4 =	sld [smem:$0x3FAE]  }
0x2a: {  	p0 =	seq.s32 s5, $0x0;
	s5 =	sld [smem:$0x3FAF]  }
0x2b: {  	s6 =	sld [smem:$0x3FB0]  }
0x2c: {  	s7 =	sld [smem:$0x3FB1]  }
0x2d: {  	s3 =	simm.s32 $0x108;
	s8 =	sld [smem:$0x3FB2]  }
0x2e: {  	s3 =	simm.s32 @!p0 $0x1082;
	s9 =	sld [smem:$0x3FB3]  }
0x2f: {  	lr =	sadd.s32 s0, s3;
	s0 =	sld [smem:$0x3FAA]  }
0x30: {  	s3 =	sld [smem:$0x3FAD]  }
0x31: {  	[smem:$0x3FB6] =	sst s10  }
0x32: {  	s10 =	sld [smem:$0x3FB4];
	_ =	sdelay $0x3  }
0x33: {  	p0 =	seq.s32 s10, $0x1;
	s10 =	sld [smem:$0x3FB6];
	_ =	sdelay $0x3  }
0x34: {  	[smem:$0x3FB6] =	sst s10  }
0x35: {  	s10 =	sld [smem:$0x3FB5];
	_ =	sdelay $0x3  }
0x36: {  	p1 =	seq.s32 s10, $0x1;
	s10 =	sld [smem:$0x3FB6];
	_ =	sdelay $0x3  }
0x37: {  	[smem:$0x3FB6] =	sst s10  }
0x38: {  	s10 =	sld [smem:$0x3FB7]  }
0x39: {  	_ = 	snop;
	(pc) =	sbr.ind lr, $3  }
0x3a: {  	_ = 	snop  }
0x3b: {  	_ = 	snop  }
0x3c: {  	p2 =	seq.s32 s10, $0x1;
	s10 =	sld [smem:$0x3FB6]  }
0x3d: {  	_ =	shalt  }
0x3e: {  	_ =	shalt  }
0x3f: {  	_ =	shalt  }
0x40: {  	_ =	shalt  }
0x41: {  	_ =	shalt  }
0x42: {  	_ =	shalt  }
0x43: {  	_ =	shalt  }
0x44: {  	_ =	shalt  }
0x45: {  	_ =	shalt  }
0x46: {  	_ =	shalt  }
0x47: {  	_ =	shalt  }
0x48: {  	_ =	shalt  }
0x49: {  	_ =	shalt  }
0x4a: {  	_ =	shalt  }
0x4b: {  	_ =	shalt  }
0x4c: {  	_ =	shalt  }
0x4d: {  	_ =	shalt  }
0x4e: {  	_ =	shalt  }
0x4f: {  	_ =	shalt  }
0x50: {  	_ =	shalt  }
0x51: {  	_ =	shalt  }
0x52: {  	_ =	shalt  }
0x53: {  	_ =	shalt  }
0x54: {  	_ =	shalt  }
0x55: {  	_ =	shalt  }
0x56: {  	_ =	shalt  }
0x57: {  	_ =	shalt  }
0x58: {  	_ =	shalt  }
0x59: {  	_ =	shalt  }
0x5a: {  	_ =	shalt  }
0x5b: {  	_ =	shalt  }
0x5c: {  	_ =	shalt  }
0x5d: {  	_ =	shalt  }
0x5e: {  	_ =	shalt  }
0x5f: {  	_ =	shalt  }
0x60: {  	_ =	shalt  }
0x61: {  	_ =	shalt  }
0x62: {  	_ =	shalt  }
0x63: {  	_ =	shalt  }
0x64: {  	_ =	shalt  }
0x65: {  	_ =	shalt  }
0x66: {  	_ =	shalt  }
0x67: {  	_ =	shalt  }
0x68: {  	_ =	shalt  }
0x69: {  	_ =	shalt  }
0x6a: {  	_ =	shalt  }
0x6b: {  	_ =	shalt  }
0x6c: {  	_ =	shalt  }
0x6d: {  	_ =	shalt  }
0x6e: {  	_ =	shalt  }
0x6f: {  	_ =	shalt  }
0x70: {  	_ =	shalt  }
0x71: {  	_ =	shalt  }
0x72: {  	_ =	shalt  }
0x73: {  	_ =	shalt  }
0x74: {  	_ =	shalt  }
0x75: {  	_ =	shalt  }
0x76: {  	_ =	shalt  }
0x77: {  	_ =	shalt  }
0x78: {  	_ =	shalt  }
0x79: {  	_ =	shalt  }
0x7a: {  	_ =	shalt  }
0x7b: {  	_ =	shalt  }
0x7c: {  	_ =	shalt  }
0x7d: {  	_ =	shalt  }
0x7e: {  	_ =	shalt  }
0x7f: {  	_ =	shalt  }
0x80: {  	_ =	shalt  }
0x81: {  	_ =	shalt  }
0x82: {  	_ =	shalt  }
0x83: {  	_ =	shalt  }
0x84: {  	_ =	shalt  }
0x85: {  	_ =	shalt  }
0x86: {  	_ =	shalt  }
0x87: {  	_ =	shalt  }
.Lfunc_end0:
.L_simem_size_0:
called_computation.2_lowered:
.L_overlay_start_0:
0x88: {  	s2 =	sld [smem:$0x3FD9]  }
0x89: {  	s3 =	sld [smem:$0x3FFE];
	_ =	sdelay $0x1  }
0x8a: {  	s1 =	srdreg.scid  }
0x8b: {  	s0 =	sand.u32 $0x1, s1  }
0x8c: {  	s16 =	sshll.u32 s0, $0xA;
	s2 =	sadd.s32 s3, s2  }
0x8d: {  	s2 =	sadd.s32 s2, s16  }
0x8e: {  	[smem:$0x3FC2] =	sst s2  }
0x8f: {  	_ = 	snop  }
0x90: {  	(tm) =	ssettm $0x1  }
0x91: {  	s17 =	sld [smem:$0x3FFB];
	_ =	sdelay $0x3  }
0x92: {  	_ =	strace s17  }
0x93: {  	s2 =	sld [smem:$0x3FFC];
	_ =	sdelay $0x3  }
0x94: {  	_ =	strace s2  }
0x95: {  	s2 =	sld [smem:$0x3FFD];
	_ =	sdelay $0x3  }
0x96: {  	_ =	strace s2  }
0x97: {  	_ =	strace $0x8FFFFFFF  }
0x98: {  	s18 =	sld [smem:$0x3FDB];
	_ =	sdelay $0x1  }
0x99: {  	s19 =	simm.s32 $_scs_section_size  }
0x9a: {  	s4 =	simm.s32 $_size__tile_overlayer_lowered;
	s5 =	simm.s32 $_tile_overlayer_lowered  }
0x9b: {  	s22 =	simm.s32 $0x1BFF;
	s21 =	sshll.u32 s5, $0x1;
	s2 =	sadd.s32 s19, s18  }
0x9c: {  	s6 =	simm.s32 $0x0;
	s20 =	sshll.u32 s4, $0x1;
	s4 =	sadd.s32 s21, s2  }
0x9d: {  	[timem:s6], [sflag:s22] =	dma.local [hbm:s4], s20  }
0x9e: {  	_ =	swait.ge [sflag:s22], s20  }
0x9f: {  	s3 =	ssub.s32 $0x0, s20;
	[sflag:s22] =	ssyncset.done $0x0  }
0xa0: {  	[sflag:s22] =	ssyncadd.s32 s3;
	_ =	sdelay $0x1  }
0xa1: {  	s23 =	simm.s32 $0x1B8B  }
0xa2: {  	_ =	swait.ge [sflag:s23], $0x1  }
0xa3: {  	[sflag:s23] =	ssyncset.done $0x0  }
0xa4: {  	s25 =	simm.s32 $0x1B8E;
	s24 =	sld [smem:$0x3FFE];
	[sflag:s23] =	ssyncadd.s32 $0xFFFFFFFF  }
0xa5: {  	s26 =	simm.s32 $execute0_lowered;
	[smem:$0x3FD2] =	sst s25  }
0xa6: {  	s4 =	sshll.u32 s26, $0x1;
	_ =	strace $0x8000004C;
	[dreg:$0x1] =	wrdreg $0xFFFFFFFF  }
0xa7: {  	s28 =	simm.s32 $_size_execute0_lowered;
	s2 =	sadd.s32 s2, s4;
	[dreg:$0x0] =	wrdreg $0x0  }
0xa8: {  	s4 =	sshll.u32 s28, $0x1;
	[dreg:$0x2] =	wrdreg s2  }
0xa9: {  	[dreg:$0x3] =	wrdreg s4  }
0xaa: {  	[dreg:$0x4] =	wrdreg $0xC0  }
0xab: {  	_ =	task [dreg:s6], $0x5FFFF  }
0xac: {  	[dreg:$0x1] =	wrdreg $0xFFFFFFFF  }
0xad: {  	[dreg:$0x0] =	wrdreg $0x60  }
0xae: {  	[dreg:$0x2] =	wrdreg s24  }
0xaf: {  	[dreg:$0x3] =	wrdreg $0x90000  }
0xb0: {  	[dreg:$0x4] =	wrdreg $0x9  }
0xb1: {  	_ =	task.clear_ibuf [dreg:s6], $0x5FFFF;
	_ =	strace $0x9000004C  }
0xb2: {  	s29 =	simm.s32 $0x9;
	_ =	strace $0x8000004E  }
0xb3: {  	_ =	swait.ge [sflag:s29], $0x1  }
0xb4: {  	[sflag:s29] =	ssyncadd.s32 $0xFFFFFFFF  }
0xb5: {  	_ =	strace $0x9000004E  }
0xb6: {  	_ =	sfence  }
0xb7: {  	s30 =	sld [smem:$0x0];
	_ =	sdelay $0x2  }
0xb8: {  	s31 =	sshll.u32 s1, $0xD;
	s1 =	sshrl.u32 s1, $0x2  }
0xb9: {  	s3 =	sand.u32 $0x4000, s31;
	s1 =	sadd.s32 s1, s30  }
0xba: {  	s0 =	sor.u32 s3, s0;
	s1 =	sshll.u32 s1, $0x11  }
0xbb: {  	s0 =	sor.u32 s1, s0  }
0xbc: {  	s0 =	sadd.s32 $0x8F2B, s0  }
0xbd: {  	[sflag:s0] =	ssyncadd.remote.s32 $0x1  }
0xbe: {  	_ =	sfence.sel $0xFFFF  }
0xbf: {  	[dreg:$0x0] =	wrdreg $0xFFFFFFFF;
	(pc) =	sbr.abs _section_cstart, $3  }
0xc0: {  	[dreg:$0x1] =	wrdreg $0xFFFFFFFF  }
0xc1: {  	_ =	task.clear_ibuf [dreg:s6], $0x2FFFF;
	_ =	strace $0x9FFFFFFF  }
0xc2: {  	(tm) =	ssettm $0x7FFFFFFF  }
0xc3: {  	_ =	shalt  }
tec
execute0_lowered:
.L_overlay_start_1:
0x0: {  	(tag) =	ssettag $0x1  }
0x1: {  	s0 =	srdreg.scid;
	s3 =	rddreg [dreg:$0x0]  }
0x2: {  	s9 =	stileid.u32;
	s2 =	rddreg [dreg:$0x1]  }
0x3: {  	s4 =	simm.s32 $0x0;
	s14 =	simm.s32 $0x80;
	s15 =	simm.s32 $0x5000  }
0x4: {  	s16 =	simm.s32 $0x5800;
	s18 =	simm.s32 $0x6000;
	s20 =	simm.s32 $0x6800  }
0x5: {  	s22 =	simm.s32 $0x7000;
	s24 =	simm.s32 $0x7800;
	s29 =	simm.s32 $0x8800  }
0x6: {  	s30 =	simm.s32 $0x1;
	s31 =	simm.s32 $0x2;
	s13 =	simm.s32 $0x5  }
0x7: {  	s17 =	simm.s32 $0x6;
	s19 =	simm.s32 $0x7;
	s21 =	simm.s32 $0x8  }
0x8: {  	s23 =	simm.s32 $0x9;
	s28 =	simm.s32 $0xB;
	s10 =	simm.s32 $0x10  }
0x9: {  	s0 =	sand.u32 $0x1, s0;
	s1 =	sshll.u32 s9, $0x1;
	s5 =	smul.u32 $0x2800, s9  }
0xa: {  	[smem:$0x7FF] =	sst s4;
	s4 =	sadd.s32 $0x1A000, s3;
	s25 =	sshll.u32 s9, $0x6  }
0xb: {  	s9 =	simm.s32 $0xF;
	s1 =	sor.u32 s0, s1;
	s6 =	smul.u32 $0x28000, s0  }
0xc: {  	_ =	strace $0x8000004D;
	s0 =	ssub.s32 $0x2, s0;
	s11 =	sor.u32 $0x1C11, s25  }
0xd: {  	s25 =	simm.s32 $0xA;
	s1 =	smul.u32 $0x500, s1;
	s7 =	sshrl.u32 s5, $0x3  }
0xe: {  	s8 =	sshrl.u32 s0, $0x1;
	[dreg:$0x4] =	wrdreg s11;
	s6 =	sadd.s32 s5, s6  }
0xf: {  	s7 =	sadd.s32 s7, s3;
	s0 =	ssub.s32 s0, s8;
	s5 =	sadd.s32 s5, s2  }
0x10: {  	s8 =	simm.s32 $0xE;
	s1 =	sadd.s32 s1, s3;
	s7 =	sadd.s32 $0x15000, s7  }
0x11: {  	s6 =	sshrl.u32 s6, $0x3;
	s0 =	smax.u32 s0, $0x1;
	[dreg:$0x3] =	wrdreg s7  }
0x12: {  	s12 =	sshrl.u32 s5, $0x3;
	s5 =	simm.s32 $0xC;
	[dreg:$0x8] =	wrdreg s0  }
.Ltmp0:
0x13: {  	s26 =	sadd.s32 $0x1000, s1;
	[dreg:$0x9] =	wrdreg s12;
	(pc) =	sbr.rel .LBB2_1-.Ltmp0, $4  }
0x14: {  	s3 =	sadd.s32 s6, s3;
	s1 =	sadd.s32 $0xB000, s1;
	[dreg:$0x5] =	wrdreg s26  }
0x15: {  	s0 =	simm.s32 $0x4;
	s6 =	simm.s32 $0x0;
	[dreg:$0x6] =	wrdreg s1  }
0x16: {  	s7 =	simm.s32 $0xD;
	s3 =	sadd.s32 $0x74000, s3;
	[dreg:$0xa] =	wrdreg s6  }
0x17: {  	s26 =	simm.s32 $0x8000;
	s1 =	simm.s32 $0x3;
	[dreg:$0x7] =	wrdreg s3  }
.LBB2_4:
0x18: {  	_ =	swait.ge [sflag:s25], $0x800  }
0x19: {  	[sflag:s25] =	ssyncset.done $0x0  }
0x1a: {  	[sflag:s25] =	ssyncadd.s32 $0xFFFFF800  }
0x1b: {  	_ =	swait.ge [sflag:s28], $0x800  }
0x1c: {  	[sflag:s28] =	ssyncset.done $0x0  }
0x1d: {  	[sflag:s28] =	ssyncadd.s32 $0xFFFFF800  }
0x1e: {  	_ =	swait.ge [sflag:s5], $0x800  }
0x1f: {  	[sflag:s5] =	ssyncset.done $0x0  }
0x20: {  	[sflag:s5] =	ssyncadd.s32 $0xFFFFF800  }
0x21: {  	_ =	swait.ge [sflag:s7], $0x800  }
0x22: {  	[sflag:s7] =	ssyncset.done $0x0  }
0x23: {  	[sflag:s7] =	ssyncadd.s32 $0xFFFFF800  }
0x24: {  	_ =	swait.ge [sflag:s8], $0x800  }
0x25: {  	[sflag:s8] =	ssyncset.done $0x0  }
0x26: {  	[sflag:s8] =	ssyncadd.s32 $0xFFFFF800  }
0x27: {  	_ =	swait.ge [sflag:s9], $0x800  }
0x28: {  	[sflag:s9] =	ssyncset.done $0x0  }
0x29: {  	[sflag:s9] =	ssyncadd.s32 $0xFFFFF800  }
0x2a: {  	_ =	swait.ge [sflag:s10], $0x800  }
0x2b: {  	[sflag:s10] =	ssyncset.done $0x0  }
0x2c: {  	[sflag:s10] =	ssyncadd.s32 $0xFFFFF800  }
0x2d: {  	[bflag:$0x0] =	sbarrier.arrive $0xFFFF  }
0x2e: {  	s11 =	rddreg [dreg:$0x4]  }
0x2f: {  	s6 =	rddreg [dreg:$0x7]  }
0x30: {  	s12 =	rddreg [dreg:$0x9]  }
0x31: {  	[hbm:s6], [sflag:s11] =	dma.local [spmem:s12], $0x500  }
0x32: {  	s6 =	simm.s32 $0x11  }
0x33: {  	_ =	swait.ge [sflag:s6], $0x500  }
0x34: {  	s3 =	rddreg [dreg:$0xa]  }
0x35: {  	[sflag:s6] =	ssyncset.done $0x0;
	s6 =	rddreg [dreg:$0x8];
	s3 =	sadd.s32 $0x1, s3  }
0x36: {  	p0 =	sne.s32 s3, s6  }
.Ltmp1:
0x37: {  	_ = 	snop;
	(pc) =	sbr.rel @!p0 .LBB2_5-.Ltmp1, $3  }
0x38: {  	_ =	sdelay $0x1  }
0x39: {  	s6 =	simm.s32 $0x11  }
0x3a: {  	[dreg:$0xa] =	wrdreg s3;
	[sflag:s6] =	ssyncadd.s32 $0xFFFFFB00  }
.LBB2_1:
0x3b: {  	s3 =	simm.s32 $0x11;
	s6 =	rddreg [dreg:$0x3]  }
0x3c: {  	[spmem:s12], [sflag:s11] =	dma.local [hbm:s6], $0x500  }
0x3d: {  	_ =	swait.ge [sflag:s3], $0x500  }
0x3e: {  	[sflag:s3] =	ssyncset.done $0x0  }
0x3f: {  	s6 =	simm.s32 $0x0;
	s12 =	rddreg [dreg:$0x5];
	[sflag:s3] =	ssyncadd.s32 $0xFFFFFB00  }
0x40: {  	[tilespmem:s6], [sflag:$0x11] =	stream.linear.gather [hbm4b:s12+s6], $0x2800, $0x38;
	[tilespmem:$0xB800] =	vst v63  }
0x41: {  	_ =	swait.ge [sflag:s3], $0x2800  }
0x42: {  	[sflag:s3] =	ssyncset.done $0x0  }
0x43: {  	s12 =	simm.s32 $0x2800;
	s11 =	rddreg [dreg:$0x6];
	[sflag:s3] =	ssyncadd.s32 $0xFFFFD800  }
0x44: {  	[tilespmem:s12], [sflag:$0x11] =	stream.linear.gather [hbm4b:s11+s6], $0x2800, $0x38;
	[tilespmem:$0xB800] =	vst v63  }
0x45: {  	_ =	swait.ge [sflag:s3], $0x2800  }
0x46: {  	[sflag:s3] =	ssyncset.done $0x0  }
0x47: {  	[sflag:s3] =	ssyncadd.s32 $0xFFFFD800  }
0x48: {  	[bflag:$0x0] =	sbarrier.arrive $0xFFFF  }
0x49: {  	[tilespmem:s15], [sflag:$0x1] =	stream.indirect.gather [hbm4b:s4+s14], $0x10, s6, s14, $0xb8;
	[tilespmem:$0xB800] =	vst v63  }
0x4a: {  	_ = 	snop  }
0x4b: {  	[tilespmem:s16], [sflag:$0x2] =	stream.indirect.gather [hbm4b:s4+s14], $0x10, s14, s14, $0xb8;
	[tilespmem:$0xB800] =	vst v63  }
0x4c: {  	s6 =	simm.s32 $0x100  }
0x4d: {  	[tilespmem:s18], [sflag:$0x3] =	stream.indirect.gather [hbm4b:s4+s14], $0x10, s6, s14, $0xb8;
	[tilespmem:$0xB800] =	vst v63  }
0x4e: {  	s11 =	simm.s32 $0x180  }
0x4f: {  	[tilespmem:s20], [sflag:$0x4] =	stream.indirect.gather [hbm4b:s4+s14], $0x10, s11, s14, $0xb8;
	[tilespmem:$0xB800] =	vst v63  }
0x50: {  	s12 =	simm.s32 $0x200  }
0x51: {  	[tilespmem:s22], [sflag:$0x5] =	stream.indirect.gather [hbm4b:s4+s14], $0x10, s12, s14, $0xb8;
	[tilespmem:$0xB800] =	vst v63  }
0x52: {  	s6 =	simm.s32 $0x280  }
0x53: {  	[tilespmem:s24], [sflag:$0x6] =	stream.indirect.gather [hbm4b:s4+s14], $0x10, s6, s14, $0xb8;
	[tilespmem:$0xB800] =	vst v63  }
0x54: {  	s11 =	simm.s32 $0x300  }
0x55: {  	[tilespmem:s26], [sflag:$0x7] =	stream.indirect.gather [hbm4b:s4+s14], $0x10, s11, s14, $0xb8;
	[tilespmem:$0xB800] =	vst v63  }
0x56: {  	s12 =	simm.s32 $0x380;
	s6 =	simm.s32 $0x0  }
0x57: {  	[tilespmem:s29], [sflag:$0x8] =	stream.indirect.gather [hbm4b:s4+s14], $0x10, s12, s14, $0xb8;
	[tilespmem:$0xB800] =	vst v63  }
.LBB2_2:
0x58: {  	_ =	swait.ge [sflag:s30], $0x800  }
0x59: {  	s11 =	sshra.s32 s6, $0x2;
	[sflag:s30] =	ssyncset.done $0x0  }
0x5a: {  	s12 =	sadd.s32 $0x2800, s11;
	[sflag:s30] =	ssyncadd.s32 $0xFFFFF800  }
0x5b: {  	[spmem:s2] =	stream.indirect.scatter.add.f32 [tilespmem:s15], [sflag:$0x9], $0x10, s12, s14, $0xb8;
	[tilespmem:$0xB800] =	vst v63  }
0x5c: {  	_ =	swait.ge [sflag:s31], $0x800  }
0x5d: {  	[sflag:s31] =	ssyncset.done $0x0  }
0x5e: {  	s3 =	sadd.s32 $0x2880, s11;
	[sflag:s31] =	ssyncadd.s32 $0xFFFFF800  }
0x5f: {  	[spmem:s2] =	stream.indirect.scatter.add.f32 [tilespmem:s16], [sflag:$0xA], $0x10, s3, s14, $0xb8;
	[tilespmem:$0xB800] =	vst v63  }
0x60: {  	_ =	swait.ge [sflag:s1], $0x800  }
0x61: {  	[sflag:s1] =	ssyncset.done $0x0  }
0x62: {  	s3 =	sadd.s32 $0x2900, s11;
	[sflag:s1] =	ssyncadd.s32 $0xFFFFF800  }
0x63: {  	[spmem:s2] =	stream.indirect.scatter.add.f32 [tilespmem:s18], [sflag:$0xB], $0x10, s3, s14, $0xb8;
	[tilespmem:$0xB800] =	vst v63  }
0x64: {  	_ =	swait.ge [sflag:s0], $0x800  }
0x65: {  	[sflag:s0] =	ssyncset.done $0x0  }
0x66: {  	s3 =	sadd.s32 $0x2980, s11;
	[sflag:s0] =	ssyncadd.s32 $0xFFFFF800  }
0x67: {  	[spmem:s2] =	stream.indirect.scatter.add.f32 [tilespmem:s20], [sflag:$0xC], $0x10, s3, s14, $0xb8;
	[tilespmem:$0xB800] =	vst v63  }
0x68: {  	_ =	swait.ge [sflag:s13], $0x800  }
0x69: {  	[sflag:s13] =	ssyncset.done $0x0  }
0x6a: {  	s3 =	sadd.s32 $0x2A00, s11;
	[sflag:s13] =	ssyncadd.s32 $0xFFFFF800  }
0x6b: {  	[spmem:s2] =	stream.indirect.scatter.add.f32 [tilespmem:s22], [sflag:$0xD], $0x10, s3, s14, $0xb8;
	[tilespmem:$0xB800] =	vst v63  }
0x6c: {  	_ =	swait.ge [sflag:s17], $0x800  }
0x6d: {  	[sflag:s17] =	ssyncset.done $0x0  }
0x6e: {  	s3 =	sadd.s32 $0x2A80, s11;
	[sflag:s17] =	ssyncadd.s32 $0xFFFFF800  }
0x6f: {  	[spmem:s2] =	stream.indirect.scatter.add.f32 [tilespmem:s24], [sflag:$0xE], $0x10, s3, s14, $0xb8;
	[tilespmem:$0xB800] =	vst v63  }
0x70: {  	_ =	swait.ge [sflag:s19], $0x800  }
0x71: {  	[sflag:s19] =	ssyncset.done $0x0  }
0x72: {  	s3 =	sadd.s32 $0x2B00, s11;
	[sflag:s19] =	ssyncadd.s32 $0xFFFFF800  }
0x73: {  	[spmem:s2] =	stream.indirect.scatter.add.f32 [tilespmem:s26], [sflag:$0xF], $0x10, s3, s14, $0xb8;
	[tilespmem:$0xB800] =	vst v63  }
0x74: {  	_ =	swait.ge [sflag:s21], $0x800  }
0x75: {  	p0 =	seq.s32 s6, $0x9000;
	[sflag:s21] =	ssyncset.done $0x0  }
.Ltmp2:
0x76: {  	s3 =	sadd.s32 $0x2B80, s11;
	[sflag:s21] =	ssyncadd.s32 $0xFFFFF800;
	(pc) =	sbr.rel @p0 .LBB2_4-.Ltmp2, $4  }
0x77: {  	[spmem:s2] =	stream.indirect.scatter.add.f32 [tilespmem:s29], [sflag:$0x10], $0x10, s3, s14, $0xb8;
	[tilespmem:$0xB800] =	vst v63  }
0x78: {  	_ =	swait.ge [sflag:s23], $0x800  }
0x79: {  	[sflag:s23] =	ssyncset.done $0x0  }
0x7a: {  	[sflag:s23] =	ssyncadd.s32 $0xFFFFF800  }
0x7b: {  	s12 =	sadd.s32 $0x400, s11  }
0x7c: {  	[tilespmem:s15], [sflag:$0x1] =	stream.indirect.gather [hbm4b:s4+s14], $0x10, s12, s14, $0xb8;
	[tilespmem:$0xB800] =	vst v63  }
0x7d: {  	_ =	swait.ge [sflag:s25], $0x800  }
0x7e: {  	[sflag:s25] =	ssyncset.done $0x0  }
0x7f: {  	s3 =	sadd.s32 $0x480, s11;
	[sflag:s25] =	ssyncadd.s32 $0xFFFFF800  }
0x80: {  	[tilespmem:s16], [sflag:$0x2] =	stream.indirect.gather [hbm4b:s4+s14], $0x10, s3, s14, $0xb8;
	[tilespmem:$0xB800] =	vst v63  }
0x81: {  	_ =	swait.ge [sflag:s28], $0x800  }
0x82: {  	[sflag:s28] =	ssyncset.done $0x0  }
0x83: {  	s3 =	sadd.s32 $0x500, s11;
	[sflag:s28] =	ssyncadd.s32 $0xFFFFF800  }
0x84: {  	[tilespmem:s18], [sflag:$0x3] =	stream.indirect.gather [hbm4b:s4+s14], $0x10, s3, s14, $0xb8;
	[tilespmem:$0xB800] =	vst v63  }
0x85: {  	_ =	swait.ge [sflag:s5], $0x800  }
0x86: {  	[sflag:s5] =	ssyncset.done $0x0  }
0x87: {  	s3 =	sadd.s32 $0x580, s11;
	[sflag:s5] =	ssyncadd.s32 $0xFFFFF800  }
0x88: {  	[tilespmem:s20], [sflag:$0x4] =	stream.indirect.gather [hbm4b:s4+s14], $0x10, s3, s14, $0xb8;
	[tilespmem:$0xB800] =	vst v63  }
0x89: {  	_ =	swait.ge [sflag:s7], $0x800  }
0x8a: {  	[sflag:s7] =	ssyncset.done $0x0  }
0x8b: {  	s3 =	sadd.s32 $0x600, s11;
	[sflag:s7] =	ssyncadd.s32 $0xFFFFF800  }
0x8c: {  	[tilespmem:s22], [sflag:$0x5] =	stream.indirect.gather [hbm4b:s4+s14], $0x10, s3, s14, $0xb8;
	[tilespmem:$0xB800] =	vst v63  }
0x8d: {  	_ =	swait.ge [sflag:s8], $0x800  }
0x8e: {  	[sflag:s8] =	ssyncset.done $0x0  }
0x8f: {  	s3 =	sadd.s32 $0x680, s11;
	[sflag:s8] =	ssyncadd.s32 $0xFFFFF800  }
0x90: {  	[tilespmem:s24], [sflag:$0x6] =	stream.indirect.gather [hbm4b:s4+s14], $0x10, s3, s14, $0xb8;
	[tilespmem:$0xB800] =	vst v63  }
0x91: {  	_ =	swait.ge [sflag:s9], $0x800  }
0x92: {  	[sflag:s9] =	ssyncset.done $0x0  }
0x93: {  	s3 =	sadd.s32 $0x700, s11;
	[sflag:s9] =	ssyncadd.s32 $0xFFFFF800  }
0x94: {  	[tilespmem:s26], [sflag:$0x7] =	stream.indirect.gather [hbm4b:s4+s14], $0x10, s3, s14, $0xb8;
	[tilespmem:$0xB800] =	vst v63  }
.Ltmp3:
0x95: {  	_ = 	snop;
	(pc) =	sbr.rel .LBB2_2-.Ltmp3, $4  }
0x96: {  	_ =	swait.ge [sflag:s10], $0x800  }
0x97: {  	[sflag:s10] =	ssyncset.done $0x0  }
0x98: {  	s6 =	sadd.s32 $0x1000, s6;
	s12 =	sadd.s32 $0x780, s11;
	[sflag:s10] =	ssyncadd.s32 $0xFFFFF800  }
0x99: {  	[tilespmem:s29], [sflag:$0x8] =	stream.indirect.gather [hbm4b:s4+s14], $0x10, s12, s14, $0xb8;
	[tilespmem:$0xB800] =	vst v63  }
.LBB2_5:
0x9a: {  	_ =	sfence.sel $0x180000  }
0x9b: {  	[bflag:$0x0] =	sbarrier.arrive $0xFFFF  }
0x9c: {  	_ =	strace $0x9000004D  }
0x9d: {  	s0 =	stileid.u32;
	[bflag:$0x2] =	sbarrier.arrive $0xFFFF  }
0x9e: {  	p0 =	sne.s32 s0, $0x0;
	s0 =	rddreg [dreg:$0x2]  }
0x9f: {  	s0 =	sadd.s32 @!p0 $0x100000, s0  }
0xa0: {  	[sflag:s0] =	ssyncadd.tile.s32 @!p0 $0x1;
	_ =	shalt  }
.Lfunc_end2:
_tile_overlayer_lowered:
.L_overlay_start_2:
0xa1: {  	(tag) =	ssettag $0x2  }
0xa2: {  	s0 =	rddreg [dreg:$0x0];
	s2 =	stileid.u32  }
0xa3: {  	s1 =	rddreg [dreg:$0x1];
	p0 =	sne.s32 s2, $0x0  }
0xa4: {  	s3 =	rddreg [dreg:$0x2];
	[bflag:$0x3] =	sbarrier.arrive $0xFFFF;
	s2 =	simm.s32 @!p0 $0x1C11  }
0xa5: {  	[timem:s3], [sflag:s2] =	dma.local @!p0 [hbm:s0], s1  }
0xa6: {  	s0 =	simm.s32 @!p0 $0x11  }
0xa7: {  	_ =	swait.ge @!p0 [sflag:s0], s1  }
0xa8: {  	s1 =	ssub.s32 @!p0 $0x0, s1;
	[sflag:s0] =	ssyncset.done @!p0 $0x0  }
0xa9: {  	[sflag:s0] =	ssyncadd.s32 @!p0 s1  }
0xaa: {  	[bflag:$0x3] =	sbarrier.arrive $0xFFFF  }
0xab: {  	_ =	shalt  }

// kernel: kernel.9.cloned.1.call-start
scs
__scs_entry_jumppad:
0x0: {  	(pc) =	sbr.rel $0x88, $3  }
0x1: {  	(tag) =	ssettag $0x0;
	lr =	simm.s32 $0x1  }
0x2: {  	[smem:$0x3F9B] =	sst lr;
	_ =	strace $0xD0000000  }
0x3: {  	_ = 	snop  }
0x4: {  	_ = 	snop  }
0x5: {  	_ = 	snop  }
0x6: {  	_ = 	snop  }
0x7: {  	_ = 	snop  }
__scs_overlays_trampoline_lowered:
0x8: {  	[smem:$0x3FAA] =	sst s0  }
0x9: {  	[smem:$0x3FAB] =	sst s1  }
0xa: {  	[smem:$0x3FAC] =	sst s2  }
0xb: {  	[smem:$0x3FAD] =	sst s3  }
0xc: {  	[smem:$0x3FAE] =	sst s4  }
0xd: {  	[smem:$0x3FAF] =	sst s5  }
0xe: {  	[smem:$0x3FB0] =	sst s6  }
0xf: {  	[smem:$0x3FB1] =	sst s7  }
0x10: {  	[smem:$0x3FB2] =	sst s8  }
0x11: {  	[smem:$0x3FB3] =	sst s9;
	s0 =	simm.s32 @!p0 $0x0  }
0x12: {  	s1 =	sld [smem:$0x3F99];
	s0 =	simm.s32 @p0 $0x1  }
0x13: {  	[smem:$0x3FB4] =	sst s0;
	s0 =	simm.s32 @!p1 $0x0  }
0x14: {  	s2 =	sld [smem:$0x3F98];
	s0 =	simm.s32 @p1 $0x1  }
0x15: {  	[smem:$0x3FB5] =	sst s0;
	s0 =	simm.s32 @!p2 $0x0  }
0x16: {  	s3 =	sld [smem:$0x3FDB];
	s0 =	simm.s32 @p2 $0x1  }
0x17: {  	s4 =	simm.s32 $0x1BF5;
	[smem:$0x3FB7] =	sst s0  }
0x18: {  	s0 =	sld [smem:$0x3F9A];
	_ =	swait.ge [sflag:s4], $0x0  }
0x19: {  	s7 =	sld [smem:$0x3F9B]  }
0x1a: {  	s8 =	sadd.s32 $0xFFFFE003, lr  }
0x1b: {  	s9 =	sadd.s32 $0xFFFFFEF7, lr;
	s5 =	simm.s32 $0xFFFFFFFF;
	p2 =	slt.u32 s8, $0xFFFFF086  }
0x1c: {  	p1 =	slt.u32 s9, $0xF7A;
	s5 =	simm.s32 @!p2 $0x0  }
0x1d: {  	s5 =	simm.s32 @p1 $0x1;
	p0 =	seq.s32 s7, s2  }
0x1e: {  	s7 =	smul.u32 @!p0 $0xF7A, s2;
	p2 =	seq.s32 @!p0 s5, $0x0  }
0x1f: {  	s9 =	smul.u32 $0xF7A, s1;
	s8 =	simm.s32 @!p0 $0x1BF5;
	p2 =	por !p2, p0  }
0x20: {  	[sflag:s8] =	ssyncset.s32 @!p0 $0xFFFFF086;
	s6 =	sadd.s32 @!p0 s3, s7;
	s7 =	simm.s32 @!p0 $0x108  }
0x21: {  	s3 =	sadd.s32 s3, s9;
	s6 =	sadd.s32 @!p0 $0x88, s6;
	s7 =	simm.s32 @p2 $0x1082  }
0x22: {  	[simem:s7], [sflag:s8] =	dma.local @!p0 [hbm:s6], $0xF7A  }
0x23: {  	s9 =	sor.u32 $0xD0000000, s2;
	s6 =	simm.s32 $0x108;
	_ =	swait.ge @!p0 [sflag:s8], $0x0  }
0x24: {  	s3 =	sadd.s32 $0x88, s3;
	s6 =	simm.s32 @!p1 $0x1082;
	[sflag:s4] =	ssyncset.s32 $0xFFFFF086  }
0x25: {  	[simem:s6], [sflag:s4] =	dma.local [hbm:s3], $0xF7A  }
0x26: {  	[smem:$0x3F9B] =	sst s1;
	(tag) =	ssettag s2;
	_ =	strace s9  }
0x27: {  	s1 =	sld [smem:$0x3FAB]  }
0x28: {  	s2 =	sld [smem:$0x3FAC]  }
0x29: {  	s4 =	sld [smem:$0x3FAE]  }
0x2a: {  	p0 =	seq.s32 s5, $0x0;
	s5 =	sld [smem:$0x3FAF]  }
0x2b: {  	s6 =	sld [smem:$0x3FB0]  }
0x2c: {  	s7 =	sld [smem:$0x3FB1]  }
0x2d: {  	s3 =	simm.s32 $0x108;
	s8 =	sld [smem:$0x3FB2]  }
0x2e: {  	s3 =	simm.s32 @!p0 $0x1082;
	s9 =	sld [smem:$0x3FB3]  }
0x2f: {  	lr =	sadd.s32 s0, s3;
	s0 =	sld [smem:$0x3FAA]  }
0x30: {  	s3 =	sld [smem:$0x3FAD]  }
0x31: {  	[smem:$0x3FB6] =	sst s10  }
0x32: {  	s10 =	sld [smem:$0x3FB4];
	_ =	sdelay $0x3  }
0x33: {  	p0 =	seq.s32 s10, $0x1;
	s10 =	sld [smem:$0x3FB6];
	_ =	sdelay $0x3  }
0x34: {  	[smem:$0x3FB6] =	sst s10  }
0x35: {  	s10 =	sld [smem:$0x3FB5];
	_ =	sdelay $0x3  }
0x36: {  	p1 =	seq.s32 s10, $0x1;
	s10 =	sld [smem:$0x3FB6];
	_ =	sdelay $0x3  }
0x37: {  	[smem:$0x3FB6] =	sst s10  }
0x38: {  	s10 =	sld [smem:$0x3FB7]  }
0x39: {  	_ = 	snop;
	(pc) =	sbr.ind lr, $3  }
0x3a: {  	_ = 	snop  }
0x3b: {  	_ = 	snop  }
0x3c: {  	p2 =	seq.s32 s10, $0x1;
	s10 =	sld [smem:$0x3FB6]  }
0x3d: {  	_ =	shalt  }
0x3e: {  	_ =	shalt  }
0x3f: {  	_ =	shalt  }
0x40: {  	_ =	shalt  }
0x41: {  	_ =	shalt  }
0x42: {  	_ =	shalt  }
0x43: {  	_ =	shalt  }
0x44: {  	_ =	shalt  }
0x45: {  	_ =	shalt  }
0x46: {  	_ =	shalt  }
0x47: {  	_ =	shalt  }
0x48: {  	_ =	shalt  }
0x49: {  	_ =	shalt  }
0x4a: {  	_ =	shalt  }
0x4b: {  	_ =	shalt  }
0x4c: {  	_ =	shalt  }
0x4d: {  	_ =	shalt  }
0x4e: {  	_ =	shalt  }
0x4f: {  	_ =	shalt  }
0x50: {  	_ =	shalt  }
0x51: {  	_ =	shalt  }
0x52: {  	_ =	shalt  }
0x53: {  	_ =	shalt  }
0x54: {  	_ =	shalt  }
0x55: {  	_ =	shalt  }
0x56: {  	_ =	shalt  }
0x57: {  	_ =	shalt  }
0x58: {  	_ =	shalt  }
0x59: {  	_ =	shalt  }
0x5a: {  	_ =	shalt  }
0x5b: {  	_ =	shalt  }
0x5c: {  	_ =	shalt  }
0x5d: {  	_ =	shalt  }
0x5e: {  	_ =	shalt  }
0x5f: {  	_ =	shalt  }
0x60: {  	_ =	shalt  }
0x61: {  	_ =	shalt  }
0x62: {  	_ =	shalt  }
0x63: {  	_ =	shalt  }
0x64: {  	_ =	shalt  }
0x65: {  	_ =	shalt  }
0x66: {  	_ =	shalt  }
0x67: {  	_ =	shalt  }
0x68: {  	_ =	shalt  }
0x69: {  	_ =	shalt  }
0x6a: {  	_ =	shalt  }
0x6b: {  	_ =	shalt  }
0x6c: {  	_ =	shalt  }
0x6d: {  	_ =	shalt  }
0x6e: {  	_ =	shalt  }
0x6f: {  	_ =	shalt  }
0x70: {  	_ =	shalt  }
0x71: {  	_ =	shalt  }
0x72: {  	_ =	shalt  }
0x73: {  	_ =	shalt  }
0x74: {  	_ =	shalt  }
0x75: {  	_ =	shalt  }
0x76: {  	_ =	shalt  }
0x77: {  	_ =	shalt  }
0x78: {  	_ =	shalt  }
0x79: {  	_ =	shalt  }
0x7a: {  	_ =	shalt  }
0x7b: {  	_ =	shalt  }
0x7c: {  	_ =	shalt  }
0x7d: {  	_ =	shalt  }
0x7e: {  	_ =	shalt  }
0x7f: {  	_ =	shalt  }
0x80: {  	_ =	shalt  }
0x81: {  	_ =	shalt  }
0x82: {  	_ =	shalt  }
0x83: {  	_ =	shalt  }
0x84: {  	_ =	shalt  }
0x85: {  	_ =	shalt  }
0x86: {  	_ =	shalt  }
0x87: {  	_ =	shalt  }
.Lfunc_end0:
.L_simem_size_0:
called_computation_lowered:
.L_overlay_start_0:
0x88: {  	s2 =	sld [smem:$0x3FD9]  }
0x89: {  	s3 =	sld [smem:$0x3FFE];
	_ =	sdelay $0x1  }
0x8a: {  	s1 =	srdreg.scid  }
0x8b: {  	s0 =	sand.u32 $0x1, s1  }
0x8c: {  	s17 =	sshll.u32 s0, $0xA;
	s2 =	sadd.s32 s3, s2  }
0x8d: {  	s2 =	sadd.s32 s2, s17  }
0x8e: {  	[smem:$0x3FC2] =	sst s2  }
0x8f: {  	_ = 	snop  }
0x90: {  	s2 =	sld [smem:$0x3FD0];
	(tm) =	ssettm $0x1  }
0x91: {  	s18 =	sld [smem:$0x3FFB];
	_ =	sdelay $0x3  }
0x92: {  	_ =	strace s18  }
0x93: {  	s3 =	sld [smem:$0x3FFC];
	_ =	sdelay $0x3  }
0x94: {  	_ =	strace s3  }
0x95: {  	s3 =	sld [smem:$0x3FFD];
	_ =	sdelay $0x3  }
0x96: {  	_ =	strace s3  }
0x97: {  	_ =	strace $0x8FFFFFFF  }
0x98: {  	s19 =	sld [smem:$0x3FDB];
	_ =	sdelay $0x1  }
0x99: {  	s4 =	simm.s32 $_scs_section_size  }
0x9a: {  	s5 =	simm.s32 $_size__tile_overlayer_lowered;
	s6 =	simm.s32 $_tile_overlayer_lowered  }
0x9b: {  	s22 =	simm.s32 $0x1BFF;
	s21 =	sshll.u32 s6, $0x1;
	s3 =	sadd.s32 s4, s19  }
0x9c: {  	s7 =	simm.s32 $0x0;
	s20 =	sshll.u32 s5, $0x1;
	s5 =	sadd.s32 s21, s3  }
0x9d: {  	[timem:s7], [sflag:s22] =	dma.local [hbm:s5], s20  }
0x9e: {  	_ =	swait.ge [sflag:s22], s20  }
0x9f: {  	s4 =	ssub.s32 $0x0, s20;
	[sflag:s22] =	ssyncset.done $0x0  }
0xa0: {  	[sflag:s22] =	ssyncadd.s32 s4;
	_ =	sdelay $0x1  }
0xa1: {  	s23 =	simm.s32 $0x1B8B  }
0xa2: {  	_ =	swait.ge [sflag:s23], $0x1  }
0xa3: {  	[sflag:s23] =	ssyncset.done $0x0  }
0xa4: {  	s25 =	simm.s32 $0x1B8E;
	s24 =	sld [smem:$0x3FFE];
	[sflag:s23] =	ssyncadd.s32 $0xFFFFFFFF  }
0xa5: {  	s26 =	simm.s32 $execute0_lowered;
	[smem:$0x3FD2] =	sst s25  }
0xa6: {  	s5 =	sshll.u32 s26, $0x1;
	_ =	strace $0x80000046;
	[dreg:$0x1] =	wrdreg $0xFFFFFFFF  }
0xa7: {  	s28 =	simm.s32 $_size_execute0_lowered;
	s3 =	sadd.s32 s3, s5;
	[dreg:$0x0] =	wrdreg $0x0  }
0xa8: {  	s5 =	sshll.u32 s28, $0x1;
	[dreg:$0x2] =	wrdreg s3  }
0xa9: {  	[dreg:$0x3] =	wrdreg s5  }
0xaa: {  	[dreg:$0x4] =	wrdreg $0xC0  }
0xab: {  	_ =	task [dreg:s7], $0x5FFFF  }
0xac: {  	[dreg:$0x1] =	wrdreg $0xFFFFFFFF  }
0xad: {  	[dreg:$0x0] =	wrdreg $0x60  }
0xae: {  	[dreg:$0x2] =	wrdreg s24  }
0xaf: {  	[dreg:$0x3] =	wrdreg s2  }
0xb0: {  	[dreg:$0x4] =	wrdreg $0x30000  }
0xb1: {  	[dreg:$0x5] =	wrdreg $0x9  }
0xb2: {  	_ =	task.clear_ibuf [dreg:s7], $0x6FFFF;
	_ =	strace $0x90000046  }
0xb3: {  	s29 =	simm.s32 $0x9;
	_ =	strace $0x80000048  }
0xb4: {  	_ =	swait.ge [sflag:s29], $0x1  }
0xb5: {  	[sflag:s29] =	ssyncadd.s32 $0xFFFFFFFF  }
0xb6: {  	_ =	strace $0x90000048  }
0xb7: {  	_ =	sfence  }
0xb8: {  	s30 =	sld [smem:$0x0];
	_ =	sdelay $0x2  }
0xb9: {  	s31 =	sshll.u32 s1, $0xD;
	s1 =	sshrl.u32 s1, $0x2  }
0xba: {  	s3 =	sand.u32 $0x4000, s31;
	s1 =	sadd.s32 s1, s30  }
0xbb: {  	s0 =	sor.u32 s3, s0;
	s1 =	sshll.u32 s1, $0x11  }
0xbc: {  	s0 =	sor.u32 s1, s0  }
0xbd: {  	s0 =	sadd.s32 $0x8F2B, s0  }
0xbe: {  	[sflag:s0] =	ssyncadd.remote.s32 $0x1  }
0xbf: {  	_ =	sfence.sel $0xFFFF  }
0xc0: {  	[dreg:$0x0] =	wrdreg $0xFFFFFFFF;
	(pc) =	sbr.abs _section_cstart, $3  }
0xc1: {  	[dreg:$0x1] =	wrdreg $0xFFFFFFFF  }
0xc2: {  	_ =	task.clear_ibuf [dreg:s7], $0x2FFFF;
	_ =	strace $0x9FFFFFFF  }
0xc3: {  	(tm) =	ssettm $0x7FFFFFFF  }
tec
execute0_lowered:
.L_overlay_start_1:
0x0: {  	(tag) =	ssettag $0x1  }
0x1: {  	s6 =	rddreg [dreg:$0x0]  }
0x2: {  	s1 =	srdreg.scid;
	s2 =	rddreg [dreg:$0x1]  }
0x3: {  	s0 =	stileid.u32;
	s3 =	rddreg [dreg:$0x2]  }
0x4: {  	s4 =	simm.s32 $0x0;
	s13 =	simm.s32 $0x80;
	s14 =	simm.s32 $0x1  }
0x5: {  	s15 =	simm.s32 $0x2;
	s16 =	simm.s32 $0x3;
	s17 =	simm.s32 $0x4  }
0x6: {  	s18 =	simm.s32 $0x5;
	s19 =	simm.s32 $0x6;
	s20 =	simm.s32 $0x7  }
0x7: {  	s21 =	simm.s32 $0x8;
	s22 =	simm.s32 $0x0;
	s5 =	sand.u32 $0x1, s1  }
0x8: {  	s29 =	sshll.u32 s0, $0x1;
	s8 =	smul.u32 $0x2800, s0;
	[smem:$0x7FF] =	sst s4  }
0x9: {  	s31 =	sshll.u32 s0, $0x6;
	s1 =	sor.u32 s5, s29;
	s9 =	smul.u32 $0x28000, s5  }
0xa: {  	s5 =	ssub.s32 $0x2, s5;
	s7 =	smul.u32 $0x500, s1;
	s1 =	rddreg [dreg:$0x3]  }
0xb: {  	_ =	strace $0x80000047;
	s10 =	sshrl.u32 s8, $0x3;
	s30 =	sshrl.u32 s5, $0x1  }
0xc: {  	s12 =	sadd.s32 s8, s3;
	s9 =	sadd.s32 s8, s9;
	s10 =	sadd.s32 s10, s6  }
0xd: {  	s11 =	ssub.s32 s5, s30;
	s7 =	sadd.s32 s7, s6;
	s9 =	sshrl.u32 s9, $0x3  }
0xe: {  	s5 =	sadd.s32 $0x15000, s10;
	s10 =	sshrl.u32 s12, $0x3;
	s12 =	simm.s32 $0x2800  }
0xf: {  	s9 =	sadd.s32 s9, s6;
	s6 =	sor.u32 $0x1C09, s31;
	s7 =	sadd.s32 $0xB000, s7  }
0x10: {  	s8 =	sadd.s32 $0x1A000, s9;
	s9 =	smax.u32 s11, $0x1;
	s11 =	simm.s32 $0x9  }
.LBB2_1:
0x11: {  	[spmem:s10], [sflag:s6] =	dma.local [hbm:s5], $0x500  }
0x12: {  	_ =	swait.ge [sflag:s11], $0x500  }
0x13: {  	[sflag:s11] =	ssyncset.done $0x0  }
0x14: {  	[sflag:s11] =	ssyncadd.s32 $0xFFFFFB00  }
0x15: {  	[tilespmem:s12], [sflag:$0x9] =	stream.linear.gather [hbm4b:s2+s4], $0x800, $0x38;
	[tilespmem:$0x5800] =	vst v63  }
0x16: {  	_ =	swait.ge [sflag:s11], $0x800  }
0x17: {  	[sflag:s11] =	ssyncset.done $0x0  }
0x18: {  	[sflag:s11] =	ssyncadd.s32 $0xFFFFF800  }
0x19: {  	[tilespmem:s4], [sflag:$0x9] =	stream.linear.gather [hbm4b:s7+s4], $0x2800, $0x38;
	[tilespmem:$0x5800] =	vst v63  }
0x1a: {  	_ =	swait.ge [sflag:s11], $0x2800  }
0x1b: {  	[sflag:s11] =	ssyncset.done $0x0  }
0x1c: {  	[sflag:s11] =	ssyncadd.s32 $0xFFFFD800  }
0x1d: {  	s23 =	simm.s32 $0x0;
	[bflag:$0x0] =	sbarrier.arrive $0xFFFF  }
0x1e: {  	[spmem:s3] =	stream.indirect.scatter.add.f32 [tilespmem:s12], [sflag:$0x1], $0x10, s23, s13, $0xb8;
	[tilespmem:$0x5800] =	vst v63  }
0x1f: {  	s24 =	simm.s32 $0x80  }
0x20: {  	[spmem:s3] =	stream.indirect.scatter.add.f32 [tilespmem:s12], [sflag:$0x2], $0x10, s24, s13, $0xb8;
	[tilespmem:$0x5800] =	vst v63  }
0x21: {  	s25 =	simm.s32 $0x100  }
0x22: {  	[spmem:s3] =	stream.indirect.scatter.add.f32 [tilespmem:s12], [sflag:$0x3], $0x10, s25, s13, $0xb8;
	[tilespmem:$0x5800] =	vst v63  }
0x23: {  	s26 =	simm.s32 $0x180  }
0x24: {  	[spmem:s3] =	stream.indirect.scatter.add.f32 [tilespmem:s12], [sflag:$0x4], $0x10, s26, s13, $0xb8;
	[tilespmem:$0x5800] =	vst v63  }
0x25: {  	s28 =	simm.s32 $0x200  }
0x26: {  	[spmem:s3] =	stream.indirect.scatter.add.f32 [tilespmem:s12], [sflag:$0x5], $0x10, s28, s13, $0xb8;
	[tilespmem:$0x5800] =	vst v63  }
0x27: {  	s29 =	simm.s32 $0x280  }
0x28: {  	[spmem:s3] =	stream.indirect.scatter.add.f32 [tilespmem:s12], [sflag:$0x6], $0x10, s29, s13, $0xb8;
	[tilespmem:$0x5800] =	vst v63  }
0x29: {  	s30 =	simm.s32 $0x300  }
0x2a: {  	[spmem:s3] =	stream.indirect.scatter.add.f32 [tilespmem:s12], [sflag:$0x7], $0x10, s30, s13, $0xb8;
	[tilespmem:$0x5800] =	vst v63  }
0x2b: {  	s31 =	simm.s32 $0x380  }
0x2c: {  	[spmem:s3] =	stream.indirect.scatter.add.f32 [tilespmem:s12], [sflag:$0x8], $0x10, s31, s13, $0xb8;
	[tilespmem:$0x5800] =	vst v63  }
0x2d: {  	_ =	swait.ge [sflag:s14], $0x800  }
0x2e: {  	[sflag:s14] =	ssyncset.done $0x0  }
0x2f: {  	[sflag:s14] =	ssyncadd.s32 $0xFFFFF800  }
0x30: {  	_ =	swait.ge [sflag:s15], $0x800  }
0x31: {  	[sflag:s15] =	ssyncset.done $0x0  }
0x32: {  	[sflag:s15] =	ssyncadd.s32 $0xFFFFF800  }
0x33: {  	_ =	swait.ge [sflag:s16], $0x800  }
0x34: {  	[sflag:s16] =	ssyncset.done $0x0  }
0x35: {  	[sflag:s16] =	ssyncadd.s32 $0xFFFFF800  }
0x36: {  	_ =	swait.ge [sflag:s17], $0x800  }
0x37: {  	[sflag:s17] =	ssyncset.done $0x0  }
0x38: {  	[sflag:s17] =	ssyncadd.s32 $0xFFFFF800  }
0x39: {  	_ =	swait.ge [sflag:s18], $0x800  }
0x3a: {  	[sflag:s18] =	ssyncset.done $0x0  }
0x3b: {  	[sflag:s18] =	ssyncadd.s32 $0xFFFFF800  }
0x3c: {  	_ =	swait.ge [sflag:s19], $0x800  }
0x3d: {  	[sflag:s19] =	ssyncset.done $0x0  }
0x3e: {  	[sflag:s19] =	ssyncadd.s32 $0xFFFFF800  }
0x3f: {  	_ =	swait.ge [sflag:s20], $0x800  }
0x40: {  	[sflag:s20] =	ssyncset.done $0x0  }
0x41: {  	[sflag:s20] =	ssyncadd.s32 $0xFFFFF800  }
0x42: {  	_ =	swait.ge [sflag:s21], $0x800  }
0x43: {  	s23 =	simm.s32 $0x1000;
	s25 =	simm.s32 $0x2000;
	[sflag:s21] =	ssyncset.done $0x0  }
.LBB2_2:
0x44: {  	s26 =	sshra.s32 s23, $0x2  }
0x45: {  	[sflag:s21] =	ssyncadd.s32 $0xFFFFF800;
	s23 =	smov.u32 s25;
	s24 =	sadd.s32 $0x1000, s25  }
0x46: {  	[spmem:s3] =	stream.indirect.scatter.add.f32 [tilespmem:s12], [sflag:$0x1], $0x10, s26, s13, $0xb8;
	[tilespmem:$0x5800] =	vst v63  }
0x47: {  	p0 =	sne.s32 s25, $0x9000;
	s25 =	sadd.s32 $0x80, s26  }
0x48: {  	[spmem:s3] =	stream.indirect.scatter.add.f32 [tilespmem:s12], [sflag:$0x2], $0x10, s25, s13, $0xb8;
	[tilespmem:$0x5800] =	vst v63  }
0x49: {  	s25 =	sadd.s32 $0x100, s26  }
0x4a: {  	[spmem:s3] =	stream.indirect.scatter.add.f32 [tilespmem:s12], [sflag:$0x3], $0x10, s25, s13, $0xb8;
	[tilespmem:$0x5800] =	vst v63  }
0x4b: {  	s25 =	sadd.s32 $0x180, s26  }
0x4c: {  	[spmem:s3] =	stream.indirect.scatter.add.f32 [tilespmem:s12], [sflag:$0x4], $0x10, s25, s13, $0xb8;
	[tilespmem:$0x5800] =	vst v63  }
0x4d: {  	s25 =	sadd.s32 $0x200, s26  }
0x4e: {  	[spmem:s3] =	stream.indirect.scatter.add.f32 [tilespmem:s12], [sflag:$0x5], $0x10, s25, s13, $0xb8;
	[tilespmem:$0x5800] =	vst v63  }
0x4f: {  	s25 =	sadd.s32 $0x280, s26  }
0x50: {  	[spmem:s3] =	stream.indirect.scatter.add.f32 [tilespmem:s12], [sflag:$0x6], $0x10, s25, s13, $0xb8;
	[tilespmem:$0x5800] =	vst v63  }
0x51: {  	s25 =	sadd.s32 $0x300, s26  }
0x52: {  	[spmem:s3] =	stream.indirect.scatter.add.f32 [tilespmem:s12], [sflag:$0x7], $0x10, s25, s13, $0xb8;
	[tilespmem:$0x5800] =	vst v63  }
0x53: {  	s25 =	sadd.s32 $0x380, s26  }
0x54: {  	[spmem:s3] =	stream.indirect.scatter.add.f32 [tilespmem:s12], [sflag:$0x8], $0x10, s25, s13, $0xb8;
	[tilespmem:$0x5800] =	vst v63  }
0x55: {  	_ =	swait.ge [sflag:s14], $0x800  }
0x56: {  	[sflag:s14] =	ssyncset.done $0x0  }
0x57: {  	[sflag:s14] =	ssyncadd.s32 $0xFFFFF800  }
0x58: {  	_ =	swait.ge [sflag:s15], $0x800  }
0x59: {  	[sflag:s15] =	ssyncset.done $0x0  }
0x5a: {  	[sflag:s15] =	ssyncadd.s32 $0xFFFFF800  }
0x5b: {  	_ =	swait.ge [sflag:s16], $0x800  }
0x5c: {  	[sflag:s16] =	ssyncset.done $0x0  }
0x5d: {  	[sflag:s16] =	ssyncadd.s32 $0xFFFFF800  }
0x5e: {  	_ =	swait.ge [sflag:s17], $0x800  }
0x5f: {  	[sflag:s17] =	ssyncset.done $0x0  }
0x60: {  	[sflag:s17] =	ssyncadd.s32 $0xFFFFF800  }
0x61: {  	_ =	swait.ge [sflag:s18], $0x800  }
0x62: {  	[sflag:s18] =	ssyncset.done $0x0  }
0x63: {  	[sflag:s18] =	ssyncadd.s32 $0xFFFFF800  }
0x64: {  	_ =	swait.ge [sflag:s19], $0x800  }
0x65: {  	[sflag:s19] =	ssyncset.done $0x0  }
0x66: {  	[sflag:s19] =	ssyncadd.s32 $0xFFFFF800  }
.Ltmp0:
0x67: {  	_ =	swait.ge [sflag:s20], $0x800;
	(pc) =	sbr.rel @p0 .LBB2_2-.Ltmp0, $4  }
0x68: {  	[sflag:s20] =	ssyncset.done $0x0  }
0x69: {  	[sflag:s20] =	ssyncadd.s32 $0xFFFFF800  }
0x6a: {  	_ =	swait.ge [sflag:s21], $0x800  }
0x6b: {  	s25 =	smov.u32 s24;
	[sflag:s21] =	ssyncset.done $0x0  }
0x6c: {  	s23 =	sshra.s32 s23, $0x2;
	[sflag:s21] =	ssyncadd.s32 $0xFFFFF800  }
0x6d: {  	[spmem:s3] =	stream.indirect.scatter.add.f32 [tilespmem:s12], [sflag:$0x1], $0x10, s23, s13, $0xb8;
	[tilespmem:$0x5800] =	vst v63  }
0x6e: {  	s24 =	sadd.s32 $0x80, s23  }
0x6f: {  	[spmem:s3] =	stream.indirect.scatter.add.f32 [tilespmem:s12], [sflag:$0x2], $0x10, s24, s13, $0xb8;
	[tilespmem:$0x5800] =	vst v63  }
0x70: {  	s26 =	sadd.s32 $0x100, s23  }
0x71: {  	[spmem:s3] =	stream.indirect.scatter.add.f32 [tilespmem:s12], [sflag:$0x3], $0x10, s26, s13, $0xb8;
	[tilespmem:$0x5800] =	vst v63  }
0x72: {  	s28 =	sadd.s32 $0x180, s23  }
0x73: {  	[spmem:s3] =	stream.indirect.scatter.add.f32 [tilespmem:s12], [sflag:$0x4], $0x10, s28, s13, $0xb8;
	[tilespmem:$0x5800] =	vst v63  }
0x74: {  	s29 =	sadd.s32 $0x200, s23  }
0x75: {  	[spmem:s3] =	stream.indirect.scatter.add.f32 [tilespmem:s12], [sflag:$0x5], $0x10, s29, s13, $0xb8;
	[tilespmem:$0x5800] =	vst v63  }
0x76: {  	s30 =	sadd.s32 $0x280, s23  }
0x77: {  	[spmem:s3] =	stream.indirect.scatter.add.f32 [tilespmem:s12], [sflag:$0x6], $0x10, s30, s13, $0xb8;
	[tilespmem:$0x5800] =	vst v63  }
0x78: {  	s31 =	sadd.s32 $0x300, s23  }
0x79: {  	[spmem:s3] =	stream.indirect.scatter.add.f32 [tilespmem:s12], [sflag:$0x7], $0x10, s31, s13, $0xb8;
	[tilespmem:$0x5800] =	vst v63  }
0x7a: {  	s23 =	sadd.s32 $0x380, s23  }
0x7b: {  	[spmem:s3] =	stream.indirect.scatter.add.f32 [tilespmem:s12], [sflag:$0x8], $0x10, s23, s13, $0xb8;
	[tilespmem:$0x5800] =	vst v63  }
0x7c: {  	_ =	swait.ge [sflag:s14], $0x800  }
0x7d: {  	[sflag:s14] =	ssyncset.done $0x0  }
0x7e: {  	[sflag:s14] =	ssyncadd.s32 $0xFFFFF800  }
0x7f: {  	_ =	swait.ge [sflag:s15], $0x800  }
0x80: {  	[sflag:s15] =	ssyncset.done $0x0  }
0x81: {  	[sflag:s15] =	ssyncadd.s32 $0xFFFFF800  }
0x82: {  	_ =	swait.ge [sflag:s16], $0x800  }
0x83: {  	[sflag:s16] =	ssyncset.done $0x0  }
0x84: {  	[sflag:s16] =	ssyncadd.s32 $0xFFFFF800  }
0x85: {  	_ =	swait.ge [sflag:s17], $0x800  }
0x86: {  	[sflag:s17] =	ssyncset.done $0x0  }
0x87: {  	[sflag:s17] =	ssyncadd.s32 $0xFFFFF800  }
0x88: {  	_ =	swait.ge [sflag:s18], $0x800  }
0x89: {  	[sflag:s18] =	ssyncset.done $0x0  }
0x8a: {  	[sflag:s18] =	ssyncadd.s32 $0xFFFFF800  }
0x8b: {  	_ =	swait.ge [sflag:s19], $0x800  }
0x8c: {  	[sflag:s19] =	ssyncset.done $0x0  }
0x8d: {  	[sflag:s19] =	ssyncadd.s32 $0xFFFFF800  }
0x8e: {  	_ =	swait.ge [sflag:s20], $0x800  }
0x8f: {  	[sflag:s20] =	ssyncset.done $0x0  }
0x90: {  	[sflag:s20] =	ssyncadd.s32 $0xFFFFF800  }
0x91: {  	_ =	swait.ge [sflag:s21], $0x800  }
0x92: {  	s22 =	sadd.s32 $0x1, s22;
	[sflag:s21] =	ssyncset.done $0x0  }
0x93: {  	p0 =	sne.s32 s22, s9;
	[sflag:s21] =	ssyncadd.s32 $0xFFFFF800  }
.Ltmp1:
0x94: {  	[bflag:$0x0] =	sbarrier.arrive $0xFFFF;
	(pc) =	sbr.rel @p0 .LBB2_1-.Ltmp1, $4  }
0x95: {  	[hbm:s8], [sflag:s6] =	dma.local [spmem:s10], $0x500  }
0x96: {  	_ =	swait.ge [sflag:s11], $0x500  }
0x97: {  	[sflag:s11] =	ssyncset.done $0x0  }
0x98: {  	[sflag:s11] =	ssyncadd.s32 $0xFFFFFB00  }
0x99: {  	_ =	sfence.sel $0x180000  }
0x9a: {  	[bflag:$0x0] =	sbarrier.arrive $0xFFFF  }
0x9b: {  	p0 =	sne.s32 s0, $0x0;
	_ =	strace $0x90000047  }
0x9c: {  	s0 =	sadd.s32 @!p0 $0x100000, s1;
	[bflag:$0x2] =	sbarrier.arrive $0xFFFF  }
0x9d: {  	[sflag:s0] =	ssyncadd.tile.s32 @!p0 $0x1;
	_ =	shalt  }
.Lfunc_end2:
_tile_overlayer_lowered:
.L_overlay_start_2:
0x9e: {  	(tag) =	ssettag $0x2  }
0x9f: {  	s0 =	rddreg [dreg:$0x0];
	s2 =	stileid.u32  }
0xa0: {  	s1 =	rddreg [dreg:$0x1];
	p0 =	sne.s32 s2, $0x0  }
0xa1: {  	s3 =	rddreg [dreg:$0x2];
	[bflag:$0x3] =	sbarrier.arrive $0xFFFF;
	s2 =	simm.s32 @!p0 $0x1C09  }
0xa2: {  	[timem:s3], [sflag:s2] =	dma.local @!p0 [hbm:s0], s1  }
0xa3: {  	s0 =	simm.s32 @!p0 $0x9  }
0xa4: {  	_ =	swait.ge @!p0 [sflag:s0], s1  }
0xa5: {  	s1 =	ssub.s32 @!p0 $0x0, s1;
	[sflag:s0] =	ssyncset.done @!p0 $0x0  }
0xa6: {  	[sflag:s0] =	ssyncadd.s32 @!p0 s1  }
0xa7: {  	[bflag:$0x3] =	sbarrier.arrive $0xFFFF  }
0xa8: {  	_ =	shalt  }

</sc_bundles>
